<compile_context>
chip_gen: v7x
topology: tpu7x:2x2x1
jax: 0.10.2.dev20260603
libtpu: 0.0.44.dev20260713+nightly
codegen_flags: <defaults>
</compile_context>

<pallas_src>
import functools

import jax
import jax.numpy as jnp
from jax import lax
from jax.experimental import pallas as pl
from jax.experimental.pallas import tpu as pltpu
from jax.experimental.pallas import tpu_sc as plsc

N = 10000
NP = 10240
E = 160000
CH = 128
NCHUNK_PAD = 1280
EPAD = NCHUNK_PAD * CH
ROWS_PER_TILE = NP // 16

_MESH = plsc.VectorSubcoreMesh(
    core_axis_name="c", subcore_axis_name="s", num_cores=2, num_subcores=16)



NCHUNK = E // CH


def _pipelined_sweep(tbl, src_loc, n, maxn, rows0, rows1, sem0, sem1,
                     consume0, consume1):
    pltpu.async_copy(tbl.at[src_loc.at[0]], rows0, sem0)

    def body(k, carry):
        c0 = 2 * k
        c1 = c0 + 1

        @pl.when(c0 < n)
        def _():
            pltpu.make_async_copy(tbl.at[src_loc.at[c0]], rows0, sem0).wait()

            @pl.when(c1 < n)
            def _():
                pltpu.async_copy(tbl.at[src_loc.at[c1]], rows1, sem1)

            consume0(c0)

            @pl.when(c1 < n)
            def _():
                pltpu.make_async_copy(tbl.at[src_loc.at[c1]], rows1,
                                      sem1).wait()

                @pl.when(c1 + 1 < n)
                def _():
                    pltpu.async_copy(tbl.at[src_loc.at[c1 + 1]], rows0, sem0)

                consume1(c1)

        return carry

    lax.fori_loop(0, (maxn + 1) // 2, body, 0)


@functools.partial(
    pl.kernel,
    out_type=jax.ShapeDtypeStruct((2, NP, 128), jnp.float32),
    mesh=_MESH,
    scratch_types=[
        pltpu.VMEM((80, CH), jnp.int32),
        pltpu.VMEM((CH, 128), jnp.float32),
        pltpu.VMEM_SHARED((NP + 1, 128), jnp.float32),
    ],
)
def _sc_hist(edges, ones_h, zeros_h, out, idx_loc, ones_v, acc):
    c = lax.axis_index("c")
    s = lax.axis_index("s")
    r0 = s * ROWS_PER_TILE
    pltpu.sync_copy(zeros_h.at[pl.ds(r0, ROWS_PER_TILE)],
                    acc.at[pl.ds(r0, ROWS_PER_TILE)])
    pltpu.sync_copy(ones_h, ones_v)
    pltpu.sync_copy(edges.at[c, pl.ds(s * 80, 80)], idx_loc)
    n = jnp.minimum(80, NCHUNK - s * 80)
    plsc.subcore_barrier()

    def chunk(j, carry):
        pltpu.sync_copy(ones_v, acc.at[idx_loc.at[j]], add=True)
        return carry

    lax.fori_loop(0, n, chunk, 0)
    plsc.subcore_barrier()
    pltpu.sync_copy(acc.at[pl.ds(r0, ROWS_PER_TILE)],
                    out.at[c, pl.ds(r0, ROWS_PER_TILE)])


@functools.partial(
    pl.kernel,
    out_type=jax.ShapeDtypeStruct((2, NP, 128), jnp.float32),
    mesh=_MESH,
    scratch_types=[
        pltpu.VMEM((40, CH), jnp.int32),
        pltpu.VMEM((40, CH), jnp.int32),
        pltpu.VMEM((CH, 128), jnp.float32),
        pltpu.VMEM((CH, 128), jnp.float32),
        pltpu.SemaphoreType.DMA,
        pltpu.SemaphoreType.DMA,
        pltpu.VMEM_SHARED((NP + 1, 128), jnp.float32),
    ],
)
def _sc_spmm256(pflat, src2, dstp, zeros_h, out, src_loc, dst_loc, rows0,
                rows1, sem0, sem1, acc):
    c = lax.axis_index("c")
    s = lax.axis_index("s")
    r0 = s * ROWS_PER_TILE
    pltpu.sync_copy(zeros_h.at[pl.ds(r0, ROWS_PER_TILE)],
                    acc.at[pl.ds(r0, ROWS_PER_TILE)])
    plsc.subcore_barrier()

    def sc0(j):
        pltpu.sync_copy(rows0, acc.at[dst_loc.at[j]], add=True)

    def sc1(j):
        pltpu.sync_copy(rows1, acc.at[dst_loc.at[j]], add=True)

    for half in range(2):
        t0 = s * 80 + half * 40
        pltpu.sync_copy(src2.at[c, pl.ds(t0, 40)], src_loc)
        pltpu.sync_copy(dstp.at[pl.ds(t0, 40)], dst_loc)
        n = jnp.minimum(40, NCHUNK - t0)
        _pipelined_sweep(pflat, src_loc, n, 40, rows0, rows1, sem0, sem1,
                         sc0, sc1)
    plsc.subcore_barrier()
    pltpu.sync_copy(acc.at[pl.ds(r0, ROWS_PER_TILE)],
                    out.at[c, pl.ds(r0, ROWS_PER_TILE)])


@functools.partial(
    pl.kernel,
    out_type=jax.ShapeDtypeStruct((2, NP, 128), jnp.float32),
    mesh=_MESH,
    scratch_types=[
        pltpu.VMEM((40, CH), jnp.int32),
        pltpu.VMEM((40, CH), jnp.int32),
        pltpu.VMEM((CH, 128), jnp.float32),
        pltpu.VMEM((CH, 128), jnp.float32),
        pltpu.SemaphoreType.DMA,
        pltpu.SemaphoreType.DMA,
        pltpu.VMEM_SHARED((NP + 1, 128), jnp.float32),
    ],
)
def _sc_spmm64(table, srcp, dstp, zeros_h, out, src_loc, dst_loc, rows0,
               rows1, sem0, sem1, acc):
    c = lax.axis_index("c")
    s = lax.axis_index("s")
    r0 = s * ROWS_PER_TILE
    base = c * 640 + s * 40
    pltpu.sync_copy(zeros_h.at[pl.ds(r0, ROWS_PER_TILE)],
                    acc.at[pl.ds(r0, ROWS_PER_TILE)])
    pltpu.sync_copy(srcp.at[pl.ds(base, 40)], src_loc)
    pltpu.sync_copy(dstp.at[pl.ds(base, 40)], dst_loc)
    n = jnp.minimum(40, NCHUNK - base)
    plsc.subcore_barrier()

    def sc0(j):
        pltpu.sync_copy(rows0, acc.at[dst_loc.at[j]], add=True)

    def sc1(j):
        pltpu.sync_copy(rows1, acc.at[dst_loc.at[j]], add=True)

    _pipelined_sweep(table, src_loc, n, 40, rows0, rows1, sem0, sem1, sc0, sc1)
    plsc.subcore_barrier()
    pltpu.sync_copy(acc.at[pl.ds(r0, ROWS_PER_TILE)],
                    out.at[c, pl.ds(r0, ROWS_PER_TILE)])


@functools.partial(
    pl.kernel,
    out_type=jax.ShapeDtypeStruct((E, 128), jnp.float32),
    mesh=_MESH,
    scratch_types=[
        pltpu.VMEM((40, CH), jnp.int32),
        pltpu.VMEM((CH, 128), jnp.float32),
        pltpu.VMEM((CH, 128), jnp.float32),
        pltpu.SemaphoreType.DMA,
        pltpu.SemaphoreType.DMA,
    ],
)
def _sc_gather64(table, srcp, out, src_loc, rows0, rows1, sem0, sem1):
    c = lax.axis_index("c")
    s = lax.axis_index("s")
    base = c * 640 + s * 40
    pltpu.sync_copy(srcp.at[pl.ds(base, 40)], src_loc)
    n = jnp.minimum(40, NCHUNK - base)

    def st0(j):
        pltpu.sync_copy(rows0, out.at[pl.ds((base + j) * CH, CH)])

    def st1(j):
        pltpu.sync_copy(rows1, out.at[pl.ds((base + j) * CH, CH)])

    _pipelined_sweep(table, src_loc, n, 40, rows0, rows1, sem0, sem1, st0, st1)



def _tc_lin1(x, W1, b1r, deg16):
    R = 512

    def body(x_ref, w_ref, b_ref, d_ref, o_ref):
        a = lax.rsqrt(jnp.maximum(d_ref[0][:, 0:1], 1.0))
        h = jnp.dot(x_ref[...], w_ref[...],
                    preferred_element_type=jnp.float32) + b_ref[...]
        ph = h * a
        o_ref[0] = ph[:, :128]
        o_ref[1] = ph[:, 128:]

    return pl.pallas_call(
        body,
        grid=(NP // R,),
        in_specs=[
            pl.BlockSpec((R, 128), lambda r: (r, 0)),
            pl.BlockSpec((128, 256), lambda r: (0, 0)),
            pl.BlockSpec((1, 256), lambda r: (0, 0)),
            pl.BlockSpec((2, R, 128), lambda r: (0, r, 0)),
        ],
        out_specs=pl.BlockSpec((2, R, 128), lambda r: (0, r, 0)),
        out_shape=jax.ShapeDtypeStruct((2, NP, 128), jnp.float32),
    )(x, W1, b1r, deg16)


def _tc_bn_lin(agg, deg16, g_r, be_r, W2, b2r):
    R = 512

    def body(agg_ref, d_ref, g_ref, be_ref, w_ref, b2_ref, o_ref,
             st_ref):
        p = pl.program_id(0)
        r = pl.program_id(1)
        b = lax.rsqrt(jnp.maximum(d_ref[1][:, 0:1], 1.0))
        o = jnp.concatenate([agg_ref[0], agg_ref[1]], axis=1) * b

        @pl.when(jnp.logical_and(p == 0, r == 0))
        def _():
            st_ref[...] = jnp.zeros_like(st_ref)

        @pl.when(p == 0)
        def _():
            st_ref[0:1, :] += jnp.sum(o, axis=0, keepdims=True)
            st_ref[1:2, :] += jnp.sum(o * o, axis=0, keepdims=True)

        @pl.when(p == 1)
        def _():
            mu = st_ref[0:1, :] / float(N)
            var = st_ref[1:2, :] / float(N) - mu * mu
            z = (o - mu) * lax.rsqrt(var + 1e-5) * g_ref[...] + be_ref[...]
            z = jnp.maximum(z, 0.0)
            a = lax.rsqrt(jnp.maximum(d_ref[0][:, 0:1], 1.0))
            ph = (jnp.dot(z, w_ref[...], preferred_element_type=jnp.float32)
                  + b2_ref[...]) * a
            o_ref[0] = ph[:, :128]
            o_ref[1] = ph[:, 128:]

    return pl.pallas_call(
        body,
        grid=(2, NP // R),
        in_specs=[
            pl.BlockSpec((2, R, 128), lambda p, r: (0, r, 0)),
            pl.BlockSpec((2, R, 128), lambda p, r: (0, r, 0)),
            pl.BlockSpec((1, 256), lambda p, r: (0, 0)),
            pl.BlockSpec((1, 256), lambda p, r: (0, 0)),
            pl.BlockSpec((256, 256), lambda p, r: (0, 0)),
            pl.BlockSpec((1, 256), lambda p, r: (0, 0)),
        ],
        out_specs=pl.BlockSpec((2, R, 128), lambda p, r: (0, r, 0)),
        out_shape=jax.ShapeDtypeStruct((2, NP, 128), jnp.float32),
        scratch_shapes=[pltpu.VMEM((2, 256), jnp.float32)],
    )(agg, deg16, g_r, be_r, W2, b2r)


def _tc_bn_lin3(agg, deg16, g_r, be_r, W3a, W3b, b3r):
    R = 512

    def body(agg_ref, d_ref, g_ref, be_ref, wa_ref, wb_ref, b3_ref,
             o_ref, st_ref):
        p = pl.program_id(0)
        r = pl.program_id(1)
        b = lax.rsqrt(jnp.maximum(d_ref[1][:, 0:1], 1.0))
        o = jnp.concatenate([agg_ref[0], agg_ref[1]], axis=1) * b

        @pl.when(jnp.logical_and(p == 0, r == 0))
        def _():
            st_ref[...] = jnp.zeros_like(st_ref)

        @pl.when(p == 0)
        def _():
            st_ref[0:1, :] += jnp.sum(o, axis=0, keepdims=True)
            st_ref[1:2, :] += jnp.sum(o * o, axis=0, keepdims=True)

        @pl.when(p == 1)
        def _():
            mu = st_ref[0:1, :] / float(N)
            var = st_ref[1:2, :] / float(N) - mu * mu
            z = (o - mu) * lax.rsqrt(var + 1e-5) * g_ref[...] + be_ref[...]
            z = jnp.maximum(z, 0.0)
            ha = jnp.dot(z, wa_ref[...], preferred_element_type=jnp.float32)
            init = d_ref[1][:, 0:1] * (
                jnp.dot(z, wb_ref[...], preferred_element_type=jnp.float32)
                + b3_ref[...])
            o_ref[...] = jnp.concatenate([ha, init], axis=1)

    return pl.pallas_call(
        body,
        grid=(2, NP // R),
        in_specs=[
            pl.BlockSpec((2, R, 128), lambda p, r: (0, r, 0)),
            pl.BlockSpec((2, R, 128), lambda p, r: (0, r, 0)),
            pl.BlockSpec((1, 256), lambda p, r: (0, 0)),
            pl.BlockSpec((1, 256), lambda p, r: (0, 0)),
            pl.BlockSpec((256, 64), lambda p, r: (0, 0)),
            pl.BlockSpec((256, 64), lambda p, r: (0, 0)),
            pl.BlockSpec((1, 64), lambda p, r: (0, 0)),
        ],
        out_specs=pl.BlockSpec((R, 128), lambda p, r: (r, 0)),
        out_shape=jax.ShapeDtypeStruct((NP, 128), jnp.float32),
        scratch_shapes=[pltpu.VMEM((2, 256), jnp.float32)],
    )(agg, deg16, g_r, be_r, W3a, W3b, b3r)


def _tc_final(aggD, hainit, deg16):
    def body(agg_ref, hi_ref, d_ref, o_ref):
        nn = lax.rsqrt(jnp.maximum(d_ref[0][:, 0:1], 1.0)
                       * jnp.maximum(d_ref[1][:, 0:1], 1.0))
        left = nn * (agg_ref[0][:, :64] + agg_ref[1][:, :64]
                     + hi_ref[:, 64:])
        o_ref[...] = jnp.concatenate([left, jnp.zeros_like(left)], axis=1)

    return pl.pallas_call(
        body, out_shape=jax.ShapeDtypeStruct((NP, 128), jnp.float32),
    )(aggD, hainit, deg16)



def kernel(x, edge_index, W1, b1, gamma1, beta1, W2, b2, gamma2, beta2, W3,
           b3):
    src = edge_index[0]
    dst = edge_index[1]
    npad = EPAD - E
    src0 = jnp.concatenate(
        [src, jnp.zeros((npad,), jnp.int32)]).reshape(NCHUNK_PAD, CH)
    srcD = jnp.concatenate(
        [src, jnp.full((npad,), NP, jnp.int32)]).reshape(NCHUNK_PAD, CH)
    dstD = jnp.concatenate(
        [dst, jnp.full((npad,), NP, jnp.int32)]).reshape(NCHUNK_PAD, CH)
    edges_hist = jnp.stack([srcD, dstD])
    src2 = jnp.stack([src0, src0 + NP])

    zeros128 = jnp.zeros((NP, 128), jnp.float32)
    ones128 = jnp.ones((CH, 128), jnp.float32)

    deg16 = _sc_hist(edges_hist, ones128, zeros128)

    b1r = b1.reshape(1, 256)
    b2r = b2.reshape(1, 256)
    b3r = b3.reshape(1, 64)
    g1r = gamma1.reshape(1, 256)
    be1r = beta1.reshape(1, 256)
    g2r = gamma2.reshape(1, 256)
    be2r = beta2.reshape(1, 256)
    W3a = W3[:256]
    W3b = W3[256:]

    xp = jnp.pad(x, ((0, NP - N), (0, 0)))
    p1 = _tc_lin1(xp, W1, b1r, deg16).reshape(2 * NP, 128)
    agg1 = _sc_spmm256(p1, src2, dstD, zeros128)
    p2 = _tc_bn_lin(agg1, deg16, g1r, be1r, W2, b2r).reshape(2 * NP, 128)
    agg2 = _sc_spmm256(p2, src2, dstD, zeros128)
    hainit = _tc_bn_lin3(agg2, deg16, g2r, be2r, W3a, W3b, b3r)
    aggD = _sc_spmm64(hainit, src0, dstD, zeros128)
    nnagg = _tc_final(aggD, hainit, deg16)
    out128 = _sc_gather64(nnagg, src0)
    return out128[:, :64]

# --- scband reference (transcript-rebuilt; emitter-appended) ---
"""Pipeline reference for scband-line-gcn2-1374389534965 (READ-ONLY COPY).

The authoritative reference and input builder live on the scoring server;
editing this copy changes nothing except your own understanding.
"""

import jax, jax.numpy as jnp
import numpy as np

N_NODES = 10000
N_EDGES = 160000
D_IN = 128
HIDDEN = 256
D_OUT = 64


def setup_inputs(seed: int = 0) -> dict:
    key = jax.random.key(seed)
    ks = jax.random.split(key, 8)
    x = jax.random.normal(ks[0], (N_NODES, D_IN), dtype=jnp.float32)
    edge_index = jax.random.randint(ks[1], (2, N_EDGES), 0, N_NODES, dtype=jnp.int32)

    def lin(k, fan_in, shape):
        return jax.random.normal(k, shape, dtype=jnp.float32) / np.sqrt(fan_in)

    W1 = lin(ks[2], D_IN, (D_IN, HIDDEN))
    b1 = jnp.zeros((HIDDEN,), jnp.float32)
    gamma1 = jnp.ones((HIDDEN,), jnp.float32)
    beta1 = jnp.zeros((HIDDEN,), jnp.float32)
    W2 = lin(ks[3], HIDDEN, (HIDDEN, HIDDEN))
    b2 = jnp.zeros((HIDDEN,), jnp.float32)
    gamma2 = jnp.ones((HIDDEN,), jnp.float32)
    beta2 = jnp.zeros((HIDDEN,), jnp.float32)
    W3 = lin(ks[4], 2 * HIDDEN, (2 * HIDDEN, D_OUT))
    b3 = jnp.zeros((D_OUT,), jnp.float32)
    return {"x": x, "edge_index": edge_index,
            "W1": W1, "b1": b1, "gamma1": gamma1, "beta1": beta1,
            "W2": W2, "b2": b2, "gamma2": gamma2, "beta2": beta2,
            "W3": W3, "b3": b3}


def _gcn(x, src, dst, n, W, b, gamma=None, beta=None, relu=True):
    # linear transform, then symmetric-degree-normalized scatter-add aggregation
    h = x @ W + b
    ones = jnp.ones((src.shape[0],), jnp.float32)
    deg_out = jnp.zeros((n,), jnp.float32).at[src].add(ones)
    deg_in = jnp.zeros((n,), jnp.float32).at[dst].add(ones)
    norm = 1.0 / jnp.sqrt(jnp.maximum(deg_out, 1.0)[src] * jnp.maximum(deg_in, 1.0)[dst])
    msg = h[src] * norm[:, None]
    out = jnp.zeros((n, h.shape[1]), h.dtype).at[dst].add(msg)
    if gamma is not None:
        mu = out.mean(axis=0)
        var = out.var(axis=0)
        out = (out - mu) / jnp.sqrt(var + 1e-5) * gamma + beta
    if relu:
        out = jax.nn.relu(out)
    return out


def _line_graph_edges(edge_index_np):
    # directed line graph: line edge (i, j) iff dst[i] == src[j]
    src = np.asarray(edge_index_np[0], dtype=np.int64)
    dst = np.asarray(edge_index_np[1], dtype=np.int64)
    E = src.shape[0]
    order = np.argsort(src, kind='stable')
    counts = np.bincount(src, minlength=N_NODES).astype(np.int64)
    offsets = np.concatenate([np.zeros(1, np.int64), np.cumsum(counts)])
    reps = counts[dst]
    total = int(reps.sum())
    line_src = np.repeat(np.arange(E, dtype=np.int64), reps)
    starts = offsets[dst]
    cum = np.cumsum(reps)
    within = np.arange(total, dtype=np.int64) - np.repeat(cum - reps, reps)
    line_dst = order[np.repeat(starts, reps) + within]
    return jnp.asarray(line_src, jnp.int32), jnp.asarray(line_dst, jnp.int32)


def reference(x, edge_index, W1, b1, gamma1, beta1, W2, b2, gamma2, beta2, W3, b3):
    src = edge_index[0]
    dst = edge_index[1]
    h = _gcn(x, src, dst, N_NODES, W1, b1, gamma1, beta1, relu=True)
    h = _gcn(h, src, dst, N_NODES, W2, b2, gamma2, beta2, relu=True)
    # to_line_graph with node_feat_mixing='cat'
    line_x = jnp.concatenate([h[src], h[dst]], axis=1)
    # line edge (i, j) exists iff dst[i] == src[j]; its symmetric degree norm
    # depends only on that shared node, so the line-graph GCN layer factors
    # through a fixed-shape per-node scatter-add followed by a gather.
    h3 = line_x @ W3 + b3
    ones = jnp.ones((N_EDGES,), jnp.float32)
    outdeg = jnp.zeros((N_NODES,), jnp.float32).at[src].add(ones)
    indeg = jnp.zeros((N_NODES,), jnp.float32).at[dst].add(ones)
    node_norm = 1.0 / jnp.sqrt(jnp.maximum(outdeg, 1.0) * jnp.maximum(indeg, 1.0))
    msg = h3 * node_norm[dst][:, None]
    agg = jnp.zeros((N_NODES, h3.shape[1]), h3.dtype).at[dst].add(msg)
    out = agg[src]
    return out

if __name__ == "__main__":
    import jax
    _d = setup_inputs()
    print(jax.jit(kernel)(*tuple(_d.values())))

</pallas_src>

<mosaic_0001>
#map = affine_map<(d0, d1) -> (0, 0, 0)>
#map1 = affine_map<(d0, d1) -> (0, 0)>
module attributes {stable_mosaic.version = 14 : i64} {
  func.func @_sc_hist(%arg0: i32, %arg1: i32, %arg2: memref<2x1280x128xi32, #tpu.memory_space<hbm>>, %arg3: memref<128x128xf32, #tpu.memory_space<hbm>>, %arg4: memref<10240x128xf32, #tpu.memory_space<hbm>>, %arg5: memref<2x10240x128xf32, #tpu.memory_space<hbm>>, %arg6: memref<80x128xi32, #tpu.memory_space<vmem>>, %arg7: memref<128x128xf32, #tpu.memory_space<vmem>>, %arg8: memref<10241x128xf32, #tpu.memory_space<vmem_shared>>) attributes {dimension_semantics = [#tpu.dimension_semantics<core_parallel>, #tpu.dimension_semantics<subcore_parallel>], iteration_bounds = array<i64: 2, 16>, scalar_prefetch = 0 : i64, scratch_operands = 3 : i64, tpu.core_type = #tpu.core_type<sc_vector_subcore>, window_params = [{transform_indices = #map}, {transform_indices = #map1}, {transform_indices = #map1}, {transform_indices = #map}]} {
    %mul3A = arith.constant 640 : i32
    %mul3A_0 = arith.muli %arg1, %mul3A : i32
    "tpu.region"() ({
      %run_scoped3A = tpu.sem_alloc : memref<!tpu.dma_semaphore, #tpu.memory_space<semaphore_mem>>
      %dma_start3A = arith.constant 0 : i32
      %dma_start3A_17 = tpu.memref_slice %arg8[%mul3A_0, %dma_start3A] : memref<10241x128xf32, #tpu.memory_space<vmem_shared>> -> memref<640x128xf32, #tpu.memory_space<vmem_shared>>
      %dma_start3A_18 = arith.constant 0 : i32
      %dma_start3A_19 = tpu.memref_slice %arg4[%mul3A_0, %dma_start3A_18] : memref<10240x128xf32, #tpu.memory_space<hbm>> -> memref<640x128xf32, #tpu.memory_space<hbm>>
      tpu.enqueue_dma source(%dma_start3A_19 : memref<640x128xf32, #tpu.memory_space<hbm>>) target(%dma_start3A_17 : memref<640x128xf32, #tpu.memory_space<vmem_shared>>) target_semaphore(%run_scoped3A : memref<!tpu.dma_semaphore, #tpu.memory_space<semaphore_mem>>)
      %dma_wait3A = arith.constant 0 : i32
      %dma_wait3A_20 = tpu.memref_slice %arg8[%mul3A_0, %dma_wait3A] : memref<10241x128xf32, #tpu.memory_space<vmem_shared>> -> memref<640x128xf32, #tpu.memory_space<vmem_shared>>
      %dma_wait3A_21 = arith.constant 0 : i32
      %dma_wait3A_22 = tpu.memref_slice %arg4[%mul3A_0, %dma_wait3A_21] : memref<10240x128xf32, #tpu.memory_space<hbm>> -> memref<640x128xf32, #tpu.memory_space<hbm>>
      tpu.wait_dma2 semaphore(%run_scoped3A : memref<!tpu.dma_semaphore, #tpu.memory_space<semaphore_mem>>) src(%dma_wait3A_22 : memref<640x128xf32, #tpu.memory_space<hbm>>) dst(%dma_wait3A_20 : memref<640x128xf32, #tpu.memory_space<vmem_shared>>)
      tpu.yield
    }) : () -> ()
    "tpu.region"() ({
      %run_scoped3A = tpu.sem_alloc : memref<!tpu.dma_semaphore, #tpu.memory_space<semaphore_mem>>
      tpu.enqueue_dma source(%arg3 : memref<128x128xf32, #tpu.memory_space<hbm>>) target(%arg7 : memref<128x128xf32, #tpu.memory_space<vmem>>) target_semaphore(%run_scoped3A : memref<!tpu.dma_semaphore, #tpu.memory_space<semaphore_mem>>)
      tpu.wait_dma2 semaphore(%run_scoped3A : memref<!tpu.dma_semaphore, #tpu.memory_space<semaphore_mem>>) src(%arg3 : memref<128x128xf32, #tpu.memory_space<hbm>>) dst(%arg7 : memref<128x128xf32, #tpu.memory_space<vmem>>)
      tpu.yield
    }) : () -> ()
    %mul3A_1 = arith.constant 80 : i32
    %mul3A_2 = arith.muli %arg1, %mul3A_1 : i32
    "tpu.region"() ({
      %run_scoped3A = tpu.sem_alloc : memref<!tpu.dma_semaphore, #tpu.memory_space<semaphore_mem>>
      %dma_start3A = arith.constant 0 : i32
      %dma_start3A_17 = tpu.memref_slice %arg2[%arg0, %mul3A_2, %dma_start3A] : memref<2x1280x128xi32, #tpu.memory_space<hbm>> -> memref<1x80x128xi32, #tpu.memory_space<hbm>>
      %dma_start3A_18 = tpu.memref_squeeze %dma_start3A_17 : memref<1x80x128xi32, #tpu.memory_space<hbm>> -> memref<80x128xi32, #tpu.memory_space<hbm>>
      %dma_start3A_19 = arith.constant 0 : i32
      %dma_start3A_20 = tpu.memref_slice %arg2[%arg0, %mul3A_2, %dma_start3A_19] : memref<2x1280x128xi32, #tpu.memory_space<hbm>> -> memref<1x80x128xi32, #tpu.memory_space<hbm>>
      %dma_start3A_21 = tpu.memref_squeeze %dma_start3A_20 : memref<1x80x128xi32, #tpu.memory_space<hbm>> -> memref<80x128xi32, #tpu.memory_space<hbm>>
      tpu.enqueue_dma source(%dma_start3A_21 : memref<80x128xi32, #tpu.memory_space<hbm>>) target(%arg6 : memref<80x128xi32, #tpu.memory_space<vmem>>) target_semaphore(%run_scoped3A : memref<!tpu.dma_semaphore, #tpu.memory_space<semaphore_mem>>)
      %dma_wait3A = arith.constant 0 : i32
      %dma_wait3A_22 = tpu.memref_slice %arg2[%arg0, %mul3A_2, %dma_wait3A] : memref<2x1280x128xi32, #tpu.memory_space<hbm>> -> memref<1x80x128xi32, #tpu.memory_space<hbm>>
      %dma_wait3A_23 = tpu.memref_squeeze %dma_wait3A_22 : memref<1x80x128xi32, #tpu.memory_space<hbm>> -> memref<80x128xi32, #tpu.memory_space<hbm>>
      %dma_wait3A_24 = arith.constant 0 : i32
      %dma_wait3A_25 = tpu.memref_slice %arg2[%arg0, %mul3A_2, %dma_wait3A_24] : memref<2x1280x128xi32, #tpu.memory_space<hbm>> -> memref<1x80x128xi32, #tpu.memory_space<hbm>>
      %dma_wait3A_26 = tpu.memref_squeeze %dma_wait3A_25 : memref<1x80x128xi32, #tpu.memory_space<hbm>> -> memref<80x128xi32, #tpu.memory_space<hbm>>
      tpu.wait_dma2 semaphore(%run_scoped3A : memref<!tpu.dma_semaphore, #tpu.memory_space<semaphore_mem>>) src(%dma_wait3A_26 : memref<80x128xi32, #tpu.memory_space<hbm>>) dst(%arg6 : memref<80x128xi32, #tpu.memory_space<vmem>>)
      tpu.yield
    }) : () -> ()
    %mul3A_3 = arith.constant 80 : i32
    %mul3A_4 = arith.muli %arg1, %mul3A_3 : i32
    %sub3A = arith.constant 1250 : i32
    %sub3A_5 = arith.subi %sub3A, %mul3A_4 : i32
    %min3A = arith.constant 80 : i32
    %min3A_6 = arith.minsi %min3A, %sub3A_5 : i32
    %barrier3A = arith.constant 0 : index
    tpu.barrier barrier_id(%barrier3A)
    %while3A = arith.constant 0 : i32
    %while3A_7 = arith.constant 0 : i32
    %while3A_8 = arith.subi %min3A_6, %while3A_7 : i32
    %while3A_9 = arith.addi %while3A_7, %while3A_8 : i32
    %while3A_10 = arith.constant 1 : i32
    %while3A_11 = arith.divsi %while3A_8, %while3A_10 : i32
    %while3A_12 = arith.muli %while3A_11, %while3A_10 : i32
    %while3A_13 = arith.addi %while3A_7, %while3A_12 : i32
    %while3A_14 = arith.constant 1 : i32
    scf.for %while3A_17 = %while3A_7 to %while3A_13 step %while3A_14  : i32 {
      "tpu.region"() ({
        %run_scoped3A = tpu.sem_alloc : memref<!tpu.dma_semaphore, #tpu.memory_space<semaphore_mem>>
        %dma_start3A = arith.constant 0 : i32
        %dma_start3A_18 = tpu.memref_slice %arg6[%while3A_17, %dma_start3A] : memref<80x128xi32, #tpu.memory_space<vmem>> -> memref<1x128xi32, #tpu.memory_space<vmem>>
        %dma_start3A_19 = tpu.memref_squeeze %dma_start3A_18 : memref<1x128xi32, #tpu.memory_space<vmem>> -> memref<128xi32, #tpu.memory_space<vmem>>
        %dma_start3A_20 = arith.constant 0 : i32
        %dma_start3A_21 = arith.constant 0 : i32
        %dma_start3A_22 = tpu.memref_slice %arg8[%dma_start3A_20, %dma_start3A_21] : memref<10241x128xf32, #tpu.memory_space<vmem_shared>> -> memref<10241x128xf32, #tpu.memory_space<vmem_shared>>
        tpu.enqueue_indirect_dma source(%arg7 : memref<128x128xf32, #tpu.memory_space<vmem>>) target(%dma_start3A_22 : memref<10241x128xf32, #tpu.memory_space<vmem_shared>>) offsets(%dma_start3A_19 : memref<128xi32, #tpu.memory_space<vmem>>) semaphore(%run_scoped3A : memref<!tpu.dma_semaphore, #tpu.memory_space<semaphore_mem>>) {add = true}
        %dma_wait3A = arith.constant 0 : i32
        %dma_wait3A_23 = tpu.memref_slice %arg6[%while3A_17, %dma_wait3A] : memref<80x128xi32, #tpu.memory_space<vmem>> -> memref<1x128xi32, #tpu.memory_space<vmem>>
        %dma_wait3A_24 = tpu.memref_squeeze %dma_wait3A_23 : memref<1x128xi32, #tpu.memory_space<vmem>> -> memref<128xi32, #tpu.memory_space<vmem>>
        %dma_wait3A_25 = arith.constant 0 : i32
        %dma_wait3A_26 = arith.constant 0 : i32
        %dma_wait3A_27 = tpu.memref_slice %arg8[%dma_wait3A_25, %dma_wait3A_26] : memref<10241x128xf32, #tpu.memory_space<vmem_shared>> -> memref<10241x128xf32, #tpu.memory_space<vmem_shared>>
        tpu.wait_indirect_dma semaphore(%run_scoped3A : memref<!tpu.dma_semaphore, #tpu.memory_space<semaphore_mem>>) src(%arg7 : memref<128x128xf32, #tpu.memory_space<vmem>>) dst(%dma_wait3A_27 : memref<10241x128xf32, #tpu.memory_space<vmem_shared>>)
        tpu.yield
      }) : () -> ()
    }
    %while3A_15 = arith.constant 1 : i32
    scf.for %while3A_17 = %while3A_13 to %while3A_9 step %while3A_15  : i32 {
      "tpu.region"() ({
        %run_scoped3A = tpu.sem_alloc : memref<!tpu.dma_semaphore, #tpu.memory_space<semaphore_mem>>
        %dma_start3A = arith.constant 0 : i32
        %dma_start3A_18 = tpu.memref_slice %arg6[%while3A_17, %dma_start3A] : memref<80x128xi32, #tpu.memory_space<vmem>> -> memref<1x128xi32, #tpu.memory_space<vmem>>
        %dma_start3A_19 = tpu.memref_squeeze %dma_start3A_18 : memref<1x128xi32, #tpu.memory_space<vmem>> -> memref<128xi32, #tpu.memory_space<vmem>>
        %dma_start3A_20 = arith.constant 0 : i32
        %dma_start3A_21 = arith.constant 0 : i32
        %dma_start3A_22 = tpu.memref_slice %arg8[%dma_start3A_20, %dma_start3A_21] : memref<10241x128xf32, #tpu.memory_space<vmem_shared>> -> memref<10241x128xf32, #tpu.memory_space<vmem_shared>>
        tpu.enqueue_indirect_dma source(%arg7 : memref<128x128xf32, #tpu.memory_space<vmem>>) target(%dma_start3A_22 : memref<10241x128xf32, #tpu.memory_space<vmem_shared>>) offsets(%dma_start3A_19 : memref<128xi32, #tpu.memory_space<vmem>>) semaphore(%run_scoped3A : memref<!tpu.dma_semaphore, #tpu.memory_space<semaphore_mem>>) {add = true}
        %dma_wait3A = arith.constant 0 : i32
        %dma_wait3A_23 = tpu.memref_slice %arg6[%while3A_17, %dma_wait3A] : memref<80x128xi32, #tpu.memory_space<vmem>> -> memref<1x128xi32, #tpu.memory_space<vmem>>
        %dma_wait3A_24 = tpu.memref_squeeze %dma_wait3A_23 : memref<1x128xi32, #tpu.memory_space<vmem>> -> memref<128xi32, #tpu.memory_space<vmem>>
        %dma_wait3A_25 = arith.constant 0 : i32
        %dma_wait3A_26 = arith.constant 0 : i32
        %dma_wait3A_27 = tpu.memref_slice %arg8[%dma_wait3A_25, %dma_wait3A_26] : memref<10241x128xf32, #tpu.memory_space<vmem_shared>> -> memref<10241x128xf32, #tpu.memory_space<vmem_shared>>
        tpu.wait_indirect_dma semaphore(%run_scoped3A : memref<!tpu.dma_semaphore, #tpu.memory_space<semaphore_mem>>) src(%arg7 : memref<128x128xf32, #tpu.memory_space<vmem>>) dst(%dma_wait3A_27 : memref<10241x128xf32, #tpu.memory_space<vmem_shared>>)
        tpu.yield
      }) : () -> ()
    }
    %barrier3A_16 = arith.constant 0 : index
    tpu.barrier barrier_id(%barrier3A_16)
    "tpu.region"() ({
      %run_scoped3A = tpu.sem_alloc : memref<!tpu.dma_semaphore, #tpu.memory_space<semaphore_mem>>
      %dma_start3A = arith.constant 0 : i32
      %dma_start3A_17 = tpu.memref_slice %arg5[%arg0, %mul3A_0, %dma_start3A] : memref<2x10240x128xf32, #tpu.memory_space<hbm>> -> memref<1x640x128xf32, #tpu.memory_space<hbm>>
      %dma_start3A_18 = tpu.memref_squeeze %dma_start3A_17 : memref<1x640x128xf32, #tpu.memory_space<hbm>> -> memref<640x128xf32, #tpu.memory_space<hbm>>
      %dma_start3A_19 = arith.constant 0 : i32
      %dma_start3A_20 = tpu.memref_slice %arg8[%mul3A_0, %dma_start3A_19] : memref<10241x128xf32, #tpu.memory_space<vmem_shared>> -> memref<640x128xf32, #tpu.memory_space<vmem_shared>>
      tpu.enqueue_dma source(%dma_start3A_20 : memref<640x128xf32, #tpu.memory_space<vmem_shared>>) target(%dma_start3A_18 : memref<640x128xf32, #tpu.memory_space<hbm>>) target_semaphore(%run_scoped3A : memref<!tpu.dma_semaphore, #tpu.memory_space<semaphore_mem>>)
      %dma_wait3A = arith.constant 0 : i32
      %dma_wait3A_21 = tpu.memref_slice %arg5[%arg0, %mul3A_0, %dma_wait3A] : memref<2x10240x128xf32, #tpu.memory_space<hbm>> -> memref<1x640x128xf32, #tpu.memory_space<hbm>>
      %dma_wait3A_22 = tpu.memref_squeeze %dma_wait3A_21 : memref<1x640x128xf32, #tpu.memory_space<hbm>> -> memref<640x128xf32, #tpu.memory_space<hbm>>
      %dma_wait3A_23 = arith.constant 0 : i32
      %dma_wait3A_24 = tpu.memref_slice %arg8[%mul3A_0, %dma_wait3A_23] : memref<10241x128xf32, #tpu.memory_space<vmem_shared>> -> memref<640x128xf32, #tpu.memory_space<vmem_shared>>
      tpu.wait_dma2 semaphore(%run_scoped3A : memref<!tpu.dma_semaphore, #tpu.memory_space<semaphore_mem>>) src(%dma_wait3A_24 : memref<640x128xf32, #tpu.memory_space<vmem_shared>>) dst(%dma_wait3A_22 : memref<640x128xf32, #tpu.memory_space<hbm>>)
      tpu.yield
    }) : () -> ()
    return
  }
}

#map = affine_map<(d0, d1) -> (0, 0)>
#map1 = affine_map<(d0, d1) -> (0, 0, 0)>
module attributes {stable_mosaic.version = 14 : i64} {
  func.func @_sc_spmm256(%arg0: i32, %arg1: i32, %arg2: memref<20480x128xf32, #tpu.memory_space<hbm>>, %arg3: memref<2x1280x128xi32, #tpu.memory_space<hbm>>, %arg4: memref<1280x128xi32, #tpu.memory_space<hbm>>, %arg5: memref<10240x128xf32, #tpu.memory_space<hbm>>, %arg6: memref<2x10240x128xf32, #tpu.memory_space<hbm>>, %arg7: memref<40x128xi32, #tpu.memory_space<vmem>>, %arg8: memref<40x128xi32, #tpu.memory_space<vmem>>, %arg9: memref<128x128xf32, #tpu.memory_space<vmem>>, %arg10: memref<128x128xf32, #tpu.memory_space<vmem>>, %arg11: memref<!tpu.dma_semaphore, #tpu.memory_space<semaphore_mem>>, %arg12: memref<!tpu.dma_semaphore, #tpu.memory_space<semaphore_mem>>, %arg13: memref<10241x128xf32, #tpu.memory_space<vmem_shared>>) attributes {dimension_semantics = [#tpu.dimension_semantics<core_parallel>, #tpu.dimension_semantics<subcore_parallel>], iteration_bounds = array<i64: 2, 16>, scalar_prefetch = 0 : i64, scratch_operands = 7 : i64, tpu.core_type = #tpu.core_type<sc_vector_subcore>, window_params = [{transform_indices = #map}, {transform_indices = #map1}, {transform_indices = #map}, {transform_indices = #map}, {transform_indices = #map1}]} {
    %mul3A = arith.constant 640 : i32
    %mul3A_0 = arith.muli %arg1, %mul3A : i32
    "tpu.region"() ({
      %run_scoped3A = tpu.sem_alloc : memref<!tpu.dma_semaphore, #tpu.memory_space<semaphore_mem>>
      %dma_start3A_39 = arith.constant 0 : i32
      %dma_start3A_40 = tpu.memref_slice %arg13[%mul3A_0, %dma_start3A_39] : memref<10241x128xf32, #tpu.memory_space<vmem_shared>> -> memref<640x128xf32, #tpu.memory_space<vmem_shared>>
      %dma_start3A_41 = arith.constant 0 : i32
      %dma_start3A_42 = tpu.memref_slice %arg5[%mul3A_0, %dma_start3A_41] : memref<10240x128xf32, #tpu.memory_space<hbm>> -> memref<640x128xf32, #tpu.memory_space<hbm>>
      tpu.enqueue_dma source(%dma_start3A_42 : memref<640x128xf32, #tpu.memory_space<hbm>>) target(%dma_start3A_40 : memref<640x128xf32, #tpu.memory_space<vmem_shared>>) target_semaphore(%run_scoped3A : memref<!tpu.dma_semaphore, #tpu.memory_space<semaphore_mem>>)
      %dma_wait3A = arith.constant 0 : i32
      %dma_wait3A_43 = tpu.memref_slice %arg13[%mul3A_0, %dma_wait3A] : memref<10241x128xf32, #tpu.memory_space<vmem_shared>> -> memref<640x128xf32, #tpu.memory_space<vmem_shared>>
      %dma_wait3A_44 = arith.constant 0 : i32
      %dma_wait3A_45 = tpu.memref_slice %arg5[%mul3A_0, %dma_wait3A_44] : memref<10240x128xf32, #tpu.memory_space<hbm>> -> memref<640x128xf32, #tpu.memory_space<hbm>>
      tpu.wait_dma2 semaphore(%run_scoped3A : memref<!tpu.dma_semaphore, #tpu.memory_space<semaphore_mem>>) src(%dma_wait3A_45 : memref<640x128xf32, #tpu.memory_space<hbm>>) dst(%dma_wait3A_43 : memref<640x128xf32, #tpu.memory_space<vmem_shared>>)
      tpu.yield
    }) : () -> ()
    %barrier3A = arith.constant 0 : index
    tpu.barrier barrier_id(%barrier3A)
    %mul3A_1 = arith.constant 80 : i32
    %mul3A_2 = arith.muli %arg1, %mul3A_1 : i32
    %add3A = arith.constant 0 : i32
    %add3A_3 = arith.addi %mul3A_2, %add3A : i32
    "tpu.region"() ({
      %run_scoped3A = tpu.sem_alloc : memref<!tpu.dma_semaphore, #tpu.memory_space<semaphore_mem>>
      %dma_start3A_39 = arith.constant 0 : i32
      %dma_start3A_40 = tpu.memref_slice %arg3[%arg0, %add3A_3, %dma_start3A_39] : memref<2x1280x128xi32, #tpu.memory_space<hbm>> -> memref<1x40x128xi32, #tpu.memory_space<hbm>>
      %dma_start3A_41 = tpu.memref_squeeze %dma_start3A_40 : memref<1x40x128xi32, #tpu.memory_space<hbm>> -> memref<40x128xi32, #tpu.memory_space<hbm>>
      %dma_start3A_42 = arith.constant 0 : i32
      %dma_start3A_43 = tpu.memref_slice %arg3[%arg0, %add3A_3, %dma_start3A_42] : memref<2x1280x128xi32, #tpu.memory_space<hbm>> -> memref<1x40x128xi32, #tpu.memory_space<hbm>>
      %dma_start3A_44 = tpu.memref_squeeze %dma_start3A_43 : memref<1x40x128xi32, #tpu.memory_space<hbm>> -> memref<40x128xi32, #tpu.memory_space<hbm>>
      tpu.enqueue_dma source(%dma_start3A_44 : memref<40x128xi32, #tpu.memory_space<hbm>>) target(%arg7 : memref<40x128xi32, #tpu.memory_space<vmem>>) target_semaphore(%run_scoped3A : memref<!tpu.dma_semaphore, #tpu.memory_space<semaphore_mem>>)
      %dma_wait3A = arith.constant 0 : i32
      %dma_wait3A_45 = tpu.memref_slice %arg3[%arg0, %add3A_3, %dma_wait3A] : memref<2x1280x128xi32, #tpu.memory_space<hbm>> -> memref<1x40x128xi32, #tpu.memory_space<hbm>>
      %dma_wait3A_46 = tpu.memref_squeeze %dma_wait3A_45 : memref<1x40x128xi32, #tpu.memory_space<hbm>> -> memref<40x128xi32, #tpu.memory_space<hbm>>
      %dma_wait3A_47 = arith.constant 0 : i32
      %dma_wait3A_48 = tpu.memref_slice %arg3[%arg0, %add3A_3, %dma_wait3A_47] : memref<2x1280x128xi32, #tpu.memory_space<hbm>> -> memref<1x40x128xi32, #tpu.memory_space<hbm>>
      %dma_wait3A_49 = tpu.memref_squeeze %dma_wait3A_48 : memref<1x40x128xi32, #tpu.memory_space<hbm>> -> memref<40x128xi32, #tpu.memory_space<hbm>>
      tpu.wait_dma2 semaphore(%run_scoped3A : memref<!tpu.dma_semaphore, #tpu.memory_space<semaphore_mem>>) src(%dma_wait3A_49 : memref<40x128xi32, #tpu.memory_space<hbm>>) dst(%arg7 : memref<40x128xi32, #tpu.memory_space<vmem>>)
      tpu.yield
    }) : () -> ()
    "tpu.region"() ({
      %run_scoped3A = tpu.sem_alloc : memref<!tpu.dma_semaphore, #tpu.memory_space<semaphore_mem>>
      %dma_start3A_39 = arith.constant 0 : i32
      %dma_start3A_40 = tpu.memref_slice %arg4[%add3A_3, %dma_start3A_39] : memref<1280x128xi32, #tpu.memory_space<hbm>> -> memref<40x128xi32, #tpu.memory_space<hbm>>
      %dma_start3A_41 = arith.constant 0 : i32
      %dma_start3A_42 = tpu.memref_slice %arg4[%add3A_3, %dma_start3A_41] : memref<1280x128xi32, #tpu.memory_space<hbm>> -> memref<40x128xi32, #tpu.memory_space<hbm>>
      tpu.enqueue_dma source(%dma_start3A_42 : memref<40x128xi32, #tpu.memory_space<hbm>>) target(%arg8 : memref<40x128xi32, #tpu.memory_space<vmem>>) target_semaphore(%run_scoped3A : memref<!tpu.dma_semaphore, #tpu.memory_space<semaphore_mem>>)
      %dma_wait3A = arith.constant 0 : i32
      %dma_wait3A_43 = tpu.memref_slice %arg4[%add3A_3, %dma_wait3A] : memref<1280x128xi32, #tpu.memory_space<hbm>> -> memref<40x128xi32, #tpu.memory_space<hbm>>
      %dma_wait3A_44 = arith.constant 0 : i32
      %dma_wait3A_45 = tpu.memref_slice %arg4[%add3A_3, %dma_wait3A_44] : memref<1280x128xi32, #tpu.memory_space<hbm>> -> memref<40x128xi32, #tpu.memory_space<hbm>>
      tpu.wait_dma2 semaphore(%run_scoped3A : memref<!tpu.dma_semaphore, #tpu.memory_space<semaphore_mem>>) src(%dma_wait3A_45 : memref<40x128xi32, #tpu.memory_space<hbm>>) dst(%arg8 : memref<40x128xi32, #tpu.memory_space<vmem>>)
      tpu.yield
    }) : () -> ()
    %sub3A = arith.constant 1250 : i32
    %sub3A_4 = arith.subi %sub3A, %add3A_3 : i32
    %min3A = arith.constant 40 : i32
    %min3A_5 = arith.minsi %min3A, %sub3A_4 : i32
    %dma_start3A = arith.constant 0 : i32
    %dma_start3A_6 = arith.constant 0 : i32
    %dma_start3A_7 = tpu.memref_slice %arg7[%dma_start3A, %dma_start3A_6] : memref<40x128xi32, #tpu.memory_space<vmem>> -> memref<1x128xi32, #tpu.memory_space<vmem>>
    %dma_start3A_8 = tpu.memref_squeeze %dma_start3A_7 : memref<1x128xi32, #tpu.memory_space<vmem>> -> memref<128xi32, #tpu.memory_space<vmem>>
    %dma_start3A_9 = arith.constant 0 : i32
    %dma_start3A_10 = arith.constant 0 : i32
    %dma_start3A_11 = tpu.memref_slice %arg2[%dma_start3A_9, %dma_start3A_10] : memref<20480x128xf32, #tpu.memory_space<hbm>> -> memref<20480x128xf32, #tpu.memory_space<hbm>>
    tpu.enqueue_indirect_dma source(%dma_start3A_11 : memref<20480x128xf32, #tpu.memory_space<hbm>>) target(%arg9 : memref<128x128xf32, #tpu.memory_space<vmem>>) offsets(%dma_start3A_8 : memref<128xi32, #tpu.memory_space<vmem>>) semaphore(%arg11 : memref<!tpu.dma_semaphore, #tpu.memory_space<semaphore_mem>>)
    %scan3A = arith.constant 0 : i32
    %scan3A_12 = arith.constant 0 : i32
    %scan3A_13 = arith.constant 20 : i32
    %scan3A_14 = arith.addi %scan3A_12, %scan3A_13 : i32
    %scan3A_15 = arith.constant 1 : i32
    scf.for %scan3A_39 = %scan3A_12 to %scan3A_14 step %scan3A_15  : i32 {
      %mul3A_40 = arith.constant 2 : i32
      %mul3A_41 = arith.muli %mul3A_40, %scan3A_39 : i32
      %add3A_42 = arith.constant 1 : i32
      %add3A_43 = arith.addi %mul3A_41, %add3A_42 : i32
      %lt3A = arith.cmpi slt, %mul3A_41, %min3A_5 : i32
      %convert_element_type3A = arith.extui %lt3A : i1 to i32
      %cond3A = arith.constant 0 : i32
      %cond3A_44 = arith.cmpi ne, %convert_element_type3A, %cond3A : i32
      scf.if %cond3A_44 {
        %dma_wait3A = arith.constant 0 : i32
        %dma_wait3A_45 = tpu.memref_slice %arg7[%mul3A_41, %dma_wait3A] : memref<40x128xi32, #tpu.memory_space<vmem>> -> memref<1x128xi32, #tpu.memory_space<vmem>>
        %dma_wait3A_46 = tpu.memref_squeeze %dma_wait3A_45 : memref<1x128xi32, #tpu.memory_space<vmem>> -> memref<128xi32, #tpu.memory_space<vmem>>
        %dma_wait3A_47 = arith.constant 0 : i32
        %dma_wait3A_48 = arith.constant 0 : i32
        %dma_wait3A_49 = tpu.memref_slice %arg2[%dma_wait3A_47, %dma_wait3A_48] : memref<20480x128xf32, #tpu.memory_space<hbm>> -> memref<20480x128xf32, #tpu.memory_space<hbm>>
        tpu.wait_indirect_dma semaphore(%arg11 : memref<!tpu.dma_semaphore, #tpu.memory_space<semaphore_mem>>) src(%dma_wait3A_49 : memref<20480x128xf32, #tpu.memory_space<hbm>>) dst(%arg9 : memref<128x128xf32, #tpu.memory_space<vmem>>)
        %lt3A_50 = arith.cmpi slt, %add3A_43, %min3A_5 : i32
        %convert_element_type3A_51 = arith.extui %lt3A_50 : i1 to i32
        %cond3A_52 = arith.constant 0 : i32
        %cond3A_53 = arith.cmpi ne, %convert_element_type3A_51, %cond3A_52 : i32
        scf.if %cond3A_53 {
          %dma_start3A_58 = arith.constant 0 : i32
          %dma_start3A_59 = tpu.memref_slice %arg7[%add3A_43, %dma_start3A_58] : memref<40x128xi32, #tpu.memory_space<vmem>> -> memref<1x128xi32, #tpu.memory_space<vmem>>
          %dma_start3A_60 = tpu.memref_squeeze %dma_start3A_59 : memref<1x128xi32, #tpu.memory_space<vmem>> -> memref<128xi32, #tpu.memory_space<vmem>>
          %dma_start3A_61 = arith.constant 0 : i32
          %dma_start3A_62 = arith.constant 0 : i32
          %dma_start3A_63 = tpu.memref_slice %arg2[%dma_start3A_61, %dma_start3A_62] : memref<20480x128xf32, #tpu.memory_space<hbm>> -> memref<20480x128xf32, #tpu.memory_space<hbm>>
          tpu.enqueue_indirect_dma source(%dma_start3A_63 : memref<20480x128xf32, #tpu.memory_space<hbm>>) target(%arg10 : memref<128x128xf32, #tpu.memory_space<vmem>>) offsets(%dma_start3A_60 : memref<128xi32, #tpu.memory_space<vmem>>) semaphore(%arg12 : memref<!tpu.dma_semaphore, #tpu.memory_space<semaphore_mem>>)
        } else {
        }
        "tpu.region"() ({
          %run_scoped3A = tpu.sem_alloc : memref<!tpu.dma_semaphore, #tpu.memory_space<semaphore_mem>>
          %dma_start3A_58 = arith.constant 0 : i32
          %dma_start3A_59 = tpu.memref_slice %arg8[%mul3A_41, %dma_start3A_58] : memref<40x128xi32, #tpu.memory_space<vmem>> -> memref<1x128xi32, #tpu.memory_space<vmem>>
          %dma_start3A_60 = tpu.memref_squeeze %dma_start3A_59 : memref<1x128xi32, #tpu.memory_space<vmem>> -> memref<128xi32, #tpu.memory_space<vmem>>
          %dma_start3A_61 = arith.constant 0 : i32
          %dma_start3A_62 = arith.constant 0 : i32
          %dma_start3A_63 = tpu.memref_slice %arg13[%dma_start3A_61, %dma_start3A_62] : memref<10241x128xf32, #tpu.memory_space<vmem_shared>> -> memref<10241x128xf32, #tpu.memory_space<vmem_shared>>
          tpu.enqueue_indirect_dma source(%arg9 : memref<128x128xf32, #tpu.memory_space<vmem>>) target(%dma_start3A_63 : memref<10241x128xf32, #tpu.memory_space<vmem_shared>>) offsets(%dma_start3A_60 : memref<128xi32, #tpu.memory_space<vmem>>) semaphore(%run_scoped3A : memref<!tpu.dma_semaphore, #tpu.memory_space<semaphore_mem>>) {add = true}
          %dma_wait3A_64 = arith.constant 0 : i32
          %dma_wait3A_65 = tpu.memref_slice %arg8[%mul3A_41, %dma_wait3A_64] : memref<40x128xi32, #tpu.memory_space<vmem>> -> memref<1x128xi32, #tpu.memory_space<vmem>>
          %dma_wait3A_66 = tpu.memref_squeeze %dma_wait3A_65 : memref<1x128xi32, #tpu.memory_space<vmem>> -> memref<128xi32, #tpu.memory_space<vmem>>
          %dma_wait3A_67 = arith.constant 0 : i32
          %dma_wait3A_68 = arith.constant 0 : i32
          %dma_wait3A_69 = tpu.memref_slice %arg13[%dma_wait3A_67, %dma_wait3A_68] : memref<10241x128xf32, #tpu.memory_space<vmem_shared>> -> memref<10241x128xf32, #tpu.memory_space<vmem_shared>>
          tpu.wait_indirect_dma semaphore(%run_scoped3A : memref<!tpu.dma_semaphore, #tpu.memory_space<semaphore_mem>>) src(%arg9 : memref<128x128xf32, #tpu.memory_space<vmem>>) dst(%dma_wait3A_69 : memref<10241x128xf32, #tpu.memory_space<vmem_shared>>)
          tpu.yield
        }) : () -> ()
        %lt3A_54 = arith.cmpi slt, %add3A_43, %min3A_5 : i32
        %convert_element_type3A_55 = arith.extui %lt3A_54 : i1 to i32
        %cond3A_56 = arith.constant 0 : i32
        %cond3A_57 = arith.cmpi ne, %convert_element_type3A_55, %cond3A_56 : i32
        scf.if %cond3A_57 {
          %dma_wait3A_58 = arith.constant 0 : i32
          %dma_wait3A_59 = tpu.memref_slice %arg7[%add3A_43, %dma_wait3A_58] : memref<40x128xi32, #tpu.memory_space<vmem>> -> memref<1x128xi32, #tpu.memory_space<vmem>>
          %dma_wait3A_60 = tpu.memref_squeeze %dma_wait3A_59 : memref<1x128xi32, #tpu.memory_space<vmem>> -> memref<128xi32, #tpu.memory_space<vmem>>
          %dma_wait3A_61 = arith.constant 0 : i32
          %dma_wait3A_62 = arith.constant 0 : i32
          %dma_wait3A_63 = tpu.memref_slice %arg2[%dma_wait3A_61, %dma_wait3A_62] : memref<20480x128xf32, #tpu.memory_space<hbm>> -> memref<20480x128xf32, #tpu.memory_space<hbm>>
          tpu.wait_indirect_dma semaphore(%arg12 : memref<!tpu.dma_semaphore, #tpu.memory_space<semaphore_mem>>) src(%dma_wait3A_63 : memref<20480x128xf32, #tpu.memory_space<hbm>>) dst(%arg10 : memref<128x128xf32, #tpu.memory_space<vmem>>)
          %add3A_64 = arith.constant 1 : i32
          %add3A_65 = arith.addi %add3A_43, %add3A_64 : i32
          %lt3A_66 = arith.cmpi slt, %add3A_65, %min3A_5 : i32
          %convert_element_type3A_67 = arith.extui %lt3A_66 : i1 to i32
          %cond3A_68 = arith.constant 0 : i32
          %cond3A_69 = arith.cmpi ne, %convert_element_type3A_67, %cond3A_68 : i32
          scf.if %cond3A_69 {
            %add3A_70 = arith.constant 1 : i32
            %add3A_71 = arith.addi %add3A_43, %add3A_70 : i32
            %dma_start3A_72 = arith.constant 0 : i32
            %dma_start3A_73 = tpu.memref_slice %arg7[%add3A_71, %dma_start3A_72] : memref<40x128xi32, #tpu.memory_space<vmem>> -> memref<1x128xi32, #tpu.memory_space<vmem>>
            %dma_start3A_74 = tpu.memref_squeeze %dma_start3A_73 : memref<1x128xi32, #tpu.memory_space<vmem>> -> memref<128xi32, #tpu.memory_space<vmem>>
            %dma_start3A_75 = arith.constant 0 : i32
            %dma_start3A_76 = arith.constant 0 : i32
            %dma_start3A_77 = tpu.memref_slice %arg2[%dma_start3A_75, %dma_start3A_76] : memref<20480x128xf32, #tpu.memory_space<hbm>> -> memref<20480x128xf32, #tpu.memory_space<hbm>>
            tpu.enqueue_indirect_dma source(%dma_start3A_77 : memref<20480x128xf32, #tpu.memory_space<hbm>>) target(%arg9 : memref<128x128xf32, #tpu.memory_space<vmem>>) offsets(%dma_start3A_74 : memref<128xi32, #tpu.memory_space<vmem>>) semaphore(%arg11 : memref<!tpu.dma_semaphore, #tpu.memory_space<semaphore_mem>>)
          } else {
          }
          "tpu.region"() ({
            %run_scoped3A = tpu.sem_alloc : memref<!tpu.dma_semaphore, #tpu.memory_space<semaphore_mem>>
            %dma_start3A_70 = arith.constant 0 : i32
            %dma_start3A_71 = tpu.memref_slice %arg8[%add3A_43, %dma_start3A_70] : memref<40x128xi32, #tpu.memory_space<vmem>> -> memref<1x128xi32, #tpu.memory_space<vmem>>
            %dma_start3A_72 = tpu.memref_squeeze %dma_start3A_71 : memref<1x128xi32, #tpu.memory_space<vmem>> -> memref<128xi32, #tpu.memory_space<vmem>>
            %dma_start3A_73 = arith.constant 0 : i32
            %dma_start3A_74 = arith.constant 0 : i32
            %dma_start3A_75 = tpu.memref_slice %arg13[%dma_start3A_73, %dma_start3A_74] : memref<10241x128xf32, #tpu.memory_space<vmem_shared>> -> memref<10241x128xf32, #tpu.memory_space<vmem_shared>>
            tpu.enqueue_indirect_dma source(%arg10 : memref<128x128xf32, #tpu.memory_space<vmem>>) target(%dma_start3A_75 : memref<10241x128xf32, #tpu.memory_space<vmem_shared>>) offsets(%dma_start3A_72 : memref<128xi32, #tpu.memory_space<vmem>>) semaphore(%run_scoped3A : memref<!tpu.dma_semaphore, #tpu.memory_space<semaphore_mem>>) {add = true}
            %dma_wait3A_76 = arith.constant 0 : i32
            %dma_wait3A_77 = tpu.memref_slice %arg8[%add3A_43, %dma_wait3A_76] : memref<40x128xi32, #tpu.memory_space<vmem>> -> memref<1x128xi32, #tpu.memory_space<vmem>>
            %dma_wait3A_78 = tpu.memref_squeeze %dma_wait3A_77 : memref<1x128xi32, #tpu.memory_space<vmem>> -> memref<128xi32, #tpu.memory_space<vmem>>
            %dma_wait3A_79 = arith.constant 0 : i32
            %dma_wait3A_80 = arith.constant 0 : i32
            %dma_wait3A_81 = tpu.memref_slice %arg13[%dma_wait3A_79, %dma_wait3A_80] : memref<10241x128xf32, #tpu.memory_space<vmem_shared>> -> memref<10241x128xf32, #tpu.memory_space<vmem_shared>>
            tpu.wait_indirect_dma semaphore(%run_scoped3A : memref<!tpu.dma_semaphore, #tpu.memory_space<semaphore_mem>>) src(%arg10 : memref<128x128xf32, #tpu.memory_space<vmem>>) dst(%dma_wait3A_81 : memref<10241x128xf32, #tpu.memory_space<vmem_shared>>)
            tpu.yield
          }) : () -> ()
        } else {
        }
      } else {
      }
    }
    %scan3A_16 = arith.constant 20 : i32
    %mul3A_17 = arith.constant 80 : i32
    %mul3A_18 = arith.muli %arg1, %mul3A_17 : i32
    %add3A_19 = arith.constant 40 : i32
    %add3A_20 = arith.addi %mul3A_18, %add3A_19 : i32
    "tpu.region"() ({
      %run_scoped3A = tpu.sem_alloc : memref<!tpu.dma_semaphore, #tpu.memory_space<semaphore_mem>>
      %dma_start3A_39 = arith.constant 0 : i32
      %dma_start3A_40 = tpu.memref_slice %arg3[%arg0, %add3A_20, %dma_start3A_39] : memref<2x1280x128xi32, #tpu.memory_space<hbm>> -> memref<1x40x128xi32, #tpu.memory_space<hbm>>
      %dma_start3A_41 = tpu.memref_squeeze %dma_start3A_40 : memref<1x40x128xi32, #tpu.memory_space<hbm>> -> memref<40x128xi32, #tpu.memory_space<hbm>>
      %dma_start3A_42 = arith.constant 0 : i32
      %dma_start3A_43 = tpu.memref_slice %arg3[%arg0, %add3A_20, %dma_start3A_42] : memref<2x1280x128xi32, #tpu.memory_space<hbm>> -> memref<1x40x128xi32, #tpu.memory_space<hbm>>
      %dma_start3A_44 = tpu.memref_squeeze %dma_start3A_43 : memref<1x40x128xi32, #tpu.memory_space<hbm>> -> memref<40x128xi32, #tpu.memory_space<hbm>>
      tpu.enqueue_dma source(%dma_start3A_44 : memref<40x128xi32, #tpu.memory_space<hbm>>) target(%arg7 : memref<40x128xi32, #tpu.memory_space<vmem>>) target_semaphore(%run_scoped3A : memref<!tpu.dma_semaphore, #tpu.memory_space<semaphore_mem>>)
      %dma_wait3A = arith.constant 0 : i32
      %dma_wait3A_45 = tpu.memref_slice %arg3[%arg0, %add3A_20, %dma_wait3A] : memref<2x1280x128xi32, #tpu.memory_space<hbm>> -> memref<1x40x128xi32, #tpu.memory_space<hbm>>
      %dma_wait3A_46 = tpu.memref_squeeze %dma_wait3A_45 : memref<1x40x128xi32, #tpu.memory_space<hbm>> -> memref<40x128xi32, #tpu.memory_space<hbm>>
      %dma_wait3A_47 = arith.constant 0 : i32
      %dma_wait3A_48 = tpu.memref_slice %arg3[%arg0, %add3A_20, %dma_wait3A_47] : memref<2x1280x128xi32, #tpu.memory_space<hbm>> -> memref<1x40x128xi32, #tpu.memory_space<hbm>>
      %dma_wait3A_49 = tpu.memref_squeeze %dma_wait3A_48 : memref<1x40x128xi32, #tpu.memory_space<hbm>> -> memref<40x128xi32, #tpu.memory_space<hbm>>
      tpu.wait_dma2 semaphore(%run_scoped3A : memref<!tpu.dma_semaphore, #tpu.memory_space<semaphore_mem>>) src(%dma_wait3A_49 : memref<40x128xi32, #tpu.memory_space<hbm>>) dst(%arg7 : memref<40x128xi32, #tpu.memory_space<vmem>>)
      tpu.yield
    }) : () -> ()
    "tpu.region"() ({
      %run_scoped3A = tpu.sem_alloc : memref<!tpu.dma_semaphore, #tpu.memory_space<semaphore_mem>>
      %dma_start3A_39 = arith.constant 0 : i32
      %dma_start3A_40 = tpu.memref_slice %arg4[%add3A_20, %dma_start3A_39] : memref<1280x128xi32, #tpu.memory_space<hbm>> -> memref<40x128xi32, #tpu.memory_space<hbm>>
      %dma_start3A_41 = arith.constant 0 : i32
      %dma_start3A_42 = tpu.memref_slice %arg4[%add3A_20, %dma_start3A_41] : memref<1280x128xi32, #tpu.memory_space<hbm>> -> memref<40x128xi32, #tpu.memory_space<hbm>>
      tpu.enqueue_dma source(%dma_start3A_42 : memref<40x128xi32, #tpu.memory_space<hbm>>) target(%arg8 : memref<40x128xi32, #tpu.memory_space<vmem>>) target_semaphore(%run_scoped3A : memref<!tpu.dma_semaphore, #tpu.memory_space<semaphore_mem>>)
      %dma_wait3A = arith.constant 0 : i32
      %dma_wait3A_43 = tpu.memref_slice %arg4[%add3A_20, %dma_wait3A] : memref<1280x128xi32, #tpu.memory_space<hbm>> -> memref<40x128xi32, #tpu.memory_space<hbm>>
      %dma_wait3A_44 = arith.constant 0 : i32
      %dma_wait3A_45 = tpu.memref_slice %arg4[%add3A_20, %dma_wait3A_44] : memref<1280x128xi32, #tpu.memory_space<hbm>> -> memref<40x128xi32, #tpu.memory_space<hbm>>
      tpu.wait_dma2 semaphore(%run_scoped3A : memref<!tpu.dma_semaphore, #tpu.memory_space<semaphore_mem>>) src(%dma_wait3A_45 : memref<40x128xi32, #tpu.memory_space<hbm>>) dst(%arg8 : memref<40x128xi32, #tpu.memory_space<vmem>>)
      tpu.yield
    }) : () -> ()
    %sub3A_21 = arith.constant 1250 : i32
    %sub3A_22 = arith.subi %sub3A_21, %add3A_20 : i32
    %min3A_23 = arith.constant 40 : i32
    %min3A_24 = arith.minsi %min3A_23, %sub3A_22 : i32
    %dma_start3A_25 = arith.constant 0 : i32
    %dma_start3A_26 = arith.constant 0 : i32
    %dma_start3A_27 = tpu.memref_slice %arg7[%dma_start3A_25, %dma_start3A_26] : memref<40x128xi32, #tpu.memory_space<vmem>> -> memref<1x128xi32, #tpu.memory_space<vmem>>
    %dma_start3A_28 = tpu.memref_squeeze %dma_start3A_27 : memref<1x128xi32, #tpu.memory_space<vmem>> -> memref<128xi32, #tpu.memory_space<vmem>>
    %dma_start3A_29 = arith.constant 0 : i32
    %dma_start3A_30 = arith.constant 0 : i32
    %dma_start3A_31 = tpu.memref_slice %arg2[%dma_start3A_29, %dma_start3A_30] : memref<20480x128xf32, #tpu.memory_space<hbm>> -> memref<20480x128xf32, #tpu.memory_space<hbm>>
    tpu.enqueue_indirect_dma source(%dma_start3A_31 : memref<20480x128xf32, #tpu.memory_space<hbm>>) target(%arg9 : memref<128x128xf32, #tpu.memory_space<vmem>>) offsets(%dma_start3A_28 : memref<128xi32, #tpu.memory_space<vmem>>) semaphore(%arg11 : memref<!tpu.dma_semaphore, #tpu.memory_space<semaphore_mem>>)
    %scan3A_32 = arith.constant 0 : i32
    %scan3A_33 = arith.constant 0 : i32
    %scan3A_34 = arith.constant 20 : i32
    %scan3A_35 = arith.addi %scan3A_33, %scan3A_34 : i32
    %scan3A_36 = arith.constant 1 : i32
    scf.for %scan3A_39 = %scan3A_33 to %scan3A_35 step %scan3A_36  : i32 {
      %mul3A_40 = arith.constant 2 : i32
      %mul3A_41 = arith.muli %mul3A_40, %scan3A_39 : i32
      %add3A_42 = arith.constant 1 : i32
      %add3A_43 = arith.addi %mul3A_41, %add3A_42 : i32
      %lt3A = arith.cmpi slt, %mul3A_41, %min3A_24 : i32
      %convert_element_type3A = arith.extui %lt3A : i1 to i32
      %cond3A = arith.constant 0 : i32
      %cond3A_44 = arith.cmpi ne, %convert_element_type3A, %cond3A : i32
      scf.if %cond3A_44 {
        %dma_wait3A = arith.constant 0 : i32
        %dma_wait3A_45 = tpu.memref_slice %arg7[%mul3A_41, %dma_wait3A] : memref<40x128xi32, #tpu.memory_space<vmem>> -> memref<1x128xi32, #tpu.memory_space<vmem>>
        %dma_wait3A_46 = tpu.memref_squeeze %dma_wait3A_45 : memref<1x128xi32, #tpu.memory_space<vmem>> -> memref<128xi32, #tpu.memory_space<vmem>>
        %dma_wait3A_47 = arith.constant 0 : i32
        %dma_wait3A_48 = arith.constant 0 : i32
        %dma_wait3A_49 = tpu.memref_slice %arg2[%dma_wait3A_47, %dma_wait3A_48] : memref<20480x128xf32, #tpu.memory_space<hbm>> -> memref<20480x128xf32, #tpu.memory_space<hbm>>
        tpu.wait_indirect_dma semaphore(%arg11 : memref<!tpu.dma_semaphore, #tpu.memory_space<semaphore_mem>>) src(%dma_wait3A_49 : memref<20480x128xf32, #tpu.memory_space<hbm>>) dst(%arg9 : memref<128x128xf32, #tpu.memory_space<vmem>>)
        %lt3A_50 = arith.cmpi slt, %add3A_43, %min3A_24 : i32
        %convert_element_type3A_51 = arith.extui %lt3A_50 : i1 to i32
        %cond3A_52 = arith.constant 0 : i32
        %cond3A_53 = arith.cmpi ne, %convert_element_type3A_51, %cond3A_52 : i32
        scf.if %cond3A_53 {
          %dma_start3A_58 = arith.constant 0 : i32
          %dma_start3A_59 = tpu.memref_slice %arg7[%add3A_43, %dma_start3A_58] : memref<40x128xi32, #tpu.memory_space<vmem>> -> memref<1x128xi32, #tpu.memory_space<vmem>>
          %dma_start3A_60 = tpu.memref_squeeze %dma_start3A_59 : memref<1x128xi32, #tpu.memory_space<vmem>> -> memref<128xi32, #tpu.memory_space<vmem>>
          %dma_start3A_61 = arith.constant 0 : i32
          %dma_start3A_62 = arith.constant 0 : i32
          %dma_start3A_63 = tpu.memref_slice %arg2[%dma_start3A_61, %dma_start3A_62] : memref<20480x128xf32, #tpu.memory_space<hbm>> -> memref<20480x128xf32, #tpu.memory_space<hbm>>
          tpu.enqueue_indirect_dma source(%dma_start3A_63 : memref<20480x128xf32, #tpu.memory_space<hbm>>) target(%arg10 : memref<128x128xf32, #tpu.memory_space<vmem>>) offsets(%dma_start3A_60 : memref<128xi32, #tpu.memory_space<vmem>>) semaphore(%arg12 : memref<!tpu.dma_semaphore, #tpu.memory_space<semaphore_mem>>)
        } else {
        }
        "tpu.region"() ({
          %run_scoped3A = tpu.sem_alloc : memref<!tpu.dma_semaphore, #tpu.memory_space<semaphore_mem>>
          %dma_start3A_58 = arith.constant 0 : i32
          %dma_start3A_59 = tpu.memref_slice %arg8[%mul3A_41, %dma_start3A_58] : memref<40x128xi32, #tpu.memory_space<vmem>> -> memref<1x128xi32, #tpu.memory_space<vmem>>
          %dma_start3A_60 = tpu.memref_squeeze %dma_start3A_59 : memref<1x128xi32, #tpu.memory_space<vmem>> -> memref<128xi32, #tpu.memory_space<vmem>>
          %dma_start3A_61 = arith.constant 0 : i32
          %dma_start3A_62 = arith.constant 0 : i32
          %dma_start3A_63 = tpu.memref_slice %arg13[%dma_start3A_61, %dma_start3A_62] : memref<10241x128xf32, #tpu.memory_space<vmem_shared>> -> memref<10241x128xf32, #tpu.memory_space<vmem_shared>>
          tpu.enqueue_indirect_dma source(%arg9 : memref<128x128xf32, #tpu.memory_space<vmem>>) target(%dma_start3A_63 : memref<10241x128xf32, #tpu.memory_space<vmem_shared>>) offsets(%dma_start3A_60 : memref<128xi32, #tpu.memory_space<vmem>>) semaphore(%run_scoped3A : memref<!tpu.dma_semaphore, #tpu.memory_space<semaphore_mem>>) {add = true}
          %dma_wait3A_64 = arith.constant 0 : i32
          %dma_wait3A_65 = tpu.memref_slice %arg8[%mul3A_41, %dma_wait3A_64] : memref<40x128xi32, #tpu.memory_space<vmem>> -> memref<1x128xi32, #tpu.memory_space<vmem>>
          %dma_wait3A_66 = tpu.memref_squeeze %dma_wait3A_65 : memref<1x128xi32, #tpu.memory_space<vmem>> -> memref<128xi32, #tpu.memory_space<vmem>>
          %dma_wait3A_67 = arith.constant 0 : i32
          %dma_wait3A_68 = arith.constant 0 : i32
          %dma_wait3A_69 = tpu.memref_slice %arg13[%dma_wait3A_67, %dma_wait3A_68] : memref<10241x128xf32, #tpu.memory_space<vmem_shared>> -> memref<10241x128xf32, #tpu.memory_space<vmem_shared>>
          tpu.wait_indirect_dma semaphore(%run_scoped3A : memref<!tpu.dma_semaphore, #tpu.memory_space<semaphore_mem>>) src(%arg9 : memref<128x128xf32, #tpu.memory_space<vmem>>) dst(%dma_wait3A_69 : memref<10241x128xf32, #tpu.memory_space<vmem_shared>>)
          tpu.yield
        }) : () -> ()
        %lt3A_54 = arith.cmpi slt, %add3A_43, %min3A_24 : i32
        %convert_element_type3A_55 = arith.extui %lt3A_54 : i1 to i32
        %cond3A_56 = arith.constant 0 : i32
        %cond3A_57 = arith.cmpi ne, %convert_element_type3A_55, %cond3A_56 : i32
        scf.if %cond3A_57 {
          %dma_wait3A_58 = arith.constant 0 : i32
          %dma_wait3A_59 = tpu.memref_slice %arg7[%add3A_43, %dma_wait3A_58] : memref<40x128xi32, #tpu.memory_space<vmem>> -> memref<1x128xi32, #tpu.memory_space<vmem>>
          %dma_wait3A_60 = tpu.memref_squeeze %dma_wait3A_59 : memref<1x128xi32, #tpu.memory_space<vmem>> -> memref<128xi32, #tpu.memory_space<vmem>>
          %dma_wait3A_61 = arith.constant 0 : i32
          %dma_wait3A_62 = arith.constant 0 : i32
          %dma_wait3A_63 = tpu.memref_slice %arg2[%dma_wait3A_61, %dma_wait3A_62] : memref<20480x128xf32, #tpu.memory_space<hbm>> -> memref<20480x128xf32, #tpu.memory_space<hbm>>
          tpu.wait_indirect_dma semaphore(%arg12 : memref<!tpu.dma_semaphore, #tpu.memory_space<semaphore_mem>>) src(%dma_wait3A_63 : memref<20480x128xf32, #tpu.memory_space<hbm>>) dst(%arg10 : memref<128x128xf32, #tpu.memory_space<vmem>>)
          %add3A_64 = arith.constant 1 : i32
          %add3A_65 = arith.addi %add3A_43, %add3A_64 : i32
          %lt3A_66 = arith.cmpi slt, %add3A_65, %min3A_24 : i32
          %convert_element_type3A_67 = arith.extui %lt3A_66 : i1 to i32
          %cond3A_68 = arith.constant 0 : i32
          %cond3A_69 = arith.cmpi ne, %convert_element_type3A_67, %cond3A_68 : i32
          scf.if %cond3A_69 {
            %add3A_70 = arith.constant 1 : i32
            %add3A_71 = arith.addi %add3A_43, %add3A_70 : i32
            %dma_start3A_72 = arith.constant 0 : i32
            %dma_start3A_73 = tpu.memref_slice %arg7[%add3A_71, %dma_start3A_72] : memref<40x128xi32, #tpu.memory_space<vmem>> -> memref<1x128xi32, #tpu.memory_space<vmem>>
            %dma_start3A_74 = tpu.memref_squeeze %dma_start3A_73 : memref<1x128xi32, #tpu.memory_space<vmem>> -> memref<128xi32, #tpu.memory_space<vmem>>
            %dma_start3A_75 = arith.constant 0 : i32
            %dma_start3A_76 = arith.constant 0 : i32
            %dma_start3A_77 = tpu.memref_slice %arg2[%dma_start3A_75, %dma_start3A_76] : memref<20480x128xf32, #tpu.memory_space<hbm>> -> memref<20480x128xf32, #tpu.memory_space<hbm>>
            tpu.enqueue_indirect_dma source(%dma_start3A_77 : memref<20480x128xf32, #tpu.memory_space<hbm>>) target(%arg9 : memref<128x128xf32, #tpu.memory_space<vmem>>) offsets(%dma_start3A_74 : memref<128xi32, #tpu.memory_space<vmem>>) semaphore(%arg11 : memref<!tpu.dma_semaphore, #tpu.memory_space<semaphore_mem>>)
          } else {
          }
          "tpu.region"() ({
            %run_scoped3A = tpu.sem_alloc : memref<!tpu.dma_semaphore, #tpu.memory_space<semaphore_mem>>
            %dma_start3A_70 = arith.constant 0 : i32
            %dma_start3A_71 = tpu.memref_slice %arg8[%add3A_43, %dma_start3A_70] : memref<40x128xi32, #tpu.memory_space<vmem>> -> memref<1x128xi32, #tpu.memory_space<vmem>>
            %dma_start3A_72 = tpu.memref_squeeze %dma_start3A_71 : memref<1x128xi32, #tpu.memory_space<vmem>> -> memref<128xi32, #tpu.memory_space<vmem>>
            %dma_start3A_73 = arith.constant 0 : i32
            %dma_start3A_74 = arith.constant 0 : i32
            %dma_start3A_75 = tpu.memref_slice %arg13[%dma_start3A_73, %dma_start3A_74] : memref<10241x128xf32, #tpu.memory_space<vmem_shared>> -> memref<10241x128xf32, #tpu.memory_space<vmem_shared>>
            tpu.enqueue_indirect_dma source(%arg10 : memref<128x128xf32, #tpu.memory_space<vmem>>) target(%dma_start3A_75 : memref<10241x128xf32, #tpu.memory_space<vmem_shared>>) offsets(%dma_start3A_72 : memref<128xi32, #tpu.memory_space<vmem>>) semaphore(%run_scoped3A : memref<!tpu.dma_semaphore, #tpu.memory_space<semaphore_mem>>) {add = true}
            %dma_wait3A_76 = arith.constant 0 : i32
            %dma_wait3A_77 = tpu.memref_slice %arg8[%add3A_43, %dma_wait3A_76] : memref<40x128xi32, #tpu.memory_space<vmem>> -> memref<1x128xi32, #tpu.memory_space<vmem>>
            %dma_wait3A_78 = tpu.memref_squeeze %dma_wait3A_77 : memref<1x128xi32, #tpu.memory_space<vmem>> -> memref<128xi32, #tpu.memory_space<vmem>>
            %dma_wait3A_79 = arith.constant 0 : i32
            %dma_wait3A_80 = arith.constant 0 : i32
            %dma_wait3A_81 = tpu.memref_slice %arg13[%dma_wait3A_79, %dma_wait3A_80] : memref<10241x128xf32, #tpu.memory_space<vmem_shared>> -> memref<10241x128xf32, #tpu.memory_space<vmem_shared>>
            tpu.wait_indirect_dma semaphore(%run_scoped3A : memref<!tpu.dma_semaphore, #tpu.memory_space<semaphore_mem>>) src(%arg10 : memref<128x128xf32, #tpu.memory_space<vmem>>) dst(%dma_wait3A_81 : memref<10241x128xf32, #tpu.memory_space<vmem_shared>>)
            tpu.yield
          }) : () -> ()
        } else {
        }
      } else {
      }
    }
    %scan3A_37 = arith.constant 20 : i32
    %barrier3A_38 = arith.constant 0 : index
    tpu.barrier barrier_id(%barrier3A_38)
    "tpu.region"() ({
      %run_scoped3A = tpu.sem_alloc : memref<!tpu.dma_semaphore, #tpu.memory_space<semaphore_mem>>
      %dma_start3A_39 = arith.constant 0 : i32
      %dma_start3A_40 = tpu.memref_slice %arg6[%arg0, %mul3A_0, %dma_start3A_39] : memref<2x10240x128xf32, #tpu.memory_space<hbm>> -> memref<1x640x128xf32, #tpu.memory_space<hbm>>
      %dma_start3A_41 = tpu.memref_squeeze %dma_start3A_40 : memref<1x640x128xf32, #tpu.memory_space<hbm>> -> memref<640x128xf32, #tpu.memory_space<hbm>>
      %dma_start3A_42 = arith.constant 0 : i32
      %dma_start3A_43 = tpu.memref_slice %arg13[%mul3A_0, %dma_start3A_42] : memref<10241x128xf32, #tpu.memory_space<vmem_shared>> -> memref<640x128xf32, #tpu.memory_space<vmem_shared>>
      tpu.enqueue_dma source(%dma_start3A_43 : memref<640x128xf32, #tpu.memory_space<vmem_shared>>) target(%dma_start3A_41 : memref<640x128xf32, #tpu.memory_space<hbm>>) target_semaphore(%run_scoped3A : memref<!tpu.dma_semaphore, #tpu.memory_space<semaphore_mem>>)
      %dma_wait3A = arith.constant 0 : i32
      %dma_wait3A_44 = tpu.memref_slice %arg6[%arg0, %mul3A_0, %dma_wait3A] : memref<2x10240x128xf32, #tpu.memory_space<hbm>> -> memref<1x640x128xf32, #tpu.memory_space<hbm>>
      %dma_wait3A_45 = tpu.memref_squeeze %dma_wait3A_44 : memref<1x640x128xf32, #tpu.memory_space<hbm>> -> memref<640x128xf32, #tpu.memory_space<hbm>>
      %dma_wait3A_46 = arith.constant 0 : i32
      %dma_wait3A_47 = tpu.memref_slice %arg13[%mul3A_0, %dma_wait3A_46] : memref<10241x128xf32, #tpu.memory_space<vmem_shared>> -> memref<640x128xf32, #tpu.memory_space<vmem_shared>>
      tpu.wait_dma2 semaphore(%run_scoped3A : memref<!tpu.dma_semaphore, #tpu.memory_space<semaphore_mem>>) src(%dma_wait3A_47 : memref<640x128xf32, #tpu.memory_space<vmem_shared>>) dst(%dma_wait3A_45 : memref<640x128xf32, #tpu.memory_space<hbm>>)
      tpu.yield
    }) : () -> ()
    return
  }
}

#map = affine_map<(d0, d1) -> (0, 0)>
#map1 = affine_map<(d0, d1) -> (0, 0, 0)>
module attributes {stable_mosaic.version = 14 : i64} {
  func.func @_sc_spmm64(%arg0: i32, %arg1: i32, %arg2: memref<10240x128xf32, #tpu.memory_space<hbm>>, %arg3: memref<1280x128xi32, #tpu.memory_space<hbm>>, %arg4: memref<1280x128xi32, #tpu.memory_space<hbm>>, %arg5: memref<10240x128xf32, #tpu.memory_space<hbm>>, %arg6: memref<2x10240x128xf32, #tpu.memory_space<hbm>>, %arg7: memref<40x128xi32, #tpu.memory_space<vmem>>, %arg8: memref<40x128xi32, #tpu.memory_space<vmem>>, %arg9: memref<128x128xf32, #tpu.memory_space<vmem>>, %arg10: memref<128x128xf32, #tpu.memory_space<vmem>>, %arg11: memref<!tpu.dma_semaphore, #tpu.memory_space<semaphore_mem>>, %arg12: memref<!tpu.dma_semaphore, #tpu.memory_space<semaphore_mem>>, %arg13: memref<10241x128xf32, #tpu.memory_space<vmem_shared>>) attributes {dimension_semantics = [#tpu.dimension_semantics<core_parallel>, #tpu.dimension_semantics<subcore_parallel>], iteration_bounds = array<i64: 2, 16>, scalar_prefetch = 0 : i64, scratch_operands = 7 : i64, tpu.core_type = #tpu.core_type<sc_vector_subcore>, window_params = [{transform_indices = #map}, {transform_indices = #map}, {transform_indices = #map}, {transform_indices = #map}, {transform_indices = #map1}]} {
    %mul3A = arith.constant 640 : i32
    %mul3A_0 = arith.muli %arg1, %mul3A : i32
    %mul3A_1 = arith.constant 640 : i32
    %mul3A_2 = arith.muli %arg0, %mul3A_1 : i32
    %mul3A_3 = arith.constant 40 : i32
    %mul3A_4 = arith.muli %arg1, %mul3A_3 : i32
    %add3A = arith.addi %mul3A_2, %mul3A_4 : i32
    "tpu.region"() ({
      %run_scoped3A = tpu.sem_alloc : memref<!tpu.dma_semaphore, #tpu.memory_space<semaphore_mem>>
      %dma_start3A_19 = arith.constant 0 : i32
      %dma_start3A_20 = tpu.memref_slice %arg13[%mul3A_0, %dma_start3A_19] : memref<10241x128xf32, #tpu.memory_space<vmem_shared>> -> memref<640x128xf32, #tpu.memory_space<vmem_shared>>
      %dma_start3A_21 = arith.constant 0 : i32
      %dma_start3A_22 = tpu.memref_slice %arg5[%mul3A_0, %dma_start3A_21] : memref<10240x128xf32, #tpu.memory_space<hbm>> -> memref<640x128xf32, #tpu.memory_space<hbm>>
      tpu.enqueue_dma source(%dma_start3A_22 : memref<640x128xf32, #tpu.memory_space<hbm>>) target(%dma_start3A_20 : memref<640x128xf32, #tpu.memory_space<vmem_shared>>) target_semaphore(%run_scoped3A : memref<!tpu.dma_semaphore, #tpu.memory_space<semaphore_mem>>)
      %dma_wait3A = arith.constant 0 : i32
      %dma_wait3A_23 = tpu.memref_slice %arg13[%mul3A_0, %dma_wait3A] : memref<10241x128xf32, #tpu.memory_space<vmem_shared>> -> memref<640x128xf32, #tpu.memory_space<vmem_shared>>
      %dma_wait3A_24 = arith.constant 0 : i32
      %dma_wait3A_25 = tpu.memref_slice %arg5[%mul3A_0, %dma_wait3A_24] : memref<10240x128xf32, #tpu.memory_space<hbm>> -> memref<640x128xf32, #tpu.memory_space<hbm>>
      tpu.wait_dma2 semaphore(%run_scoped3A : memref<!tpu.dma_semaphore, #tpu.memory_space<semaphore_mem>>) src(%dma_wait3A_25 : memref<640x128xf32, #tpu.memory_space<hbm>>) dst(%dma_wait3A_23 : memref<640x128xf32, #tpu.memory_space<vmem_shared>>)
      tpu.yield
    }) : () -> ()
    "tpu.region"() ({
      %run_scoped3A = tpu.sem_alloc : memref<!tpu.dma_semaphore, #tpu.memory_space<semaphore_mem>>
      %dma_start3A_19 = arith.constant 0 : i32
      %dma_start3A_20 = tpu.memref_slice %arg3[%add3A, %dma_start3A_19] : memref<1280x128xi32, #tpu.memory_space<hbm>> -> memref<40x128xi32, #tpu.memory_space<hbm>>
      %dma_start3A_21 = arith.constant 0 : i32
      %dma_start3A_22 = tpu.memref_slice %arg3[%add3A, %dma_start3A_21] : memref<1280x128xi32, #tpu.memory_space<hbm>> -> memref<40x128xi32, #tpu.memory_space<hbm>>
      tpu.enqueue_dma source(%dma_start3A_22 : memref<40x128xi32, #tpu.memory_space<hbm>>) target(%arg7 : memref<40x128xi32, #tpu.memory_space<vmem>>) target_semaphore(%run_scoped3A : memref<!tpu.dma_semaphore, #tpu.memory_space<semaphore_mem>>)
      %dma_wait3A = arith.constant 0 : i32
      %dma_wait3A_23 = tpu.memref_slice %arg3[%add3A, %dma_wait3A] : memref<1280x128xi32, #tpu.memory_space<hbm>> -> memref<40x128xi32, #tpu.memory_space<hbm>>
      %dma_wait3A_24 = arith.constant 0 : i32
      %dma_wait3A_25 = tpu.memref_slice %arg3[%add3A, %dma_wait3A_24] : memref<1280x128xi32, #tpu.memory_space<hbm>> -> memref<40x128xi32, #tpu.memory_space<hbm>>
      tpu.wait_dma2 semaphore(%run_scoped3A : memref<!tpu.dma_semaphore, #tpu.memory_space<semaphore_mem>>) src(%dma_wait3A_25 : memref<40x128xi32, #tpu.memory_space<hbm>>) dst(%arg7 : memref<40x128xi32, #tpu.memory_space<vmem>>)
      tpu.yield
    }) : () -> ()
    "tpu.region"() ({
      %run_scoped3A = tpu.sem_alloc : memref<!tpu.dma_semaphore, #tpu.memory_space<semaphore_mem>>
      %dma_start3A_19 = arith.constant 0 : i32
      %dma_start3A_20 = tpu.memref_slice %arg4[%add3A, %dma_start3A_19] : memref<1280x128xi32, #tpu.memory_space<hbm>> -> memref<40x128xi32, #tpu.memory_space<hbm>>
      %dma_start3A_21 = arith.constant 0 : i32
      %dma_start3A_22 = tpu.memref_slice %arg4[%add3A, %dma_start3A_21] : memref<1280x128xi32, #tpu.memory_space<hbm>> -> memref<40x128xi32, #tpu.memory_space<hbm>>
      tpu.enqueue_dma source(%dma_start3A_22 : memref<40x128xi32, #tpu.memory_space<hbm>>) target(%arg8 : memref<40x128xi32, #tpu.memory_space<vmem>>) target_semaphore(%run_scoped3A : memref<!tpu.dma_semaphore, #tpu.memory_space<semaphore_mem>>)
      %dma_wait3A = arith.constant 0 : i32
      %dma_wait3A_23 = tpu.memref_slice %arg4[%add3A, %dma_wait3A] : memref<1280x128xi32, #tpu.memory_space<hbm>> -> memref<40x128xi32, #tpu.memory_space<hbm>>
      %dma_wait3A_24 = arith.constant 0 : i32
      %dma_wait3A_25 = tpu.memref_slice %arg4[%add3A, %dma_wait3A_24] : memref<1280x128xi32, #tpu.memory_space<hbm>> -> memref<40x128xi32, #tpu.memory_space<hbm>>
      tpu.wait_dma2 semaphore(%run_scoped3A : memref<!tpu.dma_semaphore, #tpu.memory_space<semaphore_mem>>) src(%dma_wait3A_25 : memref<40x128xi32, #tpu.memory_space<hbm>>) dst(%arg8 : memref<40x128xi32, #tpu.memory_space<vmem>>)
      tpu.yield
    }) : () -> ()
    %sub3A = arith.constant 1250 : i32
    %sub3A_5 = arith.subi %sub3A, %add3A : i32
    %min3A = arith.constant 40 : i32
    %min3A_6 = arith.minsi %min3A, %sub3A_5 : i32
    %barrier3A = arith.constant 0 : index
    tpu.barrier barrier_id(%barrier3A)
    %dma_start3A = arith.constant 0 : i32
    %dma_start3A_7 = arith.constant 0 : i32
    %dma_start3A_8 = tpu.memref_slice %arg7[%dma_start3A, %dma_start3A_7] : memref<40x128xi32, #tpu.memory_space<vmem>> -> memref<1x128xi32, #tpu.memory_space<vmem>>
    %dma_start3A_9 = tpu.memref_squeeze %dma_start3A_8 : memref<1x128xi32, #tpu.memory_space<vmem>> -> memref<128xi32, #tpu.memory_space<vmem>>
    %dma_start3A_10 = arith.constant 0 : i32
    %dma_start3A_11 = arith.constant 0 : i32
    %dma_start3A_12 = tpu.memref_slice %arg2[%dma_start3A_10, %dma_start3A_11] : memref<10240x128xf32, #tpu.memory_space<hbm>> -> memref<10240x128xf32, #tpu.memory_space<hbm>>
    tpu.enqueue_indirect_dma source(%dma_start3A_12 : memref<10240x128xf32, #tpu.memory_space<hbm>>) target(%arg9 : memref<128x128xf32, #tpu.memory_space<vmem>>) offsets(%dma_start3A_9 : memref<128xi32, #tpu.memory_space<vmem>>) semaphore(%arg11 : memref<!tpu.dma_semaphore, #tpu.memory_space<semaphore_mem>>)
    %scan3A = arith.constant 0 : i32
    %scan3A_13 = arith.constant 0 : i32
    %scan3A_14 = arith.constant 20 : i32
    %scan3A_15 = arith.addi %scan3A_13, %scan3A_14 : i32
    %scan3A_16 = arith.constant 1 : i32
    scf.for %scan3A_19 = %scan3A_13 to %scan3A_15 step %scan3A_16  : i32 {
      %mul3A_20 = arith.constant 2 : i32
      %mul3A_21 = arith.muli %mul3A_20, %scan3A_19 : i32
      %add3A_22 = arith.constant 1 : i32
      %add3A_23 = arith.addi %mul3A_21, %add3A_22 : i32
      %lt3A = arith.cmpi slt, %mul3A_21, %min3A_6 : i32
      %convert_element_type3A = arith.extui %lt3A : i1 to i32
      %cond3A = arith.constant 0 : i32
      %cond3A_24 = arith.cmpi ne, %convert_element_type3A, %cond3A : i32
      scf.if %cond3A_24 {
        %dma_wait3A = arith.constant 0 : i32
        %dma_wait3A_25 = tpu.memref_slice %arg7[%mul3A_21, %dma_wait3A] : memref<40x128xi32, #tpu.memory_space<vmem>> -> memref<1x128xi32, #tpu.memory_space<vmem>>
        %dma_wait3A_26 = tpu.memref_squeeze %dma_wait3A_25 : memref<1x128xi32, #tpu.memory_space<vmem>> -> memref<128xi32, #tpu.memory_space<vmem>>
        %dma_wait3A_27 = arith.constant 0 : i32
        %dma_wait3A_28 = arith.constant 0 : i32
        %dma_wait3A_29 = tpu.memref_slice %arg2[%dma_wait3A_27, %dma_wait3A_28] : memref<10240x128xf32, #tpu.memory_space<hbm>> -> memref<10240x128xf32, #tpu.memory_space<hbm>>
        tpu.wait_indirect_dma semaphore(%arg11 : memref<!tpu.dma_semaphore, #tpu.memory_space<semaphore_mem>>) src(%dma_wait3A_29 : memref<10240x128xf32, #tpu.memory_space<hbm>>) dst(%arg9 : memref<128x128xf32, #tpu.memory_space<vmem>>)
        %lt3A_30 = arith.cmpi slt, %add3A_23, %min3A_6 : i32
        %convert_element_type3A_31 = arith.extui %lt3A_30 : i1 to i32
        %cond3A_32 = arith.constant 0 : i32
        %cond3A_33 = arith.cmpi ne, %convert_element_type3A_31, %cond3A_32 : i32
        scf.if %cond3A_33 {
          %dma_start3A_38 = arith.constant 0 : i32
          %dma_start3A_39 = tpu.memref_slice %arg7[%add3A_23, %dma_start3A_38] : memref<40x128xi32, #tpu.memory_space<vmem>> -> memref<1x128xi32, #tpu.memory_space<vmem>>
          %dma_start3A_40 = tpu.memref_squeeze %dma_start3A_39 : memref<1x128xi32, #tpu.memory_space<vmem>> -> memref<128xi32, #tpu.memory_space<vmem>>
          %dma_start3A_41 = arith.constant 0 : i32
          %dma_start3A_42 = arith.constant 0 : i32
          %dma_start3A_43 = tpu.memref_slice %arg2[%dma_start3A_41, %dma_start3A_42] : memref<10240x128xf32, #tpu.memory_space<hbm>> -> memref<10240x128xf32, #tpu.memory_space<hbm>>
          tpu.enqueue_indirect_dma source(%dma_start3A_43 : memref<10240x128xf32, #tpu.memory_space<hbm>>) target(%arg10 : memref<128x128xf32, #tpu.memory_space<vmem>>) offsets(%dma_start3A_40 : memref<128xi32, #tpu.memory_space<vmem>>) semaphore(%arg12 : memref<!tpu.dma_semaphore, #tpu.memory_space<semaphore_mem>>)
        } else {
        }
        "tpu.region"() ({
          %run_scoped3A = tpu.sem_alloc : memref<!tpu.dma_semaphore, #tpu.memory_space<semaphore_mem>>
          %dma_start3A_38 = arith.constant 0 : i32
          %dma_start3A_39 = tpu.memref_slice %arg8[%mul3A_21, %dma_start3A_38] : memref<40x128xi32, #tpu.memory_space<vmem>> -> memref<1x128xi32, #tpu.memory_space<vmem>>
          %dma_start3A_40 = tpu.memref_squeeze %dma_start3A_39 : memref<1x128xi32, #tpu.memory_space<vmem>> -> memref<128xi32, #tpu.memory_space<vmem>>
          %dma_start3A_41 = arith.constant 0 : i32
          %dma_start3A_42 = arith.constant 0 : i32
          %dma_start3A_43 = tpu.memref_slice %arg13[%dma_start3A_41, %dma_start3A_42] : memref<10241x128xf32, #tpu.memory_space<vmem_shared>> -> memref<10241x128xf32, #tpu.memory_space<vmem_shared>>
          tpu.enqueue_indirect_dma source(%arg9 : memref<128x128xf32, #tpu.memory_space<vmem>>) target(%dma_start3A_43 : memref<10241x128xf32, #tpu.memory_space<vmem_shared>>) offsets(%dma_start3A_40 : memref<128xi32, #tpu.memory_space<vmem>>) semaphore(%run_scoped3A : memref<!tpu.dma_semaphore, #tpu.memory_space<semaphore_mem>>) {add = true}
          %dma_wait3A_44 = arith.constant 0 : i32
          %dma_wait3A_45 = tpu.memref_slice %arg8[%mul3A_21, %dma_wait3A_44] : memref<40x128xi32, #tpu.memory_space<vmem>> -> memref<1x128xi32, #tpu.memory_space<vmem>>
          %dma_wait3A_46 = tpu.memref_squeeze %dma_wait3A_45 : memref<1x128xi32, #tpu.memory_space<vmem>> -> memref<128xi32, #tpu.memory_space<vmem>>
          %dma_wait3A_47 = arith.constant 0 : i32
          %dma_wait3A_48 = arith.constant 0 : i32
          %dma_wait3A_49 = tpu.memref_slice %arg13[%dma_wait3A_47, %dma_wait3A_48] : memref<10241x128xf32, #tpu.memory_space<vmem_shared>> -> memref<10241x128xf32, #tpu.memory_space<vmem_shared>>
          tpu.wait_indirect_dma semaphore(%run_scoped3A : memref<!tpu.dma_semaphore, #tpu.memory_space<semaphore_mem>>) src(%arg9 : memref<128x128xf32, #tpu.memory_space<vmem>>) dst(%dma_wait3A_49 : memref<10241x128xf32, #tpu.memory_space<vmem_shared>>)
          tpu.yield
        }) : () -> ()
        %lt3A_34 = arith.cmpi slt, %add3A_23, %min3A_6 : i32
        %convert_element_type3A_35 = arith.extui %lt3A_34 : i1 to i32
        %cond3A_36 = arith.constant 0 : i32
        %cond3A_37 = arith.cmpi ne, %convert_element_type3A_35, %cond3A_36 : i32
        scf.if %cond3A_37 {
          %dma_wait3A_38 = arith.constant 0 : i32
          %dma_wait3A_39 = tpu.memref_slice %arg7[%add3A_23, %dma_wait3A_38] : memref<40x128xi32, #tpu.memory_space<vmem>> -> memref<1x128xi32, #tpu.memory_space<vmem>>
          %dma_wait3A_40 = tpu.memref_squeeze %dma_wait3A_39 : memref<1x128xi32, #tpu.memory_space<vmem>> -> memref<128xi32, #tpu.memory_space<vmem>>
          %dma_wait3A_41 = arith.constant 0 : i32
          %dma_wait3A_42 = arith.constant 0 : i32
          %dma_wait3A_43 = tpu.memref_slice %arg2[%dma_wait3A_41, %dma_wait3A_42] : memref<10240x128xf32, #tpu.memory_space<hbm>> -> memref<10240x128xf32, #tpu.memory_space<hbm>>
          tpu.wait_indirect_dma semaphore(%arg12 : memref<!tpu.dma_semaphore, #tpu.memory_space<semaphore_mem>>) src(%dma_wait3A_43 : memref<10240x128xf32, #tpu.memory_space<hbm>>) dst(%arg10 : memref<128x128xf32, #tpu.memory_space<vmem>>)
          %add3A_44 = arith.constant 1 : i32
          %add3A_45 = arith.addi %add3A_23, %add3A_44 : i32
          %lt3A_46 = arith.cmpi slt, %add3A_45, %min3A_6 : i32
          %convert_element_type3A_47 = arith.extui %lt3A_46 : i1 to i32
          %cond3A_48 = arith.constant 0 : i32
          %cond3A_49 = arith.cmpi ne, %convert_element_type3A_47, %cond3A_48 : i32
          scf.if %cond3A_49 {
            %add3A_50 = arith.constant 1 : i32
            %add3A_51 = arith.addi %add3A_23, %add3A_50 : i32
            %dma_start3A_52 = arith.constant 0 : i32
            %dma_start3A_53 = tpu.memref_slice %arg7[%add3A_51, %dma_start3A_52] : memref<40x128xi32, #tpu.memory_space<vmem>> -> memref<1x128xi32, #tpu.memory_space<vmem>>
            %dma_start3A_54 = tpu.memref_squeeze %dma_start3A_53 : memref<1x128xi32, #tpu.memory_space<vmem>> -> memref<128xi32, #tpu.memory_space<vmem>>
            %dma_start3A_55 = arith.constant 0 : i32
            %dma_start3A_56 = arith.constant 0 : i32
            %dma_start3A_57 = tpu.memref_slice %arg2[%dma_start3A_55, %dma_start3A_56] : memref<10240x128xf32, #tpu.memory_space<hbm>> -> memref<10240x128xf32, #tpu.memory_space<hbm>>
            tpu.enqueue_indirect_dma source(%dma_start3A_57 : memref<10240x128xf32, #tpu.memory_space<hbm>>) target(%arg9 : memref<128x128xf32, #tpu.memory_space<vmem>>) offsets(%dma_start3A_54 : memref<128xi32, #tpu.memory_space<vmem>>) semaphore(%arg11 : memref<!tpu.dma_semaphore, #tpu.memory_space<semaphore_mem>>)
          } else {
          }
          "tpu.region"() ({
            %run_scoped3A = tpu.sem_alloc : memref<!tpu.dma_semaphore, #tpu.memory_space<semaphore_mem>>
            %dma_start3A_50 = arith.constant 0 : i32
            %dma_start3A_51 = tpu.memref_slice %arg8[%add3A_23, %dma_start3A_50] : memref<40x128xi32, #tpu.memory_space<vmem>> -> memref<1x128xi32, #tpu.memory_space<vmem>>
            %dma_start3A_52 = tpu.memref_squeeze %dma_start3A_51 : memref<1x128xi32, #tpu.memory_space<vmem>> -> memref<128xi32, #tpu.memory_space<vmem>>
            %dma_start3A_53 = arith.constant 0 : i32
            %dma_start3A_54 = arith.constant 0 : i32
            %dma_start3A_55 = tpu.memref_slice %arg13[%dma_start3A_53, %dma_start3A_54] : memref<10241x128xf32, #tpu.memory_space<vmem_shared>> -> memref<10241x128xf32, #tpu.memory_space<vmem_shared>>
            tpu.enqueue_indirect_dma source(%arg10 : memref<128x128xf32, #tpu.memory_space<vmem>>) target(%dma_start3A_55 : memref<10241x128xf32, #tpu.memory_space<vmem_shared>>) offsets(%dma_start3A_52 : memref<128xi32, #tpu.memory_space<vmem>>) semaphore(%run_scoped3A : memref<!tpu.dma_semaphore, #tpu.memory_space<semaphore_mem>>) {add = true}
            %dma_wait3A_56 = arith.constant 0 : i32
            %dma_wait3A_57 = tpu.memref_slice %arg8[%add3A_23, %dma_wait3A_56] : memref<40x128xi32, #tpu.memory_space<vmem>> -> memref<1x128xi32, #tpu.memory_space<vmem>>
            %dma_wait3A_58 = tpu.memref_squeeze %dma_wait3A_57 : memref<1x128xi32, #tpu.memory_space<vmem>> -> memref<128xi32, #tpu.memory_space<vmem>>
            %dma_wait3A_59 = arith.constant 0 : i32
            %dma_wait3A_60 = arith.constant 0 : i32
            %dma_wait3A_61 = tpu.memref_slice %arg13[%dma_wait3A_59, %dma_wait3A_60] : memref<10241x128xf32, #tpu.memory_space<vmem_shared>> -> memref<10241x128xf32, #tpu.memory_space<vmem_shared>>
            tpu.wait_indirect_dma semaphore(%run_scoped3A : memref<!tpu.dma_semaphore, #tpu.memory_space<semaphore_mem>>) src(%arg10 : memref<128x128xf32, #tpu.memory_space<vmem>>) dst(%dma_wait3A_61 : memref<10241x128xf32, #tpu.memory_space<vmem_shared>>)
            tpu.yield
          }) : () -> ()
        } else {
        }
      } else {
      }
    }
    %scan3A_17 = arith.constant 20 : i32
    %barrier3A_18 = arith.constant 0 : index
    tpu.barrier barrier_id(%barrier3A_18)
    "tpu.region"() ({
      %run_scoped3A = tpu.sem_alloc : memref<!tpu.dma_semaphore, #tpu.memory_space<semaphore_mem>>
      %dma_start3A_19 = arith.constant 0 : i32
      %dma_start3A_20 = tpu.memref_slice %arg6[%arg0, %mul3A_0, %dma_start3A_19] : memref<2x10240x128xf32, #tpu.memory_space<hbm>> -> memref<1x640x128xf32, #tpu.memory_space<hbm>>
      %dma_start3A_21 = tpu.memref_squeeze %dma_start3A_20 : memref<1x640x128xf32, #tpu.memory_space<hbm>> -> memref<640x128xf32, #tpu.memory_space<hbm>>
      %dma_start3A_22 = arith.constant 0 : i32
      %dma_start3A_23 = tpu.memref_slice %arg13[%mul3A_0, %dma_start3A_22] : memref<10241x128xf32, #tpu.memory_space<vmem_shared>> -> memref<640x128xf32, #tpu.memory_space<vmem_shared>>
      tpu.enqueue_dma source(%dma_start3A_23 : memref<640x128xf32, #tpu.memory_space<vmem_shared>>) target(%dma_start3A_21 : memref<640x128xf32, #tpu.memory_space<hbm>>) target_semaphore(%run_scoped3A : memref<!tpu.dma_semaphore, #tpu.memory_space<semaphore_mem>>)
      %dma_wait3A = arith.constant 0 : i32
      %dma_wait3A_24 = tpu.memref_slice %arg6[%arg0, %mul3A_0, %dma_wait3A] : memref<2x10240x128xf32, #tpu.memory_space<hbm>> -> memref<1x640x128xf32, #tpu.memory_space<hbm>>
      %dma_wait3A_25 = tpu.memref_squeeze %dma_wait3A_24 : memref<1x640x128xf32, #tpu.memory_space<hbm>> -> memref<640x128xf32, #tpu.memory_space<hbm>>
      %dma_wait3A_26 = arith.constant 0 : i32
      %dma_wait3A_27 = tpu.memref_slice %arg13[%mul3A_0, %dma_wait3A_26] : memref<10241x128xf32, #tpu.memory_space<vmem_shared>> -> memref<640x128xf32, #tpu.memory_space<vmem_shared>>
      tpu.wait_dma2 semaphore(%run_scoped3A : memref<!tpu.dma_semaphore, #tpu.memory_space<semaphore_mem>>) src(%dma_wait3A_27 : memref<640x128xf32, #tpu.memory_space<vmem_shared>>) dst(%dma_wait3A_25 : memref<640x128xf32, #tpu.memory_space<hbm>>)
      tpu.yield
    }) : () -> ()
    return
  }
}

#map = affine_map<(d0, d1) -> (0, 0)>
#map1 = affine_map<(d0, d1) -> (0, 0, 0)>
module attributes {stable_mosaic.version = 14 : i64} {
  func.func @_sc_spmm256(%arg0: i32, %arg1: i32, %arg2: memref<20480x128xf32, #tpu.memory_space<hbm>>, %arg3: memref<2x1280x128xi32, #tpu.memory_space<hbm>>, %arg4: memref<1280x128xi32, #tpu.memory_space<hbm>>, %arg5: memref<10240x128xf32, #tpu.memory_space<hbm>>, %arg6: memref<2x10240x128xf32, #tpu.memory_space<hbm>>, %arg7: memref<40x128xi32, #tpu.memory_space<vmem>>, %arg8: memref<40x128xi32, #tpu.memory_space<vmem>>, %arg9: memref<128x128xf32, #tpu.memory_space<vmem>>, %arg10: memref<128x128xf32, #tpu.memory_space<vmem>>, %arg11: memref<!tpu.dma_semaphore, #tpu.memory_space<semaphore_mem>>, %arg12: memref<!tpu.dma_semaphore, #tpu.memory_space<semaphore_mem>>, %arg13: memref<10241x128xf32, #tpu.memory_space<vmem_shared>>) attributes {dimension_semantics = [#tpu.dimension_semantics<core_parallel>, #tpu.dimension_semantics<subcore_parallel>], iteration_bounds = array<i64: 2, 16>, scalar_prefetch = 0 : i64, scratch_operands = 7 : i64, tpu.core_type = #tpu.core_type<sc_vector_subcore>, window_params = [{transform_indices = #map}, {transform_indices = #map1}, {transform_indices = #map}, {transform_indices = #map}, {transform_indices = #map1}]} {
    %mul3A = arith.constant 640 : i32
    %mul3A_0 = arith.muli %arg1, %mul3A : i32
    "tpu.region"() ({
      %run_scoped3A = tpu.sem_alloc : memref<!tpu.dma_semaphore, #tpu.memory_space<semaphore_mem>>
      %dma_start3A_39 = arith.constant 0 : i32
      %dma_start3A_40 = tpu.memref_slice %arg13[%mul3A_0, %dma_start3A_39] : memref<10241x128xf32, #tpu.memory_space<vmem_shared>> -> memref<640x128xf32, #tpu.memory_space<vmem_shared>>
      %dma_start3A_41 = arith.constant 0 : i32
      %dma_start3A_42 = tpu.memref_slice %arg5[%mul3A_0, %dma_start3A_41] : memref<10240x128xf32, #tpu.memory_space<hbm>> -> memref<640x128xf32, #tpu.memory_space<hbm>>
      tpu.enqueue_dma source(%dma_start3A_42 : memref<640x128xf32, #tpu.memory_space<hbm>>) target(%dma_start3A_40 : memref<640x128xf32, #tpu.memory_space<vmem_shared>>) target_semaphore(%run_scoped3A : memref<!tpu.dma_semaphore, #tpu.memory_space<semaphore_mem>>)
      %dma_wait3A = arith.constant 0 : i32
      %dma_wait3A_43 = tpu.memref_slice %arg13[%mul3A_0, %dma_wait3A] : memref<10241x128xf32, #tpu.memory_space<vmem_shared>> -> memref<640x128xf32, #tpu.memory_space<vmem_shared>>
      %dma_wait3A_44 = arith.constant 0 : i32
      %dma_wait3A_45 = tpu.memref_slice %arg5[%mul3A_0, %dma_wait3A_44] : memref<10240x128xf32, #tpu.memory_space<hbm>> -> memref<640x128xf32, #tpu.memory_space<hbm>>
      tpu.wait_dma2 semaphore(%run_scoped3A : memref<!tpu.dma_semaphore, #tpu.memory_space<semaphore_mem>>) src(%dma_wait3A_45 : memref<640x128xf32, #tpu.memory_space<hbm>>) dst(%dma_wait3A_43 : memref<640x128xf32, #tpu.memory_space<vmem_shared>>)
      tpu.yield
    }) : () -> ()
    %barrier3A = arith.constant 0 : index
    tpu.barrier barrier_id(%barrier3A)
    %mul3A_1 = arith.constant 80 : i32
    %mul3A_2 = arith.muli %arg1, %mul3A_1 : i32
    %add3A = arith.constant 0 : i32
    %add3A_3 = arith.addi %mul3A_2, %add3A : i32
    "tpu.region"() ({
      %run_scoped3A = tpu.sem_alloc : memref<!tpu.dma_semaphore, #tpu.memory_space<semaphore_mem>>
      %dma_start3A_39 = arith.constant 0 : i32
      %dma_start3A_40 = tpu.memref_slice %arg3[%arg0, %add3A_3, %dma_start3A_39] : memref<2x1280x128xi32, #tpu.memory_space<hbm>> -> memref<1x40x128xi32, #tpu.memory_space<hbm>>
      %dma_start3A_41 = tpu.memref_squeeze %dma_start3A_40 : memref<1x40x128xi32, #tpu.memory_space<hbm>> -> memref<40x128xi32, #tpu.memory_space<hbm>>
      %dma_start3A_42 = arith.constant 0 : i32
      %dma_start3A_43 = tpu.memref_slice %arg3[%arg0, %add3A_3, %dma_start3A_42] : memref<2x1280x128xi32, #tpu.memory_space<hbm>> -> memref<1x40x128xi32, #tpu.memory_space<hbm>>
      %dma_start3A_44 = tpu.memref_squeeze %dma_start3A_43 : memref<1x40x128xi32, #tpu.memory_space<hbm>> -> memref<40x128xi32, #tpu.memory_space<hbm>>
      tpu.enqueue_dma source(%dma_start3A_44 : memref<40x128xi32, #tpu.memory_space<hbm>>) target(%arg7 : memref<40x128xi32, #tpu.memory_space<vmem>>) target_semaphore(%run_scoped3A : memref<!tpu.dma_semaphore, #tpu.memory_space<semaphore_mem>>)
      %dma_wait3A = arith.constant 0 : i32
      %dma_wait3A_45 = tpu.memref_slice %arg3[%arg0, %add3A_3, %dma_wait3A] : memref<2x1280x128xi32, #tpu.memory_space<hbm>> -> memref<1x40x128xi32, #tpu.memory_space<hbm>>
      %dma_wait3A_46 = tpu.memref_squeeze %dma_wait3A_45 : memref<1x40x128xi32, #tpu.memory_space<hbm>> -> memref<40x128xi32, #tpu.memory_space<hbm>>
      %dma_wait3A_47 = arith.constant 0 : i32
      %dma_wait3A_48 = tpu.memref_slice %arg3[%arg0, %add3A_3, %dma_wait3A_47] : memref<2x1280x128xi32, #tpu.memory_space<hbm>> -> memref<1x40x128xi32, #tpu.memory_space<hbm>>
      %dma_wait3A_49 = tpu.memref_squeeze %dma_wait3A_48 : memref<1x40x128xi32, #tpu.memory_space<hbm>> -> memref<40x128xi32, #tpu.memory_space<hbm>>
      tpu.wait_dma2 semaphore(%run_scoped3A : memref<!tpu.dma_semaphore, #tpu.memory_space<semaphore_mem>>) src(%dma_wait3A_49 : memref<40x128xi32, #tpu.memory_space<hbm>>) dst(%arg7 : memref<40x128xi32, #tpu.memory_space<vmem>>)
      tpu.yield
    }) : () -> ()
    "tpu.region"() ({
      %run_scoped3A = tpu.sem_alloc : memref<!tpu.dma_semaphore, #tpu.memory_space<semaphore_mem>>
      %dma_start3A_39 = arith.constant 0 : i32
      %dma_start3A_40 = tpu.memref_slice %arg4[%add3A_3, %dma_start3A_39] : memref<1280x128xi32, #tpu.memory_space<hbm>> -> memref<40x128xi32, #tpu.memory_space<hbm>>
      %dma_start3A_41 = arith.constant 0 : i32
      %dma_start3A_42 = tpu.memref_slice %arg4[%add3A_3, %dma_start3A_41] : memref<1280x128xi32, #tpu.memory_space<hbm>> -> memref<40x128xi32, #tpu.memory_space<hbm>>
      tpu.enqueue_dma source(%dma_start3A_42 : memref<40x128xi32, #tpu.memory_space<hbm>>) target(%arg8 : memref<40x128xi32, #tpu.memory_space<vmem>>) target_semaphore(%run_scoped3A : memref<!tpu.dma_semaphore, #tpu.memory_space<semaphore_mem>>)
      %dma_wait3A = arith.constant 0 : i32
      %dma_wait3A_43 = tpu.memref_slice %arg4[%add3A_3, %dma_wait3A] : memref<1280x128xi32, #tpu.memory_space<hbm>> -> memref<40x128xi32, #tpu.memory_space<hbm>>
      %dma_wait3A_44 = arith.constant 0 : i32
      %dma_wait3A_45 = tpu.memref_slice %arg4[%add3A_3, %dma_wait3A_44] : memref<1280x128xi32, #tpu.memory_space<hbm>> -> memref<40x128xi32, #tpu.memory_space<hbm>>
      tpu.wait_dma2 semaphore(%run_scoped3A : memref<!tpu.dma_semaphore, #tpu.memory_space<semaphore_mem>>) src(%dma_wait3A_45 : memref<40x128xi32, #tpu.memory_space<hbm>>) dst(%arg8 : memref<40x128xi32, #tpu.memory_space<vmem>>)
      tpu.yield
    }) : () -> ()
    %sub3A = arith.constant 1250 : i32
    %sub3A_4 = arith.subi %sub3A, %add3A_3 : i32
    %min3A = arith.constant 40 : i32
    %min3A_5 = arith.minsi %min3A, %sub3A_4 : i32
    %dma_start3A = arith.constant 0 : i32
    %dma_start3A_6 = arith.constant 0 : i32
    %dma_start3A_7 = tpu.memref_slice %arg7[%dma_start3A, %dma_start3A_6] : memref<40x128xi32, #tpu.memory_space<vmem>> -> memref<1x128xi32, #tpu.memory_space<vmem>>
    %dma_start3A_8 = tpu.memref_squeeze %dma_start3A_7 : memref<1x128xi32, #tpu.memory_space<vmem>> -> memref<128xi32, #tpu.memory_space<vmem>>
    %dma_start3A_9 = arith.constant 0 : i32
    %dma_start3A_10 = arith.constant 0 : i32
    %dma_start3A_11 = tpu.memref_slice %arg2[%dma_start3A_9, %dma_start3A_10] : memref<20480x128xf32, #tpu.memory_space<hbm>> -> memref<20480x128xf32, #tpu.memory_space<hbm>>
    tpu.enqueue_indirect_dma source(%dma_start3A_11 : memref<20480x128xf32, #tpu.memory_space<hbm>>) target(%arg9 : memref<128x128xf32, #tpu.memory_space<vmem>>) offsets(%dma_start3A_8 : memref<128xi32, #tpu.memory_space<vmem>>) semaphore(%arg11 : memref<!tpu.dma_semaphore, #tpu.memory_space<semaphore_mem>>)
    %scan3A = arith.constant 0 : i32
    %scan3A_12 = arith.constant 0 : i32
    %scan3A_13 = arith.constant 20 : i32
    %scan3A_14 = arith.addi %scan3A_12, %scan3A_13 : i32
    %scan3A_15 = arith.constant 1 : i32
    scf.for %scan3A_39 = %scan3A_12 to %scan3A_14 step %scan3A_15  : i32 {
      %mul3A_40 = arith.constant 2 : i32
      %mul3A_41 = arith.muli %mul3A_40, %scan3A_39 : i32
      %add3A_42 = arith.constant 1 : i32
      %add3A_43 = arith.addi %mul3A_41, %add3A_42 : i32
      %lt3A = arith.cmpi slt, %mul3A_41, %min3A_5 : i32
      %convert_element_type3A = arith.extui %lt3A : i1 to i32
      %cond3A = arith.constant 0 : i32
      %cond3A_44 = arith.cmpi ne, %convert_element_type3A, %cond3A : i32
      scf.if %cond3A_44 {
        %dma_wait3A = arith.constant 0 : i32
        %dma_wait3A_45 = tpu.memref_slice %arg7[%mul3A_41, %dma_wait3A] : memref<40x128xi32, #tpu.memory_space<vmem>> -> memref<1x128xi32, #tpu.memory_space<vmem>>
        %dma_wait3A_46 = tpu.memref_squeeze %dma_wait3A_45 : memref<1x128xi32, #tpu.memory_space<vmem>> -> memref<128xi32, #tpu.memory_space<vmem>>
        %dma_wait3A_47 = arith.constant 0 : i32
        %dma_wait3A_48 = arith.constant 0 : i32
        %dma_wait3A_49 = tpu.memref_slice %arg2[%dma_wait3A_47, %dma_wait3A_48] : memref<20480x128xf32, #tpu.memory_space<hbm>> -> memref<20480x128xf32, #tpu.memory_space<hbm>>
        tpu.wait_indirect_dma semaphore(%arg11 : memref<!tpu.dma_semaphore, #tpu.memory_space<semaphore_mem>>) src(%dma_wait3A_49 : memref<20480x128xf32, #tpu.memory_space<hbm>>) dst(%arg9 : memref<128x128xf32, #tpu.memory_space<vmem>>)
        %lt3A_50 = arith.cmpi slt, %add3A_43, %min3A_5 : i32
        %convert_element_type3A_51 = arith.extui %lt3A_50 : i1 to i32
        %cond3A_52 = arith.constant 0 : i32
        %cond3A_53 = arith.cmpi ne, %convert_element_type3A_51, %cond3A_52 : i32
        scf.if %cond3A_53 {
          %dma_start3A_58 = arith.constant 0 : i32
          %dma_start3A_59 = tpu.memref_slice %arg7[%add3A_43, %dma_start3A_58] : memref<40x128xi32, #tpu.memory_space<vmem>> -> memref<1x128xi32, #tpu.memory_space<vmem>>
          %dma_start3A_60 = tpu.memref_squeeze %dma_start3A_59 : memref<1x128xi32, #tpu.memory_space<vmem>> -> memref<128xi32, #tpu.memory_space<vmem>>
          %dma_start3A_61 = arith.constant 0 : i32
          %dma_start3A_62 = arith.constant 0 : i32
          %dma_start3A_63 = tpu.memref_slice %arg2[%dma_start3A_61, %dma_start3A_62] : memref<20480x128xf32, #tpu.memory_space<hbm>> -> memref<20480x128xf32, #tpu.memory_space<hbm>>
          tpu.enqueue_indirect_dma source(%dma_start3A_63 : memref<20480x128xf32, #tpu.memory_space<hbm>>) target(%arg10 : memref<128x128xf32, #tpu.memory_space<vmem>>) offsets(%dma_start3A_60 : memref<128xi32, #tpu.memory_space<vmem>>) semaphore(%arg12 : memref<!tpu.dma_semaphore, #tpu.memory_space<semaphore_mem>>)
        } else {
        }
        "tpu.region"() ({
          %run_scoped3A = tpu.sem_alloc : memref<!tpu.dma_semaphore, #tpu.memory_space<semaphore_mem>>
          %dma_start3A_58 = arith.constant 0 : i32
          %dma_start3A_59 = tpu.memref_slice %arg8[%mul3A_41, %dma_start3A_58] : memref<40x128xi32, #tpu.memory_space<vmem>> -> memref<1x128xi32, #tpu.memory_space<vmem>>
          %dma_start3A_60 = tpu.memref_squeeze %dma_start3A_59 : memref<1x128xi32, #tpu.memory_space<vmem>> -> memref<128xi32, #tpu.memory_space<vmem>>
          %dma_start3A_61 = arith.constant 0 : i32
          %dma_start3A_62 = arith.constant 0 : i32
          %dma_start3A_63 = tpu.memref_slice %arg13[%dma_start3A_61, %dma_start3A_62] : memref<10241x128xf32, #tpu.memory_space<vmem_shared>> -> memref<10241x128xf32, #tpu.memory_space<vmem_shared>>
          tpu.enqueue_indirect_dma source(%arg9 : memref<128x128xf32, #tpu.memory_space<vmem>>) target(%dma_start3A_63 : memref<10241x128xf32, #tpu.memory_space<vmem_shared>>) offsets(%dma_start3A_60 : memref<128xi32, #tpu.memory_space<vmem>>) semaphore(%run_scoped3A : memref<!tpu.dma_semaphore, #tpu.memory_space<semaphore_mem>>) {add = true}
          %dma_wait3A_64 = arith.constant 0 : i32
          %dma_wait3A_65 = tpu.memref_slice %arg8[%mul3A_41, %dma_wait3A_64] : memref<40x128xi32, #tpu.memory_space<vmem>> -> memref<1x128xi32, #tpu.memory_space<vmem>>
          %dma_wait3A_66 = tpu.memref_squeeze %dma_wait3A_65 : memref<1x128xi32, #tpu.memory_space<vmem>> -> memref<128xi32, #tpu.memory_space<vmem>>
          %dma_wait3A_67 = arith.constant 0 : i32
          %dma_wait3A_68 = arith.constant 0 : i32
          %dma_wait3A_69 = tpu.memref_slice %arg13[%dma_wait3A_67, %dma_wait3A_68] : memref<10241x128xf32, #tpu.memory_space<vmem_shared>> -> memref<10241x128xf32, #tpu.memory_space<vmem_shared>>
          tpu.wait_indirect_dma semaphore(%run_scoped3A : memref<!tpu.dma_semaphore, #tpu.memory_space<semaphore_mem>>) src(%arg9 : memref<128x128xf32, #tpu.memory_space<vmem>>) dst(%dma_wait3A_69 : memref<10241x128xf32, #tpu.memory_space<vmem_shared>>)
          tpu.yield
        }) : () -> ()
        %lt3A_54 = arith.cmpi slt, %add3A_43, %min3A_5 : i32
        %convert_element_type3A_55 = arith.extui %lt3A_54 : i1 to i32
        %cond3A_56 = arith.constant 0 : i32
        %cond3A_57 = arith.cmpi ne, %convert_element_type3A_55, %cond3A_56 : i32
        scf.if %cond3A_57 {
          %dma_wait3A_58 = arith.constant 0 : i32
          %dma_wait3A_59 = tpu.memref_slice %arg7[%add3A_43, %dma_wait3A_58] : memref<40x128xi32, #tpu.memory_space<vmem>> -> memref<1x128xi32, #tpu.memory_space<vmem>>
          %dma_wait3A_60 = tpu.memref_squeeze %dma_wait3A_59 : memref<1x128xi32, #tpu.memory_space<vmem>> -> memref<128xi32, #tpu.memory_space<vmem>>
          %dma_wait3A_61 = arith.constant 0 : i32
          %dma_wait3A_62 = arith.constant 0 : i32
          %dma_wait3A_63 = tpu.memref_slice %arg2[%dma_wait3A_61, %dma_wait3A_62] : memref<20480x128xf32, #tpu.memory_space<hbm>> -> memref<20480x128xf32, #tpu.memory_space<hbm>>
          tpu.wait_indirect_dma semaphore(%arg12 : memref<!tpu.dma_semaphore, #tpu.memory_space<semaphore_mem>>) src(%dma_wait3A_63 : memref<20480x128xf32, #tpu.memory_space<hbm>>) dst(%arg10 : memref<128x128xf32, #tpu.memory_space<vmem>>)
          %add3A_64 = arith.constant 1 : i32
          %add3A_65 = arith.addi %add3A_43, %add3A_64 : i32
          %lt3A_66 = arith.cmpi slt, %add3A_65, %min3A_5 : i32
          %convert_element_type3A_67 = arith.extui %lt3A_66 : i1 to i32
          %cond3A_68 = arith.constant 0 : i32
          %cond3A_69 = arith.cmpi ne, %convert_element_type3A_67, %cond3A_68 : i32
          scf.if %cond3A_69 {
            %add3A_70 = arith.constant 1 : i32
            %add3A_71 = arith.addi %add3A_43, %add3A_70 : i32
            %dma_start3A_72 = arith.constant 0 : i32
            %dma_start3A_73 = tpu.memref_slice %arg7[%add3A_71, %dma_start3A_72] : memref<40x128xi32, #tpu.memory_space<vmem>> -> memref<1x128xi32, #tpu.memory_space<vmem>>
            %dma_start3A_74 = tpu.memref_squeeze %dma_start3A_73 : memref<1x128xi32, #tpu.memory_space<vmem>> -> memref<128xi32, #tpu.memory_space<vmem>>
            %dma_start3A_75 = arith.constant 0 : i32
            %dma_start3A_76 = arith.constant 0 : i32
            %dma_start3A_77 = tpu.memref_slice %arg2[%dma_start3A_75, %dma_start3A_76] : memref<20480x128xf32, #tpu.memory_space<hbm>> -> memref<20480x128xf32, #tpu.memory_space<hbm>>
            tpu.enqueue_indirect_dma source(%dma_start3A_77 : memref<20480x128xf32, #tpu.memory_space<hbm>>) target(%arg9 : memref<128x128xf32, #tpu.memory_space<vmem>>) offsets(%dma_start3A_74 : memref<128xi32, #tpu.memory_space<vmem>>) semaphore(%arg11 : memref<!tpu.dma_semaphore, #tpu.memory_space<semaphore_mem>>)
          } else {
          }
          "tpu.region"() ({
            %run_scoped3A = tpu.sem_alloc : memref<!tpu.dma_semaphore, #tpu.memory_space<semaphore_mem>>
            %dma_start3A_70 = arith.constant 0 : i32
            %dma_start3A_71 = tpu.memref_slice %arg8[%add3A_43, %dma_start3A_70] : memref<40x128xi32, #tpu.memory_space<vmem>> -> memref<1x128xi32, #tpu.memory_space<vmem>>
            %dma_start3A_72 = tpu.memref_squeeze %dma_start3A_71 : memref<1x128xi32, #tpu.memory_space<vmem>> -> memref<128xi32, #tpu.memory_space<vmem>>
            %dma_start3A_73 = arith.constant 0 : i32
            %dma_start3A_74 = arith.constant 0 : i32
            %dma_start3A_75 = tpu.memref_slice %arg13[%dma_start3A_73, %dma_start3A_74] : memref<10241x128xf32, #tpu.memory_space<vmem_shared>> -> memref<10241x128xf32, #tpu.memory_space<vmem_shared>>
            tpu.enqueue_indirect_dma source(%arg10 : memref<128x128xf32, #tpu.memory_space<vmem>>) target(%dma_start3A_75 : memref<10241x128xf32, #tpu.memory_space<vmem_shared>>) offsets(%dma_start3A_72 : memref<128xi32, #tpu.memory_space<vmem>>) semaphore(%run_scoped3A : memref<!tpu.dma_semaphore, #tpu.memory_space<semaphore_mem>>) {add = true}
            %dma_wait3A_76 = arith.constant 0 : i32
            %dma_wait3A_77 = tpu.memref_slice %arg8[%add3A_43, %dma_wait3A_76] : memref<40x128xi32, #tpu.memory_space<vmem>> -> memref<1x128xi32, #tpu.memory_space<vmem>>
            %dma_wait3A_78 = tpu.memref_squeeze %dma_wait3A_77 : memref<1x128xi32, #tpu.memory_space<vmem>> -> memref<128xi32, #tpu.memory_space<vmem>>
            %dma_wait3A_79 = arith.constant 0 : i32
            %dma_wait3A_80 = arith.constant 0 : i32
            %dma_wait3A_81 = tpu.memref_slice %arg13[%dma_wait3A_79, %dma_wait3A_80] : memref<10241x128xf32, #tpu.memory_space<vmem_shared>> -> memref<10241x128xf32, #tpu.memory_space<vmem_shared>>
            tpu.wait_indirect_dma semaphore(%run_scoped3A : memref<!tpu.dma_semaphore, #tpu.memory_space<semaphore_mem>>) src(%arg10 : memref<128x128xf32, #tpu.memory_space<vmem>>) dst(%dma_wait3A_81 : memref<10241x128xf32, #tpu.memory_space<vmem_shared>>)
            tpu.yield
          }) : () -> ()
        } else {
        }
      } else {
      }
    }
    %scan3A_16 = arith.constant 20 : i32
    %mul3A_17 = arith.constant 80 : i32
    %mul3A_18 = arith.muli %arg1, %mul3A_17 : i32
    %add3A_19 = arith.constant 40 : i32
    %add3A_20 = arith.addi %mul3A_18, %add3A_19 : i32
    "tpu.region"() ({
      %run_scoped3A = tpu.sem_alloc : memref<!tpu.dma_semaphore, #tpu.memory_space<semaphore_mem>>
      %dma_start3A_39 = arith.constant 0 : i32
      %dma_start3A_40 = tpu.memref_slice %arg3[%arg0, %add3A_20, %dma_start3A_39] : memref<2x1280x128xi32, #tpu.memory_space<hbm>> -> memref<1x40x128xi32, #tpu.memory_space<hbm>>
      %dma_start3A_41 = tpu.memref_squeeze %dma_start3A_40 : memref<1x40x128xi32, #tpu.memory_space<hbm>> -> memref<40x128xi32, #tpu.memory_space<hbm>>
      %dma_start3A_42 = arith.constant 0 : i32
      %dma_start3A_43 = tpu.memref_slice %arg3[%arg0, %add3A_20, %dma_start3A_42] : memref<2x1280x128xi32, #tpu.memory_space<hbm>> -> memref<1x40x128xi32, #tpu.memory_space<hbm>>
      %dma_start3A_44 = tpu.memref_squeeze %dma_start3A_43 : memref<1x40x128xi32, #tpu.memory_space<hbm>> -> memref<40x128xi32, #tpu.memory_space<hbm>>
      tpu.enqueue_dma source(%dma_start3A_44 : memref<40x128xi32, #tpu.memory_space<hbm>>) target(%arg7 : memref<40x128xi32, #tpu.memory_space<vmem>>) target_semaphore(%run_scoped3A : memref<!tpu.dma_semaphore, #tpu.memory_space<semaphore_mem>>)
      %dma_wait3A = arith.constant 0 : i32
      %dma_wait3A_45 = tpu.memref_slice %arg3[%arg0, %add3A_20, %dma_wait3A] : memref<2x1280x128xi32, #tpu.memory_space<hbm>> -> memref<1x40x128xi32, #tpu.memory_space<hbm>>
      %dma_wait3A_46 = tpu.memref_squeeze %dma_wait3A_45 : memref<1x40x128xi32, #tpu.memory_space<hbm>> -> memref<40x128xi32, #tpu.memory_space<hbm>>
      %dma_wait3A_47 = arith.constant 0 : i32
      %dma_wait3A_48 = tpu.memref_slice %arg3[%arg0, %add3A_20, %dma_wait3A_47] : memref<2x1280x128xi32, #tpu.memory_space<hbm>> -> memref<1x40x128xi32, #tpu.memory_space<hbm>>
      %dma_wait3A_49 = tpu.memref_squeeze %dma_wait3A_48 : memref<1x40x128xi32, #tpu.memory_space<hbm>> -> memref<40x128xi32, #tpu.memory_space<hbm>>
      tpu.wait_dma2 semaphore(%run_scoped3A : memref<!tpu.dma_semaphore, #tpu.memory_space<semaphore_mem>>) src(%dma_wait3A_49 : memref<40x128xi32, #tpu.memory_space<hbm>>) dst(%arg7 : memref<40x128xi32, #tpu.memory_space<vmem>>)
      tpu.yield
    }) : () -> ()
    "tpu.region"() ({
      %run_scoped3A = tpu.sem_alloc : memref<!tpu.dma_semaphore, #tpu.memory_space<semaphore_mem>>
      %dma_start3A_39 = arith.constant 0 : i32
      %dma_start3A_40 = tpu.memref_slice %arg4[%add3A_20, %dma_start3A_39] : memref<1280x128xi32, #tpu.memory_space<hbm>> -> memref<40x128xi32, #tpu.memory_space<hbm>>
      %dma_start3A_41 = arith.constant 0 : i32
      %dma_start3A_42 = tpu.memref_slice %arg4[%add3A_20, %dma_start3A_41] : memref<1280x128xi32, #tpu.memory_space<hbm>> -> memref<40x128xi32, #tpu.memory_space<hbm>>
      tpu.enqueue_dma source(%dma_start3A_42 : memref<40x128xi32, #tpu.memory_space<hbm>>) target(%arg8 : memref<40x128xi32, #tpu.memory_space<vmem>>) target_semaphore(%run_scoped3A : memref<!tpu.dma_semaphore, #tpu.memory_space<semaphore_mem>>)
      %dma_wait3A = arith.constant 0 : i32
      %dma_wait3A_43 = tpu.memref_slice %arg4[%add3A_20, %dma_wait3A] : memref<1280x128xi32, #tpu.memory_space<hbm>> -> memref<40x128xi32, #tpu.memory_space<hbm>>
      %dma_wait3A_44 = arith.constant 0 : i32
      %dma_wait3A_45 = tpu.memref_slice %arg4[%add3A_20, %dma_wait3A_44] : memref<1280x128xi32, #tpu.memory_space<hbm>> -> memref<40x128xi32, #tpu.memory_space<hbm>>
      tpu.wait_dma2 semaphore(%run_scoped3A : memref<!tpu.dma_semaphore, #tpu.memory_space<semaphore_mem>>) src(%dma_wait3A_45 : memref<40x128xi32, #tpu.memory_space<hbm>>) dst(%arg8 : memref<40x128xi32, #tpu.memory_space<vmem>>)
      tpu.yield
    }) : () -> ()
    %sub3A_21 = arith.constant 1250 : i32
    %sub3A_22 = arith.subi %sub3A_21, %add3A_20 : i32
    %min3A_23 = arith.constant 40 : i32
    %min3A_24 = arith.minsi %min3A_23, %sub3A_22 : i32
    %dma_start3A_25 = arith.constant 0 : i32
    %dma_start3A_26 = arith.constant 0 : i32
    %dma_start3A_27 = tpu.memref_slice %arg7[%dma_start3A_25, %dma_start3A_26] : memref<40x128xi32, #tpu.memory_space<vmem>> -> memref<1x128xi32, #tpu.memory_space<vmem>>
    %dma_start3A_28 = tpu.memref_squeeze %dma_start3A_27 : memref<1x128xi32, #tpu.memory_space<vmem>> -> memref<128xi32, #tpu.memory_space<vmem>>
    %dma_start3A_29 = arith.constant 0 : i32
    %dma_start3A_30 = arith.constant 0 : i32
    %dma_start3A_31 = tpu.memref_slice %arg2[%dma_start3A_29, %dma_start3A_30] : memref<20480x128xf32, #tpu.memory_space<hbm>> -> memref<20480x128xf32, #tpu.memory_space<hbm>>
    tpu.enqueue_indirect_dma source(%dma_start3A_31 : memref<20480x128xf32, #tpu.memory_space<hbm>>) target(%arg9 : memref<128x128xf32, #tpu.memory_space<vmem>>) offsets(%dma_start3A_28 : memref<128xi32, #tpu.memory_space<vmem>>) semaphore(%arg11 : memref<!tpu.dma_semaphore, #tpu.memory_space<semaphore_mem>>)
    %scan3A_32 = arith.constant 0 : i32
    %scan3A_33 = arith.constant 0 : i32
    %scan3A_34 = arith.constant 20 : i32
    %scan3A_35 = arith.addi %scan3A_33, %scan3A_34 : i32
    %scan3A_36 = arith.constant 1 : i32
    scf.for %scan3A_39 = %scan3A_33 to %scan3A_35 step %scan3A_36  : i32 {
      %mul3A_40 = arith.constant 2 : i32
      %mul3A_41 = arith.muli %mul3A_40, %scan3A_39 : i32
      %add3A_42 = arith.constant 1 : i32
      %add3A_43 = arith.addi %mul3A_41, %add3A_42 : i32
      %lt3A = arith.cmpi slt, %mul3A_41, %min3A_24 : i32
      %convert_element_type3A = arith.extui %lt3A : i1 to i32
      %cond3A = arith.constant 0 : i32
      %cond3A_44 = arith.cmpi ne, %convert_element_type3A, %cond3A : i32
      scf.if %cond3A_44 {
        %dma_wait3A = arith.constant 0 : i32
        %dma_wait3A_45 = tpu.memref_slice %arg7[%mul3A_41, %dma_wait3A] : memref<40x128xi32, #tpu.memory_space<vmem>> -> memref<1x128xi32, #tpu.memory_space<vmem>>
        %dma_wait3A_46 = tpu.memref_squeeze %dma_wait3A_45 : memref<1x128xi32, #tpu.memory_space<vmem>> -> memref<128xi32, #tpu.memory_space<vmem>>
        %dma_wait3A_47 = arith.constant 0 : i32
        %dma_wait3A_48 = arith.constant 0 : i32
        %dma_wait3A_49 = tpu.memref_slice %arg2[%dma_wait3A_47, %dma_wait3A_48] : memref<20480x128xf32, #tpu.memory_space<hbm>> -> memref<20480x128xf32, #tpu.memory_space<hbm>>
        tpu.wait_indirect_dma semaphore(%arg11 : memref<!tpu.dma_semaphore, #tpu.memory_space<semaphore_mem>>) src(%dma_wait3A_49 : memref<20480x128xf32, #tpu.memory_space<hbm>>) dst(%arg9 : memref<128x128xf32, #tpu.memory_space<vmem>>)
        %lt3A_50 = arith.cmpi slt, %add3A_43, %min3A_24 : i32
        %convert_element_type3A_51 = arith.extui %lt3A_50 : i1 to i32
        %cond3A_52 = arith.constant 0 : i32
        %cond3A_53 = arith.cmpi ne, %convert_element_type3A_51, %cond3A_52 : i32
        scf.if %cond3A_53 {
          %dma_start3A_58 = arith.constant 0 : i32
          %dma_start3A_59 = tpu.memref_slice %arg7[%add3A_43, %dma_start3A_58] : memref<40x128xi32, #tpu.memory_space<vmem>> -> memref<1x128xi32, #tpu.memory_space<vmem>>
          %dma_start3A_60 = tpu.memref_squeeze %dma_start3A_59 : memref<1x128xi32, #tpu.memory_space<vmem>> -> memref<128xi32, #tpu.memory_space<vmem>>
          %dma_start3A_61 = arith.constant 0 : i32
          %dma_start3A_62 = arith.constant 0 : i32
          %dma_start3A_63 = tpu.memref_slice %arg2[%dma_start3A_61, %dma_start3A_62] : memref<20480x128xf32, #tpu.memory_space<hbm>> -> memref<20480x128xf32, #tpu.memory_space<hbm>>
          tpu.enqueue_indirect_dma source(%dma_start3A_63 : memref<20480x128xf32, #tpu.memory_space<hbm>>) target(%arg10 : memref<128x128xf32, #tpu.memory_space<vmem>>) offsets(%dma_start3A_60 : memref<128xi32, #tpu.memory_space<vmem>>) semaphore(%arg12 : memref<!tpu.dma_semaphore, #tpu.memory_space<semaphore_mem>>)
        } else {
        }
        "tpu.region"() ({
          %run_scoped3A = tpu.sem_alloc : memref<!tpu.dma_semaphore, #tpu.memory_space<semaphore_mem>>
          %dma_start3A_58 = arith.constant 0 : i32
          %dma_start3A_59 = tpu.memref_slice %arg8[%mul3A_41, %dma_start3A_58] : memref<40x128xi32, #tpu.memory_space<vmem>> -> memref<1x128xi32, #tpu.memory_space<vmem>>
          %dma_start3A_60 = tpu.memref_squeeze %dma_start3A_59 : memref<1x128xi32, #tpu.memory_space<vmem>> -> memref<128xi32, #tpu.memory_space<vmem>>
          %dma_start3A_61 = arith.constant 0 : i32
          %dma_start3A_62 = arith.constant 0 : i32
          %dma_start3A_63 = tpu.memref_slice %arg13[%dma_start3A_61, %dma_start3A_62] : memref<10241x128xf32, #tpu.memory_space<vmem_shared>> -> memref<10241x128xf32, #tpu.memory_space<vmem_shared>>
          tpu.enqueue_indirect_dma source(%arg9 : memref<128x128xf32, #tpu.memory_space<vmem>>) target(%dma_start3A_63 : memref<10241x128xf32, #tpu.memory_space<vmem_shared>>) offsets(%dma_start3A_60 : memref<128xi32, #tpu.memory_space<vmem>>) semaphore(%run_scoped3A : memref<!tpu.dma_semaphore, #tpu.memory_space<semaphore_mem>>) {add = true}
          %dma_wait3A_64 = arith.constant 0 : i32
          %dma_wait3A_65 = tpu.memref_slice %arg8[%mul3A_41, %dma_wait3A_64] : memref<40x128xi32, #tpu.memory_space<vmem>> -> memref<1x128xi32, #tpu.memory_space<vmem>>
          %dma_wait3A_66 = tpu.memref_squeeze %dma_wait3A_65 : memref<1x128xi32, #tpu.memory_space<vmem>> -> memref<128xi32, #tpu.memory_space<vmem>>
          %dma_wait3A_67 = arith.constant 0 : i32
          %dma_wait3A_68 = arith.constant 0 : i32
          %dma_wait3A_69 = tpu.memref_slice %arg13[%dma_wait3A_67, %dma_wait3A_68] : memref<10241x128xf32, #tpu.memory_space<vmem_shared>> -> memref<10241x128xf32, #tpu.memory_space<vmem_shared>>
          tpu.wait_indirect_dma semaphore(%run_scoped3A : memref<!tpu.dma_semaphore, #tpu.memory_space<semaphore_mem>>) src(%arg9 : memref<128x128xf32, #tpu.memory_space<vmem>>) dst(%dma_wait3A_69 : memref<10241x128xf32, #tpu.memory_space<vmem_shared>>)
          tpu.yield
        }) : () -> ()
        %lt3A_54 = arith.cmpi slt, %add3A_43, %min3A_24 : i32
        %convert_element_type3A_55 = arith.extui %lt3A_54 : i1 to i32
        %cond3A_56 = arith.constant 0 : i32
        %cond3A_57 = arith.cmpi ne, %convert_element_type3A_55, %cond3A_56 : i32
        scf.if %cond3A_57 {
          %dma_wait3A_58 = arith.constant 0 : i32
          %dma_wait3A_59 = tpu.memref_slice %arg7[%add3A_43, %dma_wait3A_58] : memref<40x128xi32, #tpu.memory_space<vmem>> -> memref<1x128xi32, #tpu.memory_space<vmem>>
          %dma_wait3A_60 = tpu.memref_squeeze %dma_wait3A_59 : memref<1x128xi32, #tpu.memory_space<vmem>> -> memref<128xi32, #tpu.memory_space<vmem>>
          %dma_wait3A_61 = arith.constant 0 : i32
          %dma_wait3A_62 = arith.constant 0 : i32
          %dma_wait3A_63 = tpu.memref_slice %arg2[%dma_wait3A_61, %dma_wait3A_62] : memref<20480x128xf32, #tpu.memory_space<hbm>> -> memref<20480x128xf32, #tpu.memory_space<hbm>>
          tpu.wait_indirect_dma semaphore(%arg12 : memref<!tpu.dma_semaphore, #tpu.memory_space<semaphore_mem>>) src(%dma_wait3A_63 : memref<20480x128xf32, #tpu.memory_space<hbm>>) dst(%arg10 : memref<128x128xf32, #tpu.memory_space<vmem>>)
          %add3A_64 = arith.constant 1 : i32
          %add3A_65 = arith.addi %add3A_43, %add3A_64 : i32
          %lt3A_66 = arith.cmpi slt, %add3A_65, %min3A_24 : i32
          %convert_element_type3A_67 = arith.extui %lt3A_66 : i1 to i32
          %cond3A_68 = arith.constant 0 : i32
          %cond3A_69 = arith.cmpi ne, %convert_element_type3A_67, %cond3A_68 : i32
          scf.if %cond3A_69 {
            %add3A_70 = arith.constant 1 : i32
            %add3A_71 = arith.addi %add3A_43, %add3A_70 : i32
            %dma_start3A_72 = arith.constant 0 : i32
            %dma_start3A_73 = tpu.memref_slice %arg7[%add3A_71, %dma_start3A_72] : memref<40x128xi32, #tpu.memory_space<vmem>> -> memref<1x128xi32, #tpu.memory_space<vmem>>
            %dma_start3A_74 = tpu.memref_squeeze %dma_start3A_73 : memref<1x128xi32, #tpu.memory_space<vmem>> -> memref<128xi32, #tpu.memory_space<vmem>>
            %dma_start3A_75 = arith.constant 0 : i32
            %dma_start3A_76 = arith.constant 0 : i32
            %dma_start3A_77 = tpu.memref_slice %arg2[%dma_start3A_75, %dma_start3A_76] : memref<20480x128xf32, #tpu.memory_space<hbm>> -> memref<20480x128xf32, #tpu.memory_space<hbm>>
            tpu.enqueue_indirect_dma source(%dma_start3A_77 : memref<20480x128xf32, #tpu.memory_space<hbm>>) target(%arg9 : memref<128x128xf32, #tpu.memory_space<vmem>>) offsets(%dma_start3A_74 : memref<128xi32, #tpu.memory_space<vmem>>) semaphore(%arg11 : memref<!tpu.dma_semaphore, #tpu.memory_space<semaphore_mem>>)
          } else {
          }
          "tpu.region"() ({
            %run_scoped3A = tpu.sem_alloc : memref<!tpu.dma_semaphore, #tpu.memory_space<semaphore_mem>>
            %dma_start3A_70 = arith.constant 0 : i32
            %dma_start3A_71 = tpu.memref_slice %arg8[%add3A_43, %dma_start3A_70] : memref<40x128xi32, #tpu.memory_space<vmem>> -> memref<1x128xi32, #tpu.memory_space<vmem>>
            %dma_start3A_72 = tpu.memref_squeeze %dma_start3A_71 : memref<1x128xi32, #tpu.memory_space<vmem>> -> memref<128xi32, #tpu.memory_space<vmem>>
            %dma_start3A_73 = arith.constant 0 : i32
            %dma_start3A_74 = arith.constant 0 : i32
            %dma_start3A_75 = tpu.memref_slice %arg13[%dma_start3A_73, %dma_start3A_74] : memref<10241x128xf32, #tpu.memory_space<vmem_shared>> -> memref<10241x128xf32, #tpu.memory_space<vmem_shared>>
            tpu.enqueue_indirect_dma source(%arg10 : memref<128x128xf32, #tpu.memory_space<vmem>>) target(%dma_start3A_75 : memref<10241x128xf32, #tpu.memory_space<vmem_shared>>) offsets(%dma_start3A_72 : memref<128xi32, #tpu.memory_space<vmem>>) semaphore(%run_scoped3A : memref<!tpu.dma_semaphore, #tpu.memory_space<semaphore_mem>>) {add = true}
            %dma_wait3A_76 = arith.constant 0 : i32
            %dma_wait3A_77 = tpu.memref_slice %arg8[%add3A_43, %dma_wait3A_76] : memref<40x128xi32, #tpu.memory_space<vmem>> -> memref<1x128xi32, #tpu.memory_space<vmem>>
            %dma_wait3A_78 = tpu.memref_squeeze %dma_wait3A_77 : memref<1x128xi32, #tpu.memory_space<vmem>> -> memref<128xi32, #tpu.memory_space<vmem>>
            %dma_wait3A_79 = arith.constant 0 : i32
            %dma_wait3A_80 = arith.constant 0 : i32
            %dma_wait3A_81 = tpu.memref_slice %arg13[%dma_wait3A_79, %dma_wait3A_80] : memref<10241x128xf32, #tpu.memory_space<vmem_shared>> -> memref<10241x128xf32, #tpu.memory_space<vmem_shared>>
            tpu.wait_indirect_dma semaphore(%run_scoped3A : memref<!tpu.dma_semaphore, #tpu.memory_space<semaphore_mem>>) src(%arg10 : memref<128x128xf32, #tpu.memory_space<vmem>>) dst(%dma_wait3A_81 : memref<10241x128xf32, #tpu.memory_space<vmem_shared>>)
            tpu.yield
          }) : () -> ()
        } else {
        }
      } else {
      }
    }
    %scan3A_37 = arith.constant 20 : i32
    %barrier3A_38 = arith.constant 0 : index
    tpu.barrier barrier_id(%barrier3A_38)
    "tpu.region"() ({
      %run_scoped3A = tpu.sem_alloc : memref<!tpu.dma_semaphore, #tpu.memory_space<semaphore_mem>>
      %dma_start3A_39 = arith.constant 0 : i32
      %dma_start3A_40 = tpu.memref_slice %arg6[%arg0, %mul3A_0, %dma_start3A_39] : memref<2x10240x128xf32, #tpu.memory_space<hbm>> -> memref<1x640x128xf32, #tpu.memory_space<hbm>>
      %dma_start3A_41 = tpu.memref_squeeze %dma_start3A_40 : memref<1x640x128xf32, #tpu.memory_space<hbm>> -> memref<640x128xf32, #tpu.memory_space<hbm>>
      %dma_start3A_42 = arith.constant 0 : i32
      %dma_start3A_43 = tpu.memref_slice %arg13[%mul3A_0, %dma_start3A_42] : memref<10241x128xf32, #tpu.memory_space<vmem_shared>> -> memref<640x128xf32, #tpu.memory_space<vmem_shared>>
      tpu.enqueue_dma source(%dma_start3A_43 : memref<640x128xf32, #tpu.memory_space<vmem_shared>>) target(%dma_start3A_41 : memref<640x128xf32, #tpu.memory_space<hbm>>) target_semaphore(%run_scoped3A : memref<!tpu.dma_semaphore, #tpu.memory_space<semaphore_mem>>)
      %dma_wait3A = arith.constant 0 : i32
      %dma_wait3A_44 = tpu.memref_slice %arg6[%arg0, %mul3A_0, %dma_wait3A] : memref<2x10240x128xf32, #tpu.memory_space<hbm>> -> memref<1x640x128xf32, #tpu.memory_space<hbm>>
      %dma_wait3A_45 = tpu.memref_squeeze %dma_wait3A_44 : memref<1x640x128xf32, #tpu.memory_space<hbm>> -> memref<640x128xf32, #tpu.memory_space<hbm>>
      %dma_wait3A_46 = arith.constant 0 : i32
      %dma_wait3A_47 = tpu.memref_slice %arg13[%mul3A_0, %dma_wait3A_46] : memref<10241x128xf32, #tpu.memory_space<vmem_shared>> -> memref<640x128xf32, #tpu.memory_space<vmem_shared>>
      tpu.wait_dma2 semaphore(%run_scoped3A : memref<!tpu.dma_semaphore, #tpu.memory_space<semaphore_mem>>) src(%dma_wait3A_47 : memref<640x128xf32, #tpu.memory_space<vmem_shared>>) dst(%dma_wait3A_45 : memref<640x128xf32, #tpu.memory_space<hbm>>)
      tpu.yield
    }) : () -> ()
    return
  }
}

#map = affine_map<(d0, d1) -> (0, 0)>
module attributes {stable_mosaic.version = 14 : i64} {
  func.func @_sc_gather64(%arg0: i32, %arg1: i32, %arg2: memref<10240x128xf32, #tpu.memory_space<hbm>>, %arg3: memref<1280x128xi32, #tpu.memory_space<hbm>>, %arg4: memref<160000x128xf32, #tpu.memory_space<hbm>>, %arg5: memref<40x128xi32, #tpu.memory_space<vmem>>, %arg6: memref<128x128xf32, #tpu.memory_space<vmem>>, %arg7: memref<128x128xf32, #tpu.memory_space<vmem>>, %arg8: memref<!tpu.dma_semaphore, #tpu.memory_space<semaphore_mem>>, %arg9: memref<!tpu.dma_semaphore, #tpu.memory_space<semaphore_mem>>) attributes {dimension_semantics = [#tpu.dimension_semantics<core_parallel>, #tpu.dimension_semantics<subcore_parallel>], iteration_bounds = array<i64: 2, 16>, scalar_prefetch = 0 : i64, scratch_operands = 5 : i64, tpu.core_type = #tpu.core_type<sc_vector_subcore>, window_params = [{transform_indices = #map}, {transform_indices = #map}, {transform_indices = #map}]} {
    %mul3A = arith.constant 640 : i32
    %mul3A_0 = arith.muli %arg0, %mul3A : i32
    %mul3A_1 = arith.constant 40 : i32
    %mul3A_2 = arith.muli %arg1, %mul3A_1 : i32
    %add3A = arith.addi %mul3A_0, %mul3A_2 : i32
    "tpu.region"() ({
      %run_scoped3A = tpu.sem_alloc : memref<!tpu.dma_semaphore, #tpu.memory_space<semaphore_mem>>
      %dma_start3A_16 = arith.constant 0 : i32
      %dma_start3A_17 = tpu.memref_slice %arg3[%add3A, %dma_start3A_16] : memref<1280x128xi32, #tpu.memory_space<hbm>> -> memref<40x128xi32, #tpu.memory_space<hbm>>
      %dma_start3A_18 = arith.constant 0 : i32
      %dma_start3A_19 = tpu.memref_slice %arg3[%add3A, %dma_start3A_18] : memref<1280x128xi32, #tpu.memory_space<hbm>> -> memref<40x128xi32, #tpu.memory_space<hbm>>
      tpu.enqueue_dma source(%dma_start3A_19 : memref<40x128xi32, #tpu.memory_space<hbm>>) target(%arg5 : memref<40x128xi32, #tpu.memory_space<vmem>>) target_semaphore(%run_scoped3A : memref<!tpu.dma_semaphore, #tpu.memory_space<semaphore_mem>>)
      %dma_wait3A = arith.constant 0 : i32
      %dma_wait3A_20 = tpu.memref_slice %arg3[%add3A, %dma_wait3A] : memref<1280x128xi32, #tpu.memory_space<hbm>> -> memref<40x128xi32, #tpu.memory_space<hbm>>
      %dma_wait3A_21 = arith.constant 0 : i32
      %dma_wait3A_22 = tpu.memref_slice %arg3[%add3A, %dma_wait3A_21] : memref<1280x128xi32, #tpu.memory_space<hbm>> -> memref<40x128xi32, #tpu.memory_space<hbm>>
      tpu.wait_dma2 semaphore(%run_scoped3A : memref<!tpu.dma_semaphore, #tpu.memory_space<semaphore_mem>>) src(%dma_wait3A_22 : memref<40x128xi32, #tpu.memory_space<hbm>>) dst(%arg5 : memref<40x128xi32, #tpu.memory_space<vmem>>)
      tpu.yield
    }) : () -> ()
    %sub3A = arith.constant 1250 : i32
    %sub3A_3 = arith.subi %sub3A, %add3A : i32
    %min3A = arith.constant 40 : i32
    %min3A_4 = arith.minsi %min3A, %sub3A_3 : i32
    %dma_start3A = arith.constant 0 : i32
    %dma_start3A_5 = arith.constant 0 : i32
    %dma_start3A_6 = tpu.memref_slice %arg5[%dma_start3A, %dma_start3A_5] : memref<40x128xi32, #tpu.memory_space<vmem>> -> memref<1x128xi32, #tpu.memory_space<vmem>>
    %dma_start3A_7 = tpu.memref_squeeze %dma_start3A_6 : memref<1x128xi32, #tpu.memory_space<vmem>> -> memref<128xi32, #tpu.memory_space<vmem>>
    %dma_start3A_8 = arith.constant 0 : i32
    %dma_start3A_9 = arith.constant 0 : i32
    %dma_start3A_10 = tpu.memref_slice %arg2[%dma_start3A_8, %dma_start3A_9] : memref<10240x128xf32, #tpu.memory_space<hbm>> -> memref<10240x128xf32, #tpu.memory_space<hbm>>
    tpu.enqueue_indirect_dma source(%dma_start3A_10 : memref<10240x128xf32, #tpu.memory_space<hbm>>) target(%arg6 : memref<128x128xf32, #tpu.memory_space<vmem>>) offsets(%dma_start3A_7 : memref<128xi32, #tpu.memory_space<vmem>>) semaphore(%arg8 : memref<!tpu.dma_semaphore, #tpu.memory_space<semaphore_mem>>)
    %scan3A = arith.constant 0 : i32
    %scan3A_11 = arith.constant 0 : i32
    %scan3A_12 = arith.constant 20 : i32
    %scan3A_13 = arith.addi %scan3A_11, %scan3A_12 : i32
    %scan3A_14 = arith.constant 1 : i32
    scf.for %scan3A_16 = %scan3A_11 to %scan3A_13 step %scan3A_14  : i32 {
      %mul3A_17 = arith.constant 2 : i32
      %mul3A_18 = arith.muli %mul3A_17, %scan3A_16 : i32
      %add3A_19 = arith.constant 1 : i32
      %add3A_20 = arith.addi %mul3A_18, %add3A_19 : i32
      %lt3A = arith.cmpi slt, %mul3A_18, %min3A_4 : i32
      %convert_element_type3A = arith.extui %lt3A : i1 to i32
      %cond3A = arith.constant 0 : i32
      %cond3A_21 = arith.cmpi ne, %convert_element_type3A, %cond3A : i32
      scf.if %cond3A_21 {
        %dma_wait3A = arith.constant 0 : i32
        %dma_wait3A_22 = tpu.memref_slice %arg5[%mul3A_18, %dma_wait3A] : memref<40x128xi32, #tpu.memory_space<vmem>> -> memref<1x128xi32, #tpu.memory_space<vmem>>
        %dma_wait3A_23 = tpu.memref_squeeze %dma_wait3A_22 : memref<1x128xi32, #tpu.memory_space<vmem>> -> memref<128xi32, #tpu.memory_space<vmem>>
        %dma_wait3A_24 = arith.constant 0 : i32
        %dma_wait3A_25 = arith.constant 0 : i32
        %dma_wait3A_26 = tpu.memref_slice %arg2[%dma_wait3A_24, %dma_wait3A_25] : memref<10240x128xf32, #tpu.memory_space<hbm>> -> memref<10240x128xf32, #tpu.memory_space<hbm>>
        tpu.wait_indirect_dma semaphore(%arg8 : memref<!tpu.dma_semaphore, #tpu.memory_space<semaphore_mem>>) src(%dma_wait3A_26 : memref<10240x128xf32, #tpu.memory_space<hbm>>) dst(%arg6 : memref<128x128xf32, #tpu.memory_space<vmem>>)
        %lt3A_27 = arith.cmpi slt, %add3A_20, %min3A_4 : i32
        %convert_element_type3A_28 = arith.extui %lt3A_27 : i1 to i32
        %cond3A_29 = arith.constant 0 : i32
        %cond3A_30 = arith.cmpi ne, %convert_element_type3A_28, %cond3A_29 : i32
        scf.if %cond3A_30 {
          %dma_start3A_38 = arith.constant 0 : i32
          %dma_start3A_39 = tpu.memref_slice %arg5[%add3A_20, %dma_start3A_38] : memref<40x128xi32, #tpu.memory_space<vmem>> -> memref<1x128xi32, #tpu.memory_space<vmem>>
          %dma_start3A_40 = tpu.memref_squeeze %dma_start3A_39 : memref<1x128xi32, #tpu.memory_space<vmem>> -> memref<128xi32, #tpu.memory_space<vmem>>
          %dma_start3A_41 = arith.constant 0 : i32
          %dma_start3A_42 = arith.constant 0 : i32
          %dma_start3A_43 = tpu.memref_slice %arg2[%dma_start3A_41, %dma_start3A_42] : memref<10240x128xf32, #tpu.memory_space<hbm>> -> memref<10240x128xf32, #tpu.memory_space<hbm>>
          tpu.enqueue_indirect_dma source(%dma_start3A_43 : memref<10240x128xf32, #tpu.memory_space<hbm>>) target(%arg7 : memref<128x128xf32, #tpu.memory_space<vmem>>) offsets(%dma_start3A_40 : memref<128xi32, #tpu.memory_space<vmem>>) semaphore(%arg9 : memref<!tpu.dma_semaphore, #tpu.memory_space<semaphore_mem>>)
        } else {
        }
        %add3A_31 = arith.addi %add3A, %mul3A_18 : i32
        %mul3A_32 = arith.constant 128 : i32
        %mul3A_33 = arith.muli %add3A_31, %mul3A_32 : i32
        "tpu.region"() ({
          %run_scoped3A = tpu.sem_alloc : memref<!tpu.dma_semaphore, #tpu.memory_space<semaphore_mem>>
          %dma_start3A_38 = arith.constant 0 : i32
          %dma_start3A_39 = tpu.memref_slice %arg4[%mul3A_33, %dma_start3A_38] : memref<160000x128xf32, #tpu.memory_space<hbm>> -> memref<128x128xf32, #tpu.memory_space<hbm>>
          %dma_start3A_40 = arith.constant 0 : i32
          %dma_start3A_41 = tpu.memref_slice %arg4[%mul3A_33, %dma_start3A_40] : memref<160000x128xf32, #tpu.memory_space<hbm>> -> memref<128x128xf32, #tpu.memory_space<hbm>>
          tpu.enqueue_dma source(%arg6 : memref<128x128xf32, #tpu.memory_space<vmem>>) target(%dma_start3A_41 : memref<128x128xf32, #tpu.memory_space<hbm>>) target_semaphore(%run_scoped3A : memref<!tpu.dma_semaphore, #tpu.memory_space<semaphore_mem>>)
          %dma_wait3A_42 = arith.constant 0 : i32
          %dma_wait3A_43 = tpu.memref_slice %arg4[%mul3A_33, %dma_wait3A_42] : memref<160000x128xf32, #tpu.memory_space<hbm>> -> memref<128x128xf32, #tpu.memory_space<hbm>>
          %dma_wait3A_44 = arith.constant 0 : i32
          %dma_wait3A_45 = tpu.memref_slice %arg4[%mul3A_33, %dma_wait3A_44] : memref<160000x128xf32, #tpu.memory_space<hbm>> -> memref<128x128xf32, #tpu.memory_space<hbm>>
          tpu.wait_dma2 semaphore(%run_scoped3A : memref<!tpu.dma_semaphore, #tpu.memory_space<semaphore_mem>>) src(%arg6 : memref<128x128xf32, #tpu.memory_space<vmem>>) dst(%dma_wait3A_45 : memref<128x128xf32, #tpu.memory_space<hbm>>)
          tpu.yield
        }) : () -> ()
        %lt3A_34 = arith.cmpi slt, %add3A_20, %min3A_4 : i32
        %convert_element_type3A_35 = arith.extui %lt3A_34 : i1 to i32
        %cond3A_36 = arith.constant 0 : i32
        %cond3A_37 = arith.cmpi ne, %convert_element_type3A_35, %cond3A_36 : i32
        scf.if %cond3A_37 {
          %dma_wait3A_38 = arith.constant 0 : i32
          %dma_wait3A_39 = tpu.memref_slice %arg5[%add3A_20, %dma_wait3A_38] : memref<40x128xi32, #tpu.memory_space<vmem>> -> memref<1x128xi32, #tpu.memory_space<vmem>>
          %dma_wait3A_40 = tpu.memref_squeeze %dma_wait3A_39 : memref<1x128xi32, #tpu.memory_space<vmem>> -> memref<128xi32, #tpu.memory_space<vmem>>
          %dma_wait3A_41 = arith.constant 0 : i32
          %dma_wait3A_42 = arith.constant 0 : i32
          %dma_wait3A_43 = tpu.memref_slice %arg2[%dma_wait3A_41, %dma_wait3A_42] : memref<10240x128xf32, #tpu.memory_space<hbm>> -> memref<10240x128xf32, #tpu.memory_space<hbm>>
          tpu.wait_indirect_dma semaphore(%arg9 : memref<!tpu.dma_semaphore, #tpu.memory_space<semaphore_mem>>) src(%dma_wait3A_43 : memref<10240x128xf32, #tpu.memory_space<hbm>>) dst(%arg7 : memref<128x128xf32, #tpu.memory_space<vmem>>)
          %add3A_44 = arith.constant 1 : i32
          %add3A_45 = arith.addi %add3A_20, %add3A_44 : i32
          %lt3A_46 = arith.cmpi slt, %add3A_45, %min3A_4 : i32
          %convert_element_type3A_47 = arith.extui %lt3A_46 : i1 to i32
          %cond3A_48 = arith.constant 0 : i32
          %cond3A_49 = arith.cmpi ne, %convert_element_type3A_47, %cond3A_48 : i32
          scf.if %cond3A_49 {
            %add3A_53 = arith.constant 1 : i32
            %add3A_54 = arith.addi %add3A_20, %add3A_53 : i32
            %dma_start3A_55 = arith.constant 0 : i32
            %dma_start3A_56 = tpu.memref_slice %arg5[%add3A_54, %dma_start3A_55] : memref<40x128xi32, #tpu.memory_space<vmem>> -> memref<1x128xi32, #tpu.memory_space<vmem>>
            %dma_start3A_57 = tpu.memref_squeeze %dma_start3A_56 : memref<1x128xi32, #tpu.memory_space<vmem>> -> memref<128xi32, #tpu.memory_space<vmem>>
            %dma_start3A_58 = arith.constant 0 : i32
            %dma_start3A_59 = arith.constant 0 : i32
            %dma_start3A_60 = tpu.memref_slice %arg2[%dma_start3A_58, %dma_start3A_59] : memref<10240x128xf32, #tpu.memory_space<hbm>> -> memref<10240x128xf32, #tpu.memory_space<hbm>>
            tpu.enqueue_indirect_dma source(%dma_start3A_60 : memref<10240x128xf32, #tpu.memory_space<hbm>>) target(%arg6 : memref<128x128xf32, #tpu.memory_space<vmem>>) offsets(%dma_start3A_57 : memref<128xi32, #tpu.memory_space<vmem>>) semaphore(%arg8 : memref<!tpu.dma_semaphore, #tpu.memory_space<semaphore_mem>>)
          } else {
          }
          %add3A_50 = arith.addi %add3A, %add3A_20 : i32
          %mul3A_51 = arith.constant 128 : i32
          %mul3A_52 = arith.muli %add3A_50, %mul3A_51 : i32
          "tpu.region"() ({
            %run_scoped3A = tpu.sem_alloc : memref<!tpu.dma_semaphore, #tpu.memory_space<semaphore_mem>>
            %dma_start3A_53 = arith.constant 0 : i32
            %dma_start3A_54 = tpu.memref_slice %arg4[%mul3A_52, %dma_start3A_53] : memref<160000x128xf32, #tpu.memory_space<hbm>> -> memref<128x128xf32, #tpu.memory_space<hbm>>
            %dma_start3A_55 = arith.constant 0 : i32
            %dma_start3A_56 = tpu.memref_slice %arg4[%mul3A_52, %dma_start3A_55] : memref<160000x128xf32, #tpu.memory_space<hbm>> -> memref<128x128xf32, #tpu.memory_space<hbm>>
            tpu.enqueue_dma source(%arg7 : memref<128x128xf32, #tpu.memory_space<vmem>>) target(%dma_start3A_56 : memref<128x128xf32, #tpu.memory_space<hbm>>) target_semaphore(%run_scoped3A : memref<!tpu.dma_semaphore, #tpu.memory_space<semaphore_mem>>)
            %dma_wait3A_57 = arith.constant 0 : i32
            %dma_wait3A_58 = tpu.memref_slice %arg4[%mul3A_52, %dma_wait3A_57] : memref<160000x128xf32, #tpu.memory_space<hbm>> -> memref<128x128xf32, #tpu.memory_space<hbm>>
            %dma_wait3A_59 = arith.constant 0 : i32
            %dma_wait3A_60 = tpu.memref_slice %arg4[%mul3A_52, %dma_wait3A_59] : memref<160000x128xf32, #tpu.memory_space<hbm>> -> memref<128x128xf32, #tpu.memory_space<hbm>>
            tpu.wait_dma2 semaphore(%run_scoped3A : memref<!tpu.dma_semaphore, #tpu.memory_space<semaphore_mem>>) src(%arg7 : memref<128x128xf32, #tpu.memory_space<vmem>>) dst(%dma_wait3A_60 : memref<128x128xf32, #tpu.memory_space<hbm>>)
            tpu.yield
          }) : () -> ()
        } else {
        }
      } else {
      }
    }
    %scan3A_15 = arith.constant 20 : i32
    return
  }
}

module attributes {stable_mosaic.version = 14 : i64} {
  func.func @body(%arg0: i32, %arg1: memref<512x128xf32, #tpu.memory_space<vmem>>, %arg2: memref<128x256xf32, #tpu.memory_space<vmem>>, %arg3: memref<1x256xf32, #tpu.memory_space<vmem>>, %arg4: memref<2x512x128xf32, #tpu.memory_space<vmem>>, %arg5: memref<2x512x128xf32, #tpu.memory_space<vmem>>) attributes {dimension_semantics = [#tpu.dimension_semantics<arbitrary>], iteration_bounds = array<i64: 20>, scalar_prefetch = 0 : i64, scratch_operands = 0 : i64, tpu.core_type = #tpu.core_type<tc>, window_params = [{transform_indices = @transform_0, window_bounds = array<i64: 512, 128>}, {pipeline_mode = #tpu.pipeline_mode<synchronous>, transform_indices = @transform_1, window_bounds = array<i64: 128, 256>}, {pipeline_mode = #tpu.pipeline_mode<synchronous>, transform_indices = @transform_2, window_bounds = array<i64: 1, 256>}, {transform_indices = @transform_3, window_bounds = array<i64: 2, 512, 128>}, {transform_indices = @transform_4, window_bounds = array<i64: 2, 512, 128>}]} {
    %get3A = arith.constant 0 : index
    %get3A_0 = arith.constant 0 : index
    %get3A_1 = arith.constant 0 : index
    %get3A_2 = vector.load %arg4[%get3A, %get3A_0, %get3A_1] : memref<2x512x128xf32, #tpu.memory_space<vmem>>, vector<1x512x128xf32>
    %get3A_3 = vector.shape_cast %get3A_2 : vector<1x512x128xf32> to vector<512x128xf32>
    %slice3A = vector.extract_strided_slice %get3A_3 {offsets = [0, 0], sizes = [512, 1], strides = [1, 1]} : vector<512x128xf32> to vector<512x1xf32>
    %max3A = arith.constant 1.000000e+00 : f32
    %max3A_4 = vector.broadcast %max3A : f32 to vector<512x1xf32>
    %max3A_5 = arith.maximumf %slice3A, %max3A_4 : vector<512x1xf32>
    %rsqrt3A = math.rsqrt %max3A_5 : vector<512x1xf32>
    %get3A_6 = arith.constant 0 : index
    %get3A_7 = arith.constant 0 : index
    %get3A_8 = vector.load %arg1[%get3A_6, %get3A_7] : memref<512x128xf32, #tpu.memory_space<vmem>>, vector<512x128xf32>
    %get3A_9 = arith.constant 0 : index
    %get3A_10 = arith.constant 0 : index
    %get3A_11 = vector.load %arg2[%get3A_9, %get3A_10] : memref<128x256xf32, #tpu.memory_space<vmem>>, vector<128x256xf32>
    %dot_general3A = arith.constant dense<0.000000e+00> : vector<512x256xf32>
    %dot_general3A_12 = tpu.matmul %get3A_8, %get3A_11, %dot_general3A {dimension_numbers = #tpu.dot_dimension_numbers<[1], [0], [0], [1], [0, 0, 1, 1], [], []>, transpose_lhs_hint = false} : vector<512x128xf32>, vector<128x256xf32>, vector<512x256xf32> -> vector<512x256xf32>
    %get3A_13 = arith.constant 0 : index
    %get3A_14 = arith.constant 0 : index
    %get3A_15 = vector.load %arg3[%get3A_13, %get3A_14] : memref<1x256xf32, #tpu.memory_space<vmem>>, vector<1x256xf32>
    %add3A = vector.broadcast %get3A_15 : vector<1x256xf32> to vector<512x256xf32>
    %add3A_16 = arith.addf %dot_general3A_12, %add3A : vector<512x256xf32>
    %mul3A = vector.broadcast %rsqrt3A : vector<512x1xf32> to vector<512x256xf32>
    %mul3A_17 = arith.mulf %add3A_16, %mul3A : vector<512x256xf32>
    %slice3A_18 = vector.extract_strided_slice %mul3A_17 {offsets = [0, 0], sizes = [512, 128], strides = [1, 1]} : vector<512x256xf32> to vector<512x128xf32>
    %swap3A = arith.constant 0 : index
    %swap3A_19 = arith.constant 0 : index
    %swap3A_20 = arith.constant 0 : index
    %swap3A_21 = vector.load %arg5[%swap3A, %swap3A_19, %swap3A_20] : memref<2x512x128xf32, #tpu.memory_space<vmem>>, vector<1x512x128xf32>
    %swap3A_22 = vector.shape_cast %swap3A_21 : vector<1x512x128xf32> to vector<512x128xf32>
    %swap3A_23 = vector.shape_cast %slice3A_18 : vector<512x128xf32> to vector<1x512x128xf32>
    tpu.vector_store %arg5[%swap3A, %swap3A_19, %swap3A_20], %swap3A_23 {strides = array<i32>} : memref<2x512x128xf32, #tpu.memory_space<vmem>>, vector<1x512x128xf32>,
    %slice3A_24 = vector.extract_strided_slice %mul3A_17 {offsets = [0, 128], sizes = [512, 128], strides = [1, 1]} : vector<512x256xf32> to vector<512x128xf32>
    %swap3A_25 = arith.constant 1 : index
    %swap3A_26 = arith.constant 0 : index
    %swap3A_27 = arith.constant 0 : index
    %swap3A_28 = vector.load %arg5[%swap3A_25, %swap3A_26, %swap3A_27] : memref<2x512x128xf32, #tpu.memory_space<vmem>>, vector<1x512x128xf32>
    %swap3A_29 = vector.shape_cast %swap3A_28 : vector<1x512x128xf32> to vector<512x128xf32>
    %swap3A_30 = vector.shape_cast %slice3A_24 : vector<512x128xf32> to vector<1x512x128xf32>
    tpu.vector_store %arg5[%swap3A_25, %swap3A_26, %swap3A_27], %swap3A_30 {strides = array<i32>} : memref<2x512x128xf32, #tpu.memory_space<vmem>>, vector<1x512x128xf32>,
    return
  }
  func.func @transform_0(%arg0: i32) -> (i32, i32) {
    %c0_i32 = arith.constant 0 : i32
    %c0_i32_0 = arith.constant 0 : i32
    return %arg0, %c0_i32 : i32, i32
  }
  func.func @transform_1(%arg0: i32) -> (i32, i32) {
    %c0_i32 = arith.constant 0 : i32
    %c0_i32_0 = arith.constant 0 : i32
    %c0_i32_1 = arith.constant 0 : i32
    return %c0_i32, %c0_i32_0 : i32, i32
  }
  func.func @transform_2(%arg0: i32) -> (i32, i32) {
    %c0_i32 = arith.constant 0 : i32
    %c0_i32_0 = arith.constant 0 : i32
    %c0_i32_1 = arith.constant 0 : i32
    return %c0_i32, %c0_i32_0 : i32, i32
  }
  func.func @transform_3(%arg0: i32) -> (i32, i32, i32) {
    %c0_i32 = arith.constant 0 : i32
    %c0_i32_0 = arith.constant 0 : i32
    %c0_i32_1 = arith.constant 0 : i32
    return %c0_i32, %arg0, %c0_i32_0 : i32, i32, i32
  }
  func.func @transform_4(%arg0: i32) -> (i32, i32, i32) {
    %c0_i32 = arith.constant 0 : i32
    %c0_i32_0 = arith.constant 0 : i32
    %c0_i32_1 = arith.constant 0 : i32
    return %c0_i32, %arg0, %c0_i32_0 : i32, i32, i32
  }
}

module attributes {stable_mosaic.version = 14 : i64} {
  func.func @body(%arg0: i32, %arg1: i32, %arg2: memref<2x512x128xf32, #tpu.memory_space<vmem>>, %arg3: memref<2x512x128xf32, #tpu.memory_space<vmem>>, %arg4: memref<1x256xf32, #tpu.memory_space<vmem>>, %arg5: memref<1x256xf32, #tpu.memory_space<vmem>>, %arg6: memref<256x256xf32, #tpu.memory_space<vmem>>, %arg7: memref<1x256xf32, #tpu.memory_space<vmem>>, %arg8: memref<2x512x128xf32, #tpu.memory_space<vmem>>, %arg9: memref<2x256xf32, #tpu.memory_space<vmem>>) attributes {dimension_semantics = [#tpu.dimension_semantics<arbitrary>, #tpu.dimension_semantics<arbitrary>], iteration_bounds = array<i64: 2, 20>, scalar_prefetch = 0 : i64, scratch_operands = 1 : i64, tpu.core_type = #tpu.core_type<tc>, window_params = [{transform_indices = @transform_0, window_bounds = array<i64: 2, 512, 128>}, {transform_indices = @transform_1, window_bounds = array<i64: 2, 512, 128>}, {pipeline_mode = #tpu.pipeline_mode<synchronous>, transform_indices = @transform_2, window_bounds = array<i64: 1, 256>}, {pipeline_mode = #tpu.pipeline_mode<synchronous>, transform_indices = @transform_3, window_bounds = array<i64: 1, 256>}, {pipeline_mode = #tpu.pipeline_mode<synchronous>, transform_indices = @transform_4, window_bounds = array<i64: 256, 256>}, {pipeline_mode = #tpu.pipeline_mode<synchronous>, transform_indices = @transform_5, window_bounds = array<i64: 1, 256>}, {transform_indices = @transform_6, window_bounds = array<i64: 2, 512, 128>}]} {
    %get3A = arith.constant 1 : index
    %get3A_0 = arith.constant 0 : index
    %get3A_1 = arith.constant 0 : index
    %get3A_2 = vector.load %arg3[%get3A, %get3A_0, %get3A_1] : memref<2x512x128xf32, #tpu.memory_space<vmem>>, vector<1x512x128xf32>
    %get3A_3 = vector.shape_cast %get3A_2 : vector<1x512x128xf32> to vector<512x128xf32>
    %slice3A = vector.extract_strided_slice %get3A_3 {offsets = [0, 0], sizes = [512, 1], strides = [1, 1]} : vector<512x128xf32> to vector<512x1xf32>
    %max3A = arith.constant 1.000000e+00 : f32
    %max3A_4 = vector.broadcast %max3A : f32 to vector<512x1xf32>
    %max3A_5 = arith.maximumf %slice3A, %max3A_4 : vector<512x1xf32>
    %rsqrt3A = math.rsqrt %max3A_5 : vector<512x1xf32>
    %get3A_6 = arith.constant 0 : index
    %get3A_7 = arith.constant 0 : index
    %get3A_8 = arith.constant 0 : index
    %get3A_9 = vector.load %arg2[%get3A_6, %get3A_7, %get3A_8] : memref<2x512x128xf32, #tpu.memory_space<vmem>>, vector<1x512x128xf32>
    %get3A_10 = vector.shape_cast %get3A_9 : vector<1x512x128xf32> to vector<512x128xf32>
    %get3A_11 = arith.constant 1 : index
    %get3A_12 = arith.constant 0 : index
    %get3A_13 = arith.constant 0 : index
    %get3A_14 = vector.load %arg2[%get3A_11, %get3A_12, %get3A_13] : memref<2x512x128xf32, #tpu.memory_space<vmem>>, vector<1x512x128xf32>
    %get3A_15 = vector.shape_cast %get3A_14 : vector<1x512x128xf32> to vector<512x128xf32>
    %concatenate3A = tpu.concatenate %get3A_10, %get3A_15 in 1 : vector<512x128xf32>, vector<512x128xf32> -> vector<512x256xf32>
    %mul3A = vector.broadcast %rsqrt3A : vector<512x1xf32> to vector<512x256xf32>
    %mul3A_16 = arith.mulf %concatenate3A, %mul3A : vector<512x256xf32>
    %eq3A = arith.constant 0 : i32
    %eq3A_17 = arith.cmpi eq, %arg0, %eq3A : i32
    %eq3A_18 = arith.constant 0 : i32
    %eq3A_19 = arith.cmpi eq, %arg1, %eq3A_18 : i32
    %and3A = arith.andi %eq3A_17, %eq3A_19 : i1
    %convert_element_type3A = arith.extui %and3A : i1 to i32
    %cond3A = arith.constant 0 : i32
    %cond3A_20 = arith.cmpi ne, %convert_element_type3A, %cond3A : i32
    scf.if %cond3A_20 {
      %broadcast_in_dim3A = arith.constant 0.000000e+00 : f32
      %broadcast_in_dim3A_31 = vector.broadcast %broadcast_in_dim3A : f32 to vector<2x256xf32>
      %swap3A = arith.constant 0 : index
      %swap3A_32 = arith.constant 0 : index
      %swap3A_33 = vector.load %arg9[%swap3A, %swap3A_32] : memref<2x256xf32, #tpu.memory_space<vmem>>, vector<2x256xf32>
      tpu.vector_store %arg9[%swap3A, %swap3A_32], %broadcast_in_dim3A_31 {strides = array<i32>} : memref<2x256xf32, #tpu.memory_space<vmem>>, vector<2x256xf32>,
    } else {
    }
    %eq3A_21 = arith.constant 0 : i32
    %eq3A_22 = arith.cmpi eq, %arg0, %eq3A_21 : i32
    %convert_element_type3A_23 = arith.extui %eq3A_22 : i1 to i32
    %cond3A_24 = arith.constant 0 : i32
    %cond3A_25 = arith.cmpi ne, %convert_element_type3A_23, %cond3A_24 : i32
    scf.if %cond3A_25 {
      %get3A_31 = arith.constant 0 : index
      %get3A_32 = arith.constant 0 : index
      %get3A_33 = vector.load %arg9[%get3A_31, %get3A_32] : memref<2x256xf32, #tpu.memory_space<vmem>>, vector<1x256xf32>
      %reduce_sum3A = arith.constant dense<0.000000e+00> : vector<256xf32>
      %reduce_sum3A_34 = vector.multi_reduction <add>, %mul3A_16, %reduce_sum3A [0] : vector<512x256xf32> to vector<256xf32>
      %broadcast_in_dim3A = vector.shape_cast %reduce_sum3A_34 : vector<256xf32> to vector<1x256xf32>
      %add3A = arith.addf %get3A_33, %broadcast_in_dim3A : vector<1x256xf32>
      %swap3A = arith.constant 0 : index
      %swap3A_35 = arith.constant 0 : index
      %swap3A_36 = vector.load %arg9[%swap3A, %swap3A_35] : memref<2x256xf32, #tpu.memory_space<vmem>>, vector<1x256xf32>
      tpu.vector_store %arg9[%swap3A, %swap3A_35], %add3A {strides = array<i32>} : memref<2x256xf32, #tpu.memory_space<vmem>>, vector<1x256xf32>,
      %get3A_37 = arith.constant 1 : index
      %get3A_38 = arith.constant 0 : index
      %get3A_39 = vector.load %arg9[%get3A_37, %get3A_38] : memref<2x256xf32, #tpu.memory_space<vmem>>, vector<1x256xf32>
      %mul3A_40 = arith.mulf %mul3A_16, %mul3A_16 : vector<512x256xf32>
      %reduce_sum3A_41 = arith.constant dense<0.000000e+00> : vector<256xf32>
      %reduce_sum3A_42 = vector.multi_reduction <add>, %mul3A_40, %reduce_sum3A_41 [0] : vector<512x256xf32> to vector<256xf32>
      %broadcast_in_dim3A_43 = vector.shape_cast %reduce_sum3A_42 : vector<256xf32> to vector<1x256xf32>
      %add3A_44 = arith.addf %get3A_39, %broadcast_in_dim3A_43 : vector<1x256xf32>
      %swap3A_45 = arith.constant 1 : index
      %swap3A_46 = arith.constant 0 : index
      %swap3A_47 = vector.load %arg9[%swap3A_45, %swap3A_46] : memref<2x256xf32, #tpu.memory_space<vmem>>, vector<1x256xf32>
      tpu.vector_store %arg9[%swap3A_45, %swap3A_46], %add3A_44 {strides = array<i32>} : memref<2x256xf32, #tpu.memory_space<vmem>>, vector<1x256xf32>,
    } else {
    }
    %eq3A_26 = arith.constant 1 : i32
    %eq3A_27 = arith.cmpi eq, %arg0, %eq3A_26 : i32
    %convert_element_type3A_28 = arith.extui %eq3A_27 : i1 to i32
    %cond3A_29 = arith.constant 0 : i32
    %cond3A_30 = arith.cmpi ne, %convert_element_type3A_28, %cond3A_29 : i32
    scf.if %cond3A_30 {
      %get3A_31 = arith.constant 0 : index
      %get3A_32 = arith.constant 0 : index
      %get3A_33 = vector.load %arg9[%get3A_31, %get3A_32] : memref<2x256xf32, #tpu.memory_space<vmem>>, vector<1x256xf32>
      %div3A = arith.constant 1.000000e+04 : f32
      %div3A_34 = vector.broadcast %div3A : f32 to vector<1x256xf32>
      %div3A_35 = arith.divf %get3A_33, %div3A_34 : vector<1x256xf32>
      %get3A_36 = arith.constant 1 : index
      %get3A_37 = arith.constant 0 : index
      %get3A_38 = vector.load %arg9[%get3A_36, %get3A_37] : memref<2x256xf32, #tpu.memory_space<vmem>>, vector<1x256xf32>
      %div3A_39 = arith.constant 1.000000e+04 : f32
      %div3A_40 = vector.broadcast %div3A_39 : f32 to vector<1x256xf32>
      %div3A_41 = arith.divf %get3A_38, %div3A_40 : vector<1x256xf32>
      %mul3A_42 = arith.mulf %div3A_35, %div3A_35 : vector<1x256xf32>
      %sub3A = arith.subf %div3A_41, %mul3A_42 : vector<1x256xf32>
      %sub3A_43 = vector.broadcast %div3A_35 : vector<1x256xf32> to vector<512x256xf32>
      %sub3A_44 = arith.subf %mul3A_16, %sub3A_43 : vector<512x256xf32>
      %add3A = arith.constant 9.99999974E-6 : f32
      %add3A_45 = vector.broadcast %add3A : f32 to vector<1x256xf32>
      %add3A_46 = arith.addf %sub3A, %add3A_45 : vector<1x256xf32>
      %rsqrt3A_47 = math.rsqrt %add3A_46 : vector<1x256xf32>
      %mul3A_48 = vector.broadcast %rsqrt3A_47 : vector<1x256xf32> to vector<512x256xf32>
      %mul3A_49 = arith.mulf %sub3A_44, %mul3A_48 : vector<512x256xf32>
      %get3A_50 = arith.constant 0 : index
      %get3A_51 = arith.constant 0 : index
      %get3A_52 = vector.load %arg4[%get3A_50, %get3A_51] : memref<1x256xf32, #tpu.memory_space<vmem>>, vector<1x256xf32>
      %mul3A_53 = vector.broadcast %get3A_52 : vector<1x256xf32> to vector<512x256xf32>
      %mul3A_54 = arith.mulf %mul3A_49, %mul3A_53 : vector<512x256xf32>
      %get3A_55 = arith.constant 0 : index
      %get3A_56 = arith.constant 0 : index
      %get3A_57 = vector.load %arg5[%get3A_55, %get3A_56] : memref<1x256xf32, #tpu.memory_space<vmem>>, vector<1x256xf32>
      %add3A_58 = vector.broadcast %get3A_57 : vector<1x256xf32> to vector<512x256xf32>
      %add3A_59 = arith.addf %mul3A_54, %add3A_58 : vector<512x256xf32>
      %max3A_60 = arith.constant 0.000000e+00 : f32
      %max3A_61 = vector.broadcast %max3A_60 : f32 to vector<512x256xf32>
      %max3A_62 = arith.maximumf %add3A_59, %max3A_61 : vector<512x256xf32>
      %get3A_63 = arith.constant 0 : index
      %get3A_64 = arith.constant 0 : index
      %get3A_65 = arith.constant 0 : index
      %get3A_66 = vector.load %arg3[%get3A_63, %get3A_64, %get3A_65] : memref<2x512x128xf32, #tpu.memory_space<vmem>>, vector<1x512x128xf32>
      %get3A_67 = vector.shape_cast %get3A_66 : vector<1x512x128xf32> to vector<512x128xf32>
      %slice3A_68 = vector.extract_strided_slice %get3A_67 {offsets = [0, 0], sizes = [512, 1], strides = [1, 1]} : vector<512x128xf32> to vector<512x1xf32>
      %max3A_69 = arith.constant 1.000000e+00 : f32
      %max3A_70 = vector.broadcast %max3A_69 : f32 to vector<512x1xf32>
      %max3A_71 = arith.maximumf %slice3A_68, %max3A_70 : vector<512x1xf32>
      %rsqrt3A_72 = math.rsqrt %max3A_71 : vector<512x1xf32>
      %get3A_73 = arith.constant 0 : index
      %get3A_74 = arith.constant 0 : index
      %get3A_75 = vector.load %arg6[%get3A_73, %get3A_74] : memref<256x256xf32, #tpu.memory_space<vmem>>, vector<256x256xf32>
      %dot_general3A = arith.constant dense<0.000000e+00> : vector<512x256xf32>
      %dot_general3A_76 = tpu.matmul %max3A_62, %get3A_75, %dot_general3A {dimension_numbers = #tpu.dot_dimension_numbers<[1], [0], [0], [1], [0, 0, 1, 1], [], []>, transpose_lhs_hint = false} : vector<512x256xf32>, vector<256x256xf32>, vector<512x256xf32> -> vector<512x256xf32>
      %get3A_77 = arith.constant 0 : index
      %get3A_78 = arith.constant 0 : index
      %get3A_79 = vector.load %arg7[%get3A_77, %get3A_78] : memref<1x256xf32, #tpu.memory_space<vmem>>, vector<1x256xf32>
      %add3A_80 = vector.broadcast %get3A_79 : vector<1x256xf32> to vector<512x256xf32>
      %add3A_81 = arith.addf %dot_general3A_76, %add3A_80 : vector<512x256xf32>
      %mul3A_82 = vector.broadcast %rsqrt3A_72 : vector<512x1xf32> to vector<512x256xf32>
      %mul3A_83 = arith.mulf %add3A_81, %mul3A_82 : vector<512x256xf32>
      %slice3A_84 = vector.extract_strided_slice %mul3A_83 {offsets = [0, 0], sizes = [512, 128], strides = [1, 1]} : vector<512x256xf32> to vector<512x128xf32>
      %swap3A = arith.constant 0 : index
      %swap3A_85 = arith.constant 0 : index
      %swap3A_86 = arith.constant 0 : index
      %swap3A_87 = vector.load %arg8[%swap3A, %swap3A_85, %swap3A_86] : memref<2x512x128xf32, #tpu.memory_space<vmem>>, vector<1x512x128xf32>
      %swap3A_88 = vector.shape_cast %swap3A_87 : vector<1x512x128xf32> to vector<512x128xf32>
      %swap3A_89 = vector.shape_cast %slice3A_84 : vector<512x128xf32> to vector<1x512x128xf32>
      tpu.vector_store %arg8[%swap3A, %swap3A_85, %swap3A_86], %swap3A_89 {strides = array<i32>} : memref<2x512x128xf32, #tpu.memory_space<vmem>>, vector<1x512x128xf32>,
      %slice3A_90 = vector.extract_strided_slice %mul3A_83 {offsets = [0, 128], sizes = [512, 128], strides = [1, 1]} : vector<512x256xf32> to vector<512x128xf32>
      %swap3A_91 = arith.constant 1 : index
      %swap3A_92 = arith.constant 0 : index
      %swap3A_93 = arith.constant 0 : index
      %swap3A_94 = vector.load %arg8[%swap3A_91, %swap3A_92, %swap3A_93] : memref<2x512x128xf32, #tpu.memory_space<vmem>>, vector<1x512x128xf32>
      %swap3A_95 = vector.shape_cast %swap3A_94 : vector<1x512x128xf32> to vector<512x128xf32>
      %swap3A_96 = vector.shape_cast %slice3A_90 : vector<512x128xf32> to vector<1x512x128xf32>
      tpu.vector_store %arg8[%swap3A_91, %swap3A_92, %swap3A_93], %swap3A_96 {strides = array<i32>} : memref<2x512x128xf32, #tpu.memory_space<vmem>>, vector<1x512x128xf32>,
    } else {
    }
    return
  }
  func.func @transform_0(%arg0: i32, %arg1: i32) -> (i32, i32, i32) {
    %c0_i32 = arith.constant 0 : i32
    %c0_i32_0 = arith.constant 0 : i32
    %c0_i32_1 = arith.constant 0 : i32
    return %c0_i32, %arg1, %c0_i32_0 : i32, i32, i32
  }
  func.func @transform_1(%arg0: i32, %arg1: i32) -> (i32, i32, i32) {
    %c0_i32 = arith.constant 0 : i32
    %c0_i32_0 = arith.constant 0 : i32
    %c0_i32_1 = arith.constant 0 : i32
    return %c0_i32, %arg1, %c0_i32_0 : i32, i32, i32
  }
  func.func @transform_2(%arg0: i32, %arg1: i32) -> (i32, i32) {
    %c0_i32 = arith.constant 0 : i32
    %c0_i32_0 = arith.constant 0 : i32
    %c0_i32_1 = arith.constant 0 : i32
    return %c0_i32, %c0_i32_0 : i32, i32
  }
  func.func @transform_3(%arg0: i32, %arg1: i32) -> (i32, i32) {
    %c0_i32 = arith.constant 0 : i32
    %c0_i32_0 = arith.constant 0 : i32
    %c0_i32_1 = arith.constant 0 : i32
    return %c0_i32, %c0_i32_0 : i32, i32
  }
  func.func @transform_4(%arg0: i32, %arg1: i32) -> (i32, i32) {
    %c0_i32 = arith.constant 0 : i32
    %c0_i32_0 = arith.constant 0 : i32
    %c0_i32_1 = arith.constant 0 : i32
    return %c0_i32, %c0_i32_0 : i32, i32
  }
  func.func @transform_5(%arg0: i32, %arg1: i32) -> (i32, i32) {
    %c0_i32 = arith.constant 0 : i32
    %c0_i32_0 = arith.constant 0 : i32
    %c0_i32_1 = arith.constant 0 : i32
    return %c0_i32, %c0_i32_0 : i32, i32
  }
  func.func @transform_6(%arg0: i32, %arg1: i32) -> (i32, i32, i32) {
    %c0_i32 = arith.constant 0 : i32
    %c0_i32_0 = arith.constant 0 : i32
    %c0_i32_1 = arith.constant 0 : i32
    return %c0_i32, %arg1, %c0_i32_0 : i32, i32, i32
  }
}

module attributes {stable_mosaic.version = 14 : i64} {
  func.func @body(%arg0: memref<2x10240x128xf32, #tpu.memory_space<vmem>>, %arg1: memref<10240x128xf32, #tpu.memory_space<vmem>>, %arg2: memref<2x10240x128xf32, #tpu.memory_space<vmem>>, %arg3: memref<10240x128xf32, #tpu.memory_space<vmem>>) attributes {dimension_semantics = [], scalar_prefetch = 0 : i64, scratch_operands = 0 : i64, tpu.core_type = #tpu.core_type<tc>} {
    %get3A = arith.constant 0 : index
    %get3A_0 = arith.constant 0 : index
    %get3A_1 = arith.constant 0 : index
    %get3A_2 = vector.load %arg2[%get3A, %get3A_0, %get3A_1] : memref<2x10240x128xf32, #tpu.memory_space<vmem>>, vector<1x10240x128xf32>
    %get3A_3 = vector.shape_cast %get3A_2 : vector<1x10240x128xf32> to vector<10240x128xf32>
    %slice3A = vector.extract_strided_slice %get3A_3 {offsets = [0, 0], sizes = [10240, 1], strides = [1, 1]} : vector<10240x128xf32> to vector<10240x1xf32>
    %max3A = arith.constant 1.000000e+00 : f32
    %max3A_4 = vector.broadcast %max3A : f32 to vector<10240x1xf32>
    %max3A_5 = arith.maximumf %slice3A, %max3A_4 : vector<10240x1xf32>
    %get3A_6 = arith.constant 1 : index
    %get3A_7 = arith.constant 0 : index
    %get3A_8 = arith.constant 0 : index
    %get3A_9 = vector.load %arg2[%get3A_6, %get3A_7, %get3A_8] : memref<2x10240x128xf32, #tpu.memory_space<vmem>>, vector<1x10240x128xf32>
    %get3A_10 = vector.shape_cast %get3A_9 : vector<1x10240x128xf32> to vector<10240x128xf32>
    %slice3A_11 = vector.extract_strided_slice %get3A_10 {offsets = [0, 0], sizes = [10240, 1], strides = [1, 1]} : vector<10240x128xf32> to vector<10240x1xf32>
    %max3A_12 = arith.constant 1.000000e+00 : f32
    %max3A_13 = vector.broadcast %max3A_12 : f32 to vector<10240x1xf32>
    %max3A_14 = arith.maximumf %slice3A_11, %max3A_13 : vector<10240x1xf32>
    %mul3A = arith.mulf %max3A_5, %max3A_14 : vector<10240x1xf32>
    %rsqrt3A = math.rsqrt %mul3A : vector<10240x1xf32>
    %get3A_15 = arith.constant 0 : index
    %get3A_16 = arith.constant 0 : index
    %get3A_17 = arith.constant 0 : index
    %get3A_18 = vector.load %arg0[%get3A_15, %get3A_16, %get3A_17] : memref<2x10240x128xf32, #tpu.memory_space<vmem>>, vector<1x10240x128xf32>
    %get3A_19 = vector.shape_cast %get3A_18 : vector<1x10240x128xf32> to vector<10240x128xf32>
    %slice3A_20 = vector.extract_strided_slice %get3A_19 {offsets = [0, 0], sizes = [10240, 64], strides = [1, 1]} : vector<10240x128xf32> to vector<10240x64xf32>
    %get3A_21 = arith.constant 1 : index
    %get3A_22 = arith.constant 0 : index
    %get3A_23 = arith.constant 0 : index
    %get3A_24 = vector.load %arg0[%get3A_21, %get3A_22, %get3A_23] : memref<2x10240x128xf32, #tpu.memory_space<vmem>>, vector<1x10240x128xf32>
    %get3A_25 = vector.shape_cast %get3A_24 : vector<1x10240x128xf32> to vector<10240x128xf32>
    %slice3A_26 = vector.extract_strided_slice %get3A_25 {offsets = [0, 0], sizes = [10240, 64], strides = [1, 1]} : vector<10240x128xf32> to vector<10240x64xf32>
    %add3A = arith.addf %slice3A_20, %slice3A_26 : vector<10240x64xf32>
    %get3A_27 = arith.constant 0 : index
    %get3A_28 = arith.constant 64 : index
    %get3A_29 = vector.load %arg1[%get3A_27, %get3A_28] : memref<10240x128xf32, #tpu.memory_space<vmem>>, vector<10240x64xf32>
    %add3A_30 = arith.addf %add3A, %get3A_29 : vector<10240x64xf32>
    %mul3A_31 = vector.broadcast %rsqrt3A : vector<10240x1xf32> to vector<10240x64xf32>
    %mul3A_32 = arith.mulf %mul3A_31, %add3A_30 : vector<10240x64xf32>
    %broadcast_in_dim3A = arith.constant 0.000000e+00 : f32
    %broadcast_in_dim3A_33 = vector.broadcast %broadcast_in_dim3A : f32 to vector<10240x64xf32>
    %concatenate3A = tpu.concatenate %mul3A_32, %broadcast_in_dim3A_33 in 1 : vector<10240x64xf32>, vector<10240x64xf32> -> vector<10240x128xf32>
    %swap3A = arith.constant 0 : index
    %swap3A_34 = arith.constant 0 : index
    %swap3A_35 = vector.load %arg3[%swap3A, %swap3A_34] : memref<10240x128xf32, #tpu.memory_space<vmem>>, vector<10240x128xf32>
    tpu.vector_store %arg3[%swap3A, %swap3A_34], %concatenate3A {strides = array<i32>} : memref<10240x128xf32, #tpu.memory_space<vmem>>, vector<10240x128xf32>,
    return
  }
}

module attributes {stable_mosaic.version = 14 : i64} {
  func.func @body(%arg0: i32, %arg1: i32, %arg2: memref<2x512x128xf32, #tpu.memory_space<vmem>>, %arg3: memref<2x512x128xf32, #tpu.memory_space<vmem>>, %arg4: memref<1x256xf32, #tpu.memory_space<vmem>>, %arg5: memref<1x256xf32, #tpu.memory_space<vmem>>, %arg6: memref<256x64xf32, #tpu.memory_space<vmem>>, %arg7: memref<256x64xf32, #tpu.memory_space<vmem>>, %arg8: memref<1x64xf32, #tpu.memory_space<vmem>>, %arg9: memref<512x128xf32, #tpu.memory_space<vmem>>, %arg10: memref<2x256xf32, #tpu.memory_space<vmem>>) attributes {dimension_semantics = [#tpu.dimension_semantics<arbitrary>, #tpu.dimension_semantics<arbitrary>], iteration_bounds = array<i64: 2, 20>, scalar_prefetch = 0 : i64, scratch_operands = 1 : i64, tpu.core_type = #tpu.core_type<tc>, window_params = [{transform_indices = @transform_0, window_bounds = array<i64: 2, 512, 128>}, {transform_indices = @transform_1, window_bounds = array<i64: 2, 512, 128>}, {pipeline_mode = #tpu.pipeline_mode<synchronous>, transform_indices = @transform_2, window_bounds = array<i64: 1, 256>}, {pipeline_mode = #tpu.pipeline_mode<synchronous>, transform_indices = @transform_3, window_bounds = array<i64: 1, 256>}, {pipeline_mode = #tpu.pipeline_mode<synchronous>, transform_indices = @transform_4, window_bounds = array<i64: 256, 64>}, {pipeline_mode = #tpu.pipeline_mode<synchronous>, transform_indices = @transform_5, window_bounds = array<i64: 256, 64>}, {pipeline_mode = #tpu.pipeline_mode<synchronous>, transform_indices = @transform_6, window_bounds = array<i64: 1, 64>}, {transform_indices = @transform_7, window_bounds = array<i64: 512, 128>}]} {
    %get3A = arith.constant 1 : index
    %get3A_0 = arith.constant 0 : index
    %get3A_1 = arith.constant 0 : index
    %get3A_2 = vector.load %arg3[%get3A, %get3A_0, %get3A_1] : memref<2x512x128xf32, #tpu.memory_space<vmem>>, vector<1x512x128xf32>
    %get3A_3 = vector.shape_cast %get3A_2 : vector<1x512x128xf32> to vector<512x128xf32>
    %slice3A = vector.extract_strided_slice %get3A_3 {offsets = [0, 0], sizes = [512, 1], strides = [1, 1]} : vector<512x128xf32> to vector<512x1xf32>
    %max3A = arith.constant 1.000000e+00 : f32
    %max3A_4 = vector.broadcast %max3A : f32 to vector<512x1xf32>
    %max3A_5 = arith.maximumf %slice3A, %max3A_4 : vector<512x1xf32>
    %rsqrt3A = math.rsqrt %max3A_5 : vector<512x1xf32>
    %get3A_6 = arith.constant 0 : index
    %get3A_7 = arith.constant 0 : index
    %get3A_8 = arith.constant 0 : index
    %get3A_9 = vector.load %arg2[%get3A_6, %get3A_7, %get3A_8] : memref<2x512x128xf32, #tpu.memory_space<vmem>>, vector<1x512x128xf32>
    %get3A_10 = vector.shape_cast %get3A_9 : vector<1x512x128xf32> to vector<512x128xf32>
    %get3A_11 = arith.constant 1 : index
    %get3A_12 = arith.constant 0 : index
    %get3A_13 = arith.constant 0 : index
    %get3A_14 = vector.load %arg2[%get3A_11, %get3A_12, %get3A_13] : memref<2x512x128xf32, #tpu.memory_space<vmem>>, vector<1x512x128xf32>
    %get3A_15 = vector.shape_cast %get3A_14 : vector<1x512x128xf32> to vector<512x128xf32>
    %concatenate3A = tpu.concatenate %get3A_10, %get3A_15 in 1 : vector<512x128xf32>, vector<512x128xf32> -> vector<512x256xf32>
    %mul3A = vector.broadcast %rsqrt3A : vector<512x1xf32> to vector<512x256xf32>
    %mul3A_16 = arith.mulf %concatenate3A, %mul3A : vector<512x256xf32>
    %eq3A = arith.constant 0 : i32
    %eq3A_17 = arith.cmpi eq, %arg0, %eq3A : i32
    %eq3A_18 = arith.constant 0 : i32
    %eq3A_19 = arith.cmpi eq, %arg1, %eq3A_18 : i32
    %and3A = arith.andi %eq3A_17, %eq3A_19 : i1
    %convert_element_type3A = arith.extui %and3A : i1 to i32
    %cond3A = arith.constant 0 : i32
    %cond3A_20 = arith.cmpi ne, %convert_element_type3A, %cond3A : i32
    scf.if %cond3A_20 {
      %broadcast_in_dim3A = arith.constant 0.000000e+00 : f32
      %broadcast_in_dim3A_31 = vector.broadcast %broadcast_in_dim3A : f32 to vector<2x256xf32>
      %swap3A = arith.constant 0 : index
      %swap3A_32 = arith.constant 0 : index
      %swap3A_33 = vector.load %arg10[%swap3A, %swap3A_32] : memref<2x256xf32, #tpu.memory_space<vmem>>, vector<2x256xf32>
      tpu.vector_store %arg10[%swap3A, %swap3A_32], %broadcast_in_dim3A_31 {strides = array<i32>} : memref<2x256xf32, #tpu.memory_space<vmem>>, vector<2x256xf32>,
    } else {
    }
    %eq3A_21 = arith.constant 0 : i32
    %eq3A_22 = arith.cmpi eq, %arg0, %eq3A_21 : i32
    %convert_element_type3A_23 = arith.extui %eq3A_22 : i1 to i32
    %cond3A_24 = arith.constant 0 : i32
    %cond3A_25 = arith.cmpi ne, %convert_element_type3A_23, %cond3A_24 : i32
    scf.if %cond3A_25 {
      %get3A_31 = arith.constant 0 : index
      %get3A_32 = arith.constant 0 : index
      %get3A_33 = vector.load %arg10[%get3A_31, %get3A_32] : memref<2x256xf32, #tpu.memory_space<vmem>>, vector<1x256xf32>
      %reduce_sum3A = arith.constant dense<0.000000e+00> : vector<256xf32>
      %reduce_sum3A_34 = vector.multi_reduction <add>, %mul3A_16, %reduce_sum3A [0] : vector<512x256xf32> to vector<256xf32>
      %broadcast_in_dim3A = vector.shape_cast %reduce_sum3A_34 : vector<256xf32> to vector<1x256xf32>
      %add3A = arith.addf %get3A_33, %broadcast_in_dim3A : vector<1x256xf32>
      %swap3A = arith.constant 0 : index
      %swap3A_35 = arith.constant 0 : index
      %swap3A_36 = vector.load %arg10[%swap3A, %swap3A_35] : memref<2x256xf32, #tpu.memory_space<vmem>>, vector<1x256xf32>
      tpu.vector_store %arg10[%swap3A, %swap3A_35], %add3A {strides = array<i32>} : memref<2x256xf32, #tpu.memory_space<vmem>>, vector<1x256xf32>,
      %get3A_37 = arith.constant 1 : index
      %get3A_38 = arith.constant 0 : index
      %get3A_39 = vector.load %arg10[%get3A_37, %get3A_38] : memref<2x256xf32, #tpu.memory_space<vmem>>, vector<1x256xf32>
      %mul3A_40 = arith.mulf %mul3A_16, %mul3A_16 : vector<512x256xf32>
      %reduce_sum3A_41 = arith.constant dense<0.000000e+00> : vector<256xf32>
      %reduce_sum3A_42 = vector.multi_reduction <add>, %mul3A_40, %reduce_sum3A_41 [0] : vector<512x256xf32> to vector<256xf32>
      %broadcast_in_dim3A_43 = vector.shape_cast %reduce_sum3A_42 : vector<256xf32> to vector<1x256xf32>
      %add3A_44 = arith.addf %get3A_39, %broadcast_in_dim3A_43 : vector<1x256xf32>
      %swap3A_45 = arith.constant 1 : index
      %swap3A_46 = arith.constant 0 : index
      %swap3A_47 = vector.load %arg10[%swap3A_45, %swap3A_46] : memref<2x256xf32, #tpu.memory_space<vmem>>, vector<1x256xf32>
      tpu.vector_store %arg10[%swap3A_45, %swap3A_46], %add3A_44 {strides = array<i32>} : memref<2x256xf32, #tpu.memory_space<vmem>>, vector<1x256xf32>,
    } else {
    }
    %eq3A_26 = arith.constant 1 : i32
    %eq3A_27 = arith.cmpi eq, %arg0, %eq3A_26 : i32
    %convert_element_type3A_28 = arith.extui %eq3A_27 : i1 to i32
    %cond3A_29 = arith.constant 0 : i32
    %cond3A_30 = arith.cmpi ne, %convert_element_type3A_28, %cond3A_29 : i32
    scf.if %cond3A_30 {
      %get3A_31 = arith.constant 0 : index
      %get3A_32 = arith.constant 0 : index
      %get3A_33 = vector.load %arg10[%get3A_31, %get3A_32] : memref<2x256xf32, #tpu.memory_space<vmem>>, vector<1x256xf32>
      %div3A = arith.constant 1.000000e+04 : f32
      %div3A_34 = vector.broadcast %div3A : f32 to vector<1x256xf32>
      %div3A_35 = arith.divf %get3A_33, %div3A_34 : vector<1x256xf32>
      %get3A_36 = arith.constant 1 : index
      %get3A_37 = arith.constant 0 : index
      %get3A_38 = vector.load %arg10[%get3A_36, %get3A_37] : memref<2x256xf32, #tpu.memory_space<vmem>>, vector<1x256xf32>
      %div3A_39 = arith.constant 1.000000e+04 : f32
      %div3A_40 = vector.broadcast %div3A_39 : f32 to vector<1x256xf32>
      %div3A_41 = arith.divf %get3A_38, %div3A_40 : vector<1x256xf32>
      %mul3A_42 = arith.mulf %div3A_35, %div3A_35 : vector<1x256xf32>
      %sub3A = arith.subf %div3A_41, %mul3A_42 : vector<1x256xf32>
      %sub3A_43 = vector.broadcast %div3A_35 : vector<1x256xf32> to vector<512x256xf32>
      %sub3A_44 = arith.subf %mul3A_16, %sub3A_43 : vector<512x256xf32>
      %add3A = arith.constant 9.99999974E-6 : f32
      %add3A_45 = vector.broadcast %add3A : f32 to vector<1x256xf32>
      %add3A_46 = arith.addf %sub3A, %add3A_45 : vector<1x256xf32>
      %rsqrt3A_47 = math.rsqrt %add3A_46 : vector<1x256xf32>
      %mul3A_48 = vector.broadcast %rsqrt3A_47 : vector<1x256xf32> to vector<512x256xf32>
      %mul3A_49 = arith.mulf %sub3A_44, %mul3A_48 : vector<512x256xf32>
      %get3A_50 = arith.constant 0 : index
      %get3A_51 = arith.constant 0 : index
      %get3A_52 = vector.load %arg4[%get3A_50, %get3A_51] : memref<1x256xf32, #tpu.memory_space<vmem>>, vector<1x256xf32>
      %mul3A_53 = vector.broadcast %get3A_52 : vector<1x256xf32> to vector<512x256xf32>
      %mul3A_54 = arith.mulf %mul3A_49, %mul3A_53 : vector<512x256xf32>
      %get3A_55 = arith.constant 0 : index
      %get3A_56 = arith.constant 0 : index
      %get3A_57 = vector.load %arg5[%get3A_55, %get3A_56] : memref<1x256xf32, #tpu.memory_space<vmem>>, vector<1x256xf32>
      %add3A_58 = vector.broadcast %get3A_57 : vector<1x256xf32> to vector<512x256xf32>
      %add3A_59 = arith.addf %mul3A_54, %add3A_58 : vector<512x256xf32>
      %max3A_60 = arith.constant 0.000000e+00 : f32
      %max3A_61 = vector.broadcast %max3A_60 : f32 to vector<512x256xf32>
      %max3A_62 = arith.maximumf %add3A_59, %max3A_61 : vector<512x256xf32>
      %get3A_63 = arith.constant 0 : index
      %get3A_64 = arith.constant 0 : index
      %get3A_65 = vector.load %arg6[%get3A_63, %get3A_64] : memref<256x64xf32, #tpu.memory_space<vmem>>, vector<256x64xf32>
      %dot_general3A = arith.constant dense<0.000000e+00> : vector<512x64xf32>
      %dot_general3A_66 = tpu.matmul %max3A_62, %get3A_65, %dot_general3A {dimension_numbers = #tpu.dot_dimension_numbers<[1], [0], [0], [1], [0, 0, 1, 1], [], []>, transpose_lhs_hint = false} : vector<512x256xf32>, vector<256x64xf32>, vector<512x64xf32> -> vector<512x64xf32>
      %get3A_67 = arith.constant 1 : index
      %get3A_68 = arith.constant 0 : index
      %get3A_69 = arith.constant 0 : index
      %get3A_70 = vector.load %arg3[%get3A_67, %get3A_68, %get3A_69] : memref<2x512x128xf32, #tpu.memory_space<vmem>>, vector<1x512x128xf32>
      %get3A_71 = vector.shape_cast %get3A_70 : vector<1x512x128xf32> to vector<512x128xf32>
      %slice3A_72 = vector.extract_strided_slice %get3A_71 {offsets = [0, 0], sizes = [512, 1], strides = [1, 1]} : vector<512x128xf32> to vector<512x1xf32>
      %get3A_73 = arith.constant 0 : index
      %get3A_74 = arith.constant 0 : index
      %get3A_75 = vector.load %arg7[%get3A_73, %get3A_74] : memref<256x64xf32, #tpu.memory_space<vmem>>, vector<256x64xf32>
      %dot_general3A_76 = arith.constant dense<0.000000e+00> : vector<512x64xf32>
      %dot_general3A_77 = tpu.matmul %max3A_62, %get3A_75, %dot_general3A_76 {dimension_numbers = #tpu.dot_dimension_numbers<[1], [0], [0], [1], [0, 0, 1, 1], [], []>, transpose_lhs_hint = false} : vector<512x256xf32>, vector<256x64xf32>, vector<512x64xf32> -> vector<512x64xf32>
      %get3A_78 = arith.constant 0 : index
      %get3A_79 = arith.constant 0 : index
      %get3A_80 = vector.load %arg8[%get3A_78, %get3A_79] : memref<1x64xf32, #tpu.memory_space<vmem>>, vector<1x64xf32>
      %add3A_81 = vector.broadcast %get3A_80 : vector<1x64xf32> to vector<512x64xf32>
      %add3A_82 = arith.addf %dot_general3A_77, %add3A_81 : vector<512x64xf32>
      %mul3A_83 = vector.broadcast %slice3A_72 : vector<512x1xf32> to vector<512x64xf32>
      %mul3A_84 = arith.mulf %mul3A_83, %add3A_82 : vector<512x64xf32>
      %concatenate3A_85 = tpu.concatenate %dot_general3A_66, %mul3A_84 in 1 : vector<512x64xf32>, vector<512x64xf32> -> vector<512x128xf32>
      %swap3A = arith.constant 0 : index
      %swap3A_86 = arith.constant 0 : index
      %swap3A_87 = vector.load %arg9[%swap3A, %swap3A_86] : memref<512x128xf32, #tpu.memory_space<vmem>>, vector<512x128xf32>
      tpu.vector_store %arg9[%swap3A, %swap3A_86], %concatenate3A_85 {strides = array<i32>} : memref<512x128xf32, #tpu.memory_space<vmem>>, vector<512x128xf32>,
    } else {
    }
    return
  }
  func.func @transform_0(%arg0: i32, %arg1: i32) -> (i32, i32, i32) {
    %c0_i32 = arith.constant 0 : i32
    %c0_i32_0 = arith.constant 0 : i32
    %c0_i32_1 = arith.constant 0 : i32
    return %c0_i32, %arg1, %c0_i32_0 : i32, i32, i32
  }
  func.func @transform_1(%arg0: i32, %arg1: i32) -> (i32, i32, i32) {
    %c0_i32 = arith.constant 0 : i32
    %c0_i32_0 = arith.constant 0 : i32
    %c0_i32_1 = arith.constant 0 : i32
    return %c0_i32, %arg1, %c0_i32_0 : i32, i32, i32
  }
  func.func @transform_2(%arg0: i32, %arg1: i32) -> (i32, i32) {
    %c0_i32 = arith.constant 0 : i32
    %c0_i32_0 = arith.constant 0 : i32
    %c0_i32_1 = arith.constant 0 : i32
    return %c0_i32, %c0_i32_0 : i32, i32
  }
  func.func @transform_3(%arg0: i32, %arg1: i32) -> (i32, i32) {
    %c0_i32 = arith.constant 0 : i32
    %c0_i32_0 = arith.constant 0 : i32
    %c0_i32_1 = arith.constant 0 : i32
    return %c0_i32, %c0_i32_0 : i32, i32
  }
  func.func @transform_4(%arg0: i32, %arg1: i32) -> (i32, i32) {
    %c0_i32 = arith.constant 0 : i32
    %c0_i32_0 = arith.constant 0 : i32
    %c0_i32_1 = arith.constant 0 : i32
    return %c0_i32, %c0_i32_0 : i32, i32
  }
  func.func @transform_5(%arg0: i32, %arg1: i32) -> (i32, i32) {
    %c0_i32 = arith.constant 0 : i32
    %c0_i32_0 = arith.constant 0 : i32
    %c0_i32_1 = arith.constant 0 : i32
    return %c0_i32, %c0_i32_0 : i32, i32
  }
  func.func @transform_6(%arg0: i32, %arg1: i32) -> (i32, i32) {
    %c0_i32 = arith.constant 0 : i32
    %c0_i32_0 = arith.constant 0 : i32
    %c0_i32_1 = arith.constant 0 : i32
    return %c0_i32, %c0_i32_0 : i32, i32
  }
  func.func @transform_7(%arg0: i32, %arg1: i32) -> (i32, i32) {
    %c0_i32 = arith.constant 0 : i32
    %c0_i32_0 = arith.constant 0 : i32
    return %arg1, %c0_i32 : i32, i32
  }
}

</mosaic_0001>

<sc_bundles>
// kernel: kernel.11.cloned.1.call-start
scs
__scs_entry_jumppad:
0x0: {  	(pc) =	sbr.rel $0x88, $3  }
0x1: {  	(tag) =	ssettag $0x0;
	lr =	simm.s32 $0x1  }
0x2: {  	[smem:$0x3F95] =	sst lr;
	_ =	strace $0xD0000000  }
0x3: {  	_ = 	snop  }
0x4: {  	_ = 	snop  }
0x5: {  	_ = 	snop  }
0x6: {  	_ = 	snop  }
0x7: {  	_ = 	snop  }
__scs_overlays_trampoline_lowered:
0x8: {  	[smem:$0x3FA4] =	sst s0  }
0x9: {  	[smem:$0x3FA5] =	sst s1  }
0xa: {  	[smem:$0x3FA6] =	sst s2  }
0xb: {  	[smem:$0x3FA7] =	sst s3  }
0xc: {  	[smem:$0x3FA8] =	sst s4  }
0xd: {  	[smem:$0x3FA9] =	sst s5  }
0xe: {  	[smem:$0x3FAA] =	sst s6  }
0xf: {  	[smem:$0x3FAB] =	sst s7  }
0x10: {  	[smem:$0x3FAC] =	sst s8  }
0x11: {  	[smem:$0x3FAD] =	sst s9;
	s0 =	simm.s32 @!p0 $0x0  }
0x12: {  	s1 =	sld [smem:$0x3F93];
	s0 =	simm.s32 @p0 $0x1  }
0x13: {  	[smem:$0x3FAE] =	sst s0;
	s0 =	simm.s32 @!p1 $0x0  }
0x14: {  	s2 =	sld [smem:$0x3F92];
	s0 =	simm.s32 @p1 $0x1  }
0x15: {  	[smem:$0x3FAF] =	sst s0;
	s0 =	simm.s32 @!p2 $0x0  }
0x16: {  	s3 =	sld [smem:$0x3FDB];
	s0 =	simm.s32 @p2 $0x1  }
0x17: {  	s4 =	simm.s32 $0x1BF5;
	[smem:$0x3FB1] =	sst s0  }
0x18: {  	s0 =	sld [smem:$0x3F94];
	_ =	swait.ge [sflag:s4], $0x0  }
0x19: {  	s7 =	sld [smem:$0x3F95]  }
0x1a: {  	s8 =	sadd.s32 $0xFFFFE003, lr  }
0x1b: {  	s9 =	sadd.s32 $0xFFFFFEF7, lr;
	s5 =	simm.s32 $0xFFFFFFFF;
	p2 =	slt.u32 s8, $0xFFFFF086  }
0x1c: {  	p1 =	slt.u32 s9, $0xF7A;
	s5 =	simm.s32 @!p2 $0x0  }
0x1d: {  	s5 =	simm.s32 @p1 $0x1;
	p0 =	seq.s32 s7, s2  }
0x1e: {  	s7 =	smul.u32 @!p0 $0xF7A, s2;
	p2 =	seq.s32 @!p0 s5, $0x0  }
0x1f: {  	s9 =	smul.u32 $0xF7A, s1;
	s8 =	simm.s32 @!p0 $0x1BF5;
	p2 =	por !p2, p0  }
0x20: {  	[sflag:s8] =	ssyncset.s32 @!p0 $0xFFFFF086;
	s6 =	sadd.s32 @!p0 s3, s7;
	s7 =	simm.s32 @!p0 $0x108  }
0x21: {  	s3 =	sadd.s32 s3, s9;
	s6 =	sadd.s32 @!p0 $0x88, s6;
	s7 =	simm.s32 @p2 $0x1082  }
0x22: {  	[simem:s7], [sflag:s8] =	dma.local @!p0 [hbm:s6], $0xF7A  }
0x23: {  	s9 =	sor.u32 $0xD0000000, s2;
	s6 =	simm.s32 $0x108;
	_ =	swait.ge @!p0 [sflag:s8], $0x0  }
0x24: {  	s3 =	sadd.s32 $0x88, s3;
	s6 =	simm.s32 @!p1 $0x1082;
	[sflag:s4] =	ssyncset.s32 $0xFFFFF086  }
0x25: {  	[simem:s6], [sflag:s4] =	dma.local [hbm:s3], $0xF7A  }
0x26: {  	[smem:$0x3F95] =	sst s1;
	(tag) =	ssettag s2;
	_ =	strace s9  }
0x27: {  	s1 =	sld [smem:$0x3FA5]  }
0x28: {  	s2 =	sld [smem:$0x3FA6]  }
0x29: {  	s4 =	sld [smem:$0x3FA8]  }
0x2a: {  	p0 =	seq.s32 s5, $0x0;
	s5 =	sld [smem:$0x3FA9]  }
0x2b: {  	s6 =	sld [smem:$0x3FAA]  }
0x2c: {  	s7 =	sld [smem:$0x3FAB]  }
0x2d: {  	s3 =	simm.s32 $0x108;
	s8 =	sld [smem:$0x3FAC]  }
0x2e: {  	s3 =	simm.s32 @!p0 $0x1082;
	s9 =	sld [smem:$0x3FAD]  }
0x2f: {  	lr =	sadd.s32 s0, s3;
	s0 =	sld [smem:$0x3FA4]  }
0x30: {  	s3 =	sld [smem:$0x3FA7]  }
0x31: {  	[smem:$0x3FB0] =	sst s10  }
0x32: {  	s10 =	sld [smem:$0x3FAE];
	_ =	sdelay $0x3  }
0x33: {  	p0 =	seq.s32 s10, $0x1;
	s10 =	sld [smem:$0x3FB0];
	_ =	sdelay $0x3  }
0x34: {  	[smem:$0x3FB0] =	sst s10  }
0x35: {  	s10 =	sld [smem:$0x3FAF];
	_ =	sdelay $0x3  }
0x36: {  	p1 =	seq.s32 s10, $0x1;
	s10 =	sld [smem:$0x3FB0];
	_ =	sdelay $0x3  }
0x37: {  	[smem:$0x3FB0] =	sst s10  }
0x38: {  	s10 =	sld [smem:$0x3FB1]  }
0x39: {  	_ = 	snop;
	(pc) =	sbr.ind lr, $3  }
0x3a: {  	_ = 	snop  }
0x3b: {  	_ = 	snop  }
0x3c: {  	p2 =	seq.s32 s10, $0x1;
	s10 =	sld [smem:$0x3FB0]  }
0x3d: {  	_ =	shalt  }
0x3e: {  	_ =	shalt  }
0x3f: {  	_ =	shalt  }
0x40: {  	_ =	shalt  }
0x41: {  	_ =	shalt  }
0x42: {  	_ =	shalt  }
0x43: {  	_ =	shalt  }
0x44: {  	_ =	shalt  }
0x45: {  	_ =	shalt  }
0x46: {  	_ =	shalt  }
0x47: {  	_ =	shalt  }
0x48: {  	_ =	shalt  }
0x49: {  	_ =	shalt  }
0x4a: {  	_ =	shalt  }
0x4b: {  	_ =	shalt  }
0x4c: {  	_ =	shalt  }
0x4d: {  	_ =	shalt  }
0x4e: {  	_ =	shalt  }
0x4f: {  	_ =	shalt  }
0x50: {  	_ =	shalt  }
0x51: {  	_ =	shalt  }
0x52: {  	_ =	shalt  }
0x53: {  	_ =	shalt  }
0x54: {  	_ =	shalt  }
0x55: {  	_ =	shalt  }
0x56: {  	_ =	shalt  }
0x57: {  	_ =	shalt  }
0x58: {  	_ =	shalt  }
0x59: {  	_ =	shalt  }
0x5a: {  	_ =	shalt  }
0x5b: {  	_ =	shalt  }
0x5c: {  	_ =	shalt  }
0x5d: {  	_ =	shalt  }
0x5e: {  	_ =	shalt  }
0x5f: {  	_ =	shalt  }
0x60: {  	_ =	shalt  }
0x61: {  	_ =	shalt  }
0x62: {  	_ =	shalt  }
0x63: {  	_ =	shalt  }
0x64: {  	_ =	shalt  }
0x65: {  	_ =	shalt  }
0x66: {  	_ =	shalt  }
0x67: {  	_ =	shalt  }
0x68: {  	_ =	shalt  }
0x69: {  	_ =	shalt  }
0x6a: {  	_ =	shalt  }
0x6b: {  	_ =	shalt  }
0x6c: {  	_ =	shalt  }
0x6d: {  	_ =	shalt  }
0x6e: {  	_ =	shalt  }
0x6f: {  	_ =	shalt  }
0x70: {  	_ =	shalt  }
0x71: {  	_ =	shalt  }
0x72: {  	_ =	shalt  }
0x73: {  	_ =	shalt  }
0x74: {  	_ =	shalt  }
0x75: {  	_ =	shalt  }
0x76: {  	_ =	shalt  }
0x77: {  	_ =	shalt  }
0x78: {  	_ =	shalt  }
0x79: {  	_ =	shalt  }
0x7a: {  	_ =	shalt  }
0x7b: {  	_ =	shalt  }
0x7c: {  	_ =	shalt  }
0x7d: {  	_ =	shalt  }
0x7e: {  	_ =	shalt  }
0x7f: {  	_ =	shalt  }
0x80: {  	_ =	shalt  }
0x81: {  	_ =	shalt  }
0x82: {  	_ =	shalt  }
0x83: {  	_ =	shalt  }
0x84: {  	_ =	shalt  }
0x85: {  	_ =	shalt  }
0x86: {  	_ =	shalt  }
0x87: {  	_ =	shalt  }
.Lfunc_end0:
.L_simem_size_0:
called_computation.1_lowered:
.L_overlay_start_0:
0x88: {  	s2 =	sld [smem:$0x3FD9]  }
0x89: {  	s3 =	sld [smem:$0x3FFE];
	_ =	sdelay $0x1  }
0x8a: {  	s1 =	srdreg.scid  }
0x8b: {  	s0 =	sand.u32 $0x1, s1  }
0x8c: {  	s17 =	sshll.u32 s0, $0xA;
	s2 =	sadd.s32 s3, s2  }
0x8d: {  	s2 =	sadd.s32 s2, s17  }
0x8e: {  	[smem:$0x3FBC] =	sst s2  }
0x8f: {  	_ = 	snop  }
0x90: {  	s2 =	sld [smem:$0x3FD0];
	(tm) =	ssettm $0x1  }
0x91: {  	s18 =	sld [smem:$0x3FFB];
	_ =	sdelay $0x3  }
0x92: {  	_ =	strace s18  }
0x93: {  	s3 =	sld [smem:$0x3FFC];
	_ =	sdelay $0x3  }
0x94: {  	_ =	strace s3  }
0x95: {  	s3 =	sld [smem:$0x3FFD];
	_ =	sdelay $0x3  }
0x96: {  	_ =	strace s3  }
0x97: {  	_ =	strace $0x8FFFFFFF  }
0x98: {  	s19 =	sld [smem:$0x3FDB];
	_ =	sdelay $0x1  }
0x99: {  	s4 =	simm.s32 $_scs_section_size  }
0x9a: {  	s5 =	simm.s32 $_size__tile_overlayer_lowered;
	s6 =	simm.s32 $_tile_overlayer_lowered  }
0x9b: {  	s22 =	simm.s32 $0x1BFF;
	s21 =	sshll.u32 s6, $0x1;
	s3 =	sadd.s32 s4, s19  }
0x9c: {  	s7 =	simm.s32 $0x0;
	s20 =	sshll.u32 s5, $0x1;
	s5 =	sadd.s32 s21, s3  }
0x9d: {  	[timem:s7], [sflag:s22] =	dma.local [hbm:s5], s20  }
0x9e: {  	_ =	swait.ge [sflag:s22], s20  }
0x9f: {  	s4 =	ssub.s32 $0x0, s20;
	[sflag:s22] =	ssyncset.done $0x0  }
0xa0: {  	[sflag:s22] =	ssyncadd.s32 s4;
	_ =	sdelay $0x1  }
0xa1: {  	s23 =	simm.s32 $0x1B8B  }
0xa2: {  	_ =	swait.ge [sflag:s23], $0x1  }
0xa3: {  	[sflag:s23] =	ssyncset.done $0x0  }
0xa4: {  	s25 =	simm.s32 $0x1B8E;
	s24 =	sld [smem:$0x3FFE];
	[sflag:s23] =	ssyncadd.s32 $0xFFFFFFFF  }
0xa5: {  	s26 =	simm.s32 $execute0_lowered;
	[smem:$0x3FD2] =	sst s25  }
0xa6: {  	s5 =	sshll.u32 s26, $0x1;
	_ =	strace $0x80000046;
	[dreg:$0x1] =	wrdreg $0xFFFFFFFF  }
0xa7: {  	s28 =	simm.s32 $_size_execute0_lowered;
	s3 =	sadd.s32 s3, s5;
	[dreg:$0x0] =	wrdreg $0x0  }
0xa8: {  	s5 =	sshll.u32 s28, $0x1;
	[dreg:$0x2] =	wrdreg s3  }
0xa9: {  	[dreg:$0x3] =	wrdreg s5  }
0xaa: {  	[dreg:$0x4] =	wrdreg $0xC0  }
0xab: {  	_ =	task [dreg:s7], $0x5FFFF  }
0xac: {  	[dreg:$0x1] =	wrdreg $0xFFFFFFFF  }
0xad: {  	[dreg:$0x0] =	wrdreg $0x60  }
0xae: {  	[dreg:$0x2] =	wrdreg s2  }
0xaf: {  	[dreg:$0x3] =	wrdreg s24  }
0xb0: {  	[dreg:$0x4] =	wrdreg $0x68000  }
0xb1: {  	[dreg:$0x5] =	wrdreg $0x9  }
0xb2: {  	_ =	task.clear_ibuf [dreg:s7], $0x6FFFF;
	_ =	strace $0x90000046  }
0xb3: {  	s29 =	simm.s32 $0x9;
	_ =	strace $0x80000048  }
0xb4: {  	_ =	swait.ge [sflag:s29], $0x1  }
0xb5: {  	[sflag:s29] =	ssyncadd.s32 $0xFFFFFFFF  }
0xb6: {  	_ =	strace $0x90000048  }
0xb7: {  	_ =	sfence  }
0xb8: {  	s30 =	sld [smem:$0x0];
	_ =	sdelay $0x2  }
0xb9: {  	s31 =	sshll.u32 s1, $0xD;
	s1 =	sshrl.u32 s1, $0x2  }
0xba: {  	s3 =	sand.u32 $0x4000, s31;
	s1 =	sadd.s32 s1, s30  }
0xbb: {  	s0 =	sor.u32 s3, s0;
	s1 =	sshll.u32 s1, $0x11  }
0xbc: {  	s0 =	sor.u32 s1, s0  }
0xbd: {  	s0 =	sadd.s32 $0x8F2B, s0  }
0xbe: {  	[sflag:s0] =	ssyncadd.remote.s32 $0x1  }
0xbf: {  	_ =	sfence.sel $0xFFFF  }
0xc0: {  	[dreg:$0x0] =	wrdreg $0xFFFFFFFF;
	(pc) =	sbr.abs _section_cstart, $3  }
0xc1: {  	[dreg:$0x1] =	wrdreg $0xFFFFFFFF  }
0xc2: {  	_ =	task.clear_ibuf [dreg:s7], $0x2FFFF;
	_ =	strace $0x9FFFFFFF  }
0xc3: {  	(tm) =	ssettm $0x7FFFFFFF  }
tec
execute0_lowered:
.L_overlay_start_1:
0x0: {  	(tag) =	ssettag $0x1  }
0x1: {  	s7 =	rddreg [dreg:$0x0]  }
0x2: {  	s5 =	rddreg [dreg:$0x1]  }
0x3: {  	s2 =	rddreg [dreg:$0x2];
	s1 =	stileid.u32  }
0x4: {  	s0 =	rddreg [dreg:$0x3];
	s3 =	simm.s32 $0x0;
	s6 =	smul.u32 $0x14000, s1  }
0x5: {  	s4 =	srdreg.scid;
	s15 =	simm.s32 $0x0;
	s11 =	smul.u32 $0x50000, s1  }
0x6: {  	[smem:$0x7FF] =	sst s3;
	s8 =	sand.u32 $0x1, s4;
	s13 =	smul.u32 $0x2800, s1  }
0x7: {  	s4 =	sadd.s32 $0xE000, s5;
	s30 =	sshll.u32 s1, $0x6;
	s10 =	smul.u32 $0x140000, s8  }
0x8: {  	_ =	strace $0x80000047;
	s26 =	ssub.s32 $0x2, s8;
	s8 =	smul.u32 $0x28000, s8  }
0x9: {  	s9 =	sshrl.u32 s6, $0x3;
	s12 =	sshrl.u32 s26, $0x1;
	s28 =	sshrl.u32 s11, $0x2  }
0xa: {  	s9 =	sadd.s32 s9, s5;
	s6 =	sadd.s32 s6, s10;
	s10 =	ssub.s32 s26, s12  }
0xb: {  	s11 =	sadd.s32 s28, s2;
	s29 =	sadd.s32 s13, s8;
	s12 =	smul.u32 $0xFFFFFFB0, s1  }
0xc: {  	s13 =	simm.s32 $0x2800;
	s6 =	sshrl.u32 s6, $0x3;
	s31 =	sshrl.u32 s29, $0x3  }
0xd: {  	s11 =	sshrl.u32 s11, $0x3;
	s14 =	sadd.s32 s6, s5;
	s5 =	sadd.s32 $0xE800, s9  }
0xe: {  	s6 =	sor.u32 $0x1C01, s30;
	s7 =	sadd.s32 s7, s31;
	p0 =	slt.s32 s12, $0xFFFFFB6E  }
0xf: {  	s9 =	smax.u32 s10, $0x1;
	s12 =	simm.s32 @!p0 $0xFFFFFB6E;
	s8 =	sadd.s32 $0x36800, s14  }
0x10: {  	s14 =	simm.s32 $0x80;
	s10 =	sadd.s32 $0x4E2, s12;
	s12 =	simm.s32 $0x1  }
.LBB2_1:
0x11: {  	[spmem:s11], [sflag:s6] =	dma.local [hbm:s5], $0x2800  }
0x12: {  	_ =	swait.ge [sflag:s12], $0x2800  }
0x13: {  	[sflag:s12] =	ssyncset.done $0x0  }
0x14: {  	[sflag:s12] =	ssyncadd.s32 $0xFFFFD800  }
0x15: {  	[tilespmem:s13], [sflag:$0x1] =	stream.linear.gather [hbm4b:s4+s3], $0x4000, $0x38;
	[tilespmem:$0x1A808] =	vst v63  }
0x16: {  	_ =	swait.ge [sflag:s12], $0x4000  }
0x17: {  	[sflag:s12] =	ssyncset.done $0x0  }
0x18: {  	[sflag:s12] =	ssyncadd.s32 $0xFFFFC000  }
0x19: {  	[tilespmem:s3], [sflag:$0x1] =	stream.linear.gather [hbm4b:s7+s3], $0x2800, $0x38;
	[tilespmem:$0x1A808] =	vst v63  }
0x1a: {  	_ =	swait.ge [sflag:s12], $0x2800  }
0x1b: {  	p0 =	sne.s32 s10, $0x1;
	[sflag:s12] =	ssyncset.done $0x0  }
.Ltmp0:
0x1c: {  	[sflag:s12] =	ssyncadd.s32 $0xFFFFD800;
	(pc) =	sbr.rel @!p0 .LBB2_3-.Ltmp0, $4  }
0x1d: {  	[bflag:$0x0] =	sbarrier.arrive $0xFFFF  }
0x1e: {  	[spmem:s2] =	stream.indirect.scatter.add.f32 [tilespmem:s13], [sflag:$0x1], $0x80, s3, s14, $0xb8;
	[tilespmem:$0x1A808] =	vst v63  }
0x1f: {  	_ =	swait.ge [sflag:s12], $0x4000  }
0x20: {  	s16 =	sadd.s32 $0xFFFFFFFF, s10;
	s17 =	simm.s32 $0x0;
	[sflag:s12] =	ssyncset.done $0x0  }
.LBB2_2:
0x21: {  	p0 =	sne.s32 s16, $0x1;
	[sflag:s12] =	ssyncadd.s32 $0xFFFFC000;
	s17 =	sadd.s32 $0x80, s17  }
.Ltmp1:
0x22: {  	s16 =	sadd.s32 $0xFFFFFFFF, s16;
	(pc) =	sbr.rel @p0 .LBB2_2-.Ltmp1, $4  }
0x23: {  	_ = 	snop  }
0x24: {  	[spmem:s2] =	stream.indirect.scatter.add.f32 [tilespmem:s13], [sflag:$0x1], $0x80, s17, s14, $0xb8;
	[tilespmem:$0x1A808] =	vst v63  }
0x25: {  	_ =	swait.ge [sflag:s12], $0x4000  }
0x26: {  	[sflag:s12] =	ssyncset.done $0x0  }
.LBB2_3:
0x27: {  	s15 =	sadd.s32 $0x1, s15  }
0x28: {  	[sflag:s12] =	ssyncadd.s32 $0xFFFFC000;
	p0 =	sne.s32 s15, s9  }
.Ltmp2:
0x29: {  	[bflag:$0x0] =	sbarrier.arrive $0xFFFF;
	(pc) =	sbr.rel @p0 .LBB2_1-.Ltmp2, $4  }
0x2a: {  	[hbm:s8], [sflag:s6] =	dma.local [spmem:s11], $0x2800  }
0x2b: {  	_ =	swait.ge [sflag:s12], $0x2800  }
0x2c: {  	[sflag:s12] =	ssyncset.done $0x0  }
0x2d: {  	[sflag:s12] =	ssyncadd.s32 $0xFFFFD800  }
0x2e: {  	_ =	sfence.sel $0x180000  }
0x2f: {  	[bflag:$0x0] =	sbarrier.arrive $0xFFFF  }
0x30: {  	p0 =	sne.s32 s1, $0x0;
	_ =	strace $0x90000047  }
0x31: {  	s0 =	sadd.s32 @!p0 $0x100000, s0;
	[bflag:$0x2] =	sbarrier.arrive $0xFFFF  }
0x32: {  	[sflag:s0] =	ssyncadd.tile.s32 @!p0 $0x1;
	_ =	shalt  }
.Lfunc_end2:
_tile_overlayer_lowered:
.L_overlay_start_2:
0x33: {  	(tag) =	ssettag $0x2  }
0x34: {  	s0 =	rddreg [dreg:$0x0];
	s2 =	stileid.u32  }
0x35: {  	s1 =	rddreg [dreg:$0x1];
	p0 =	sne.s32 s2, $0x0  }
0x36: {  	s3 =	rddreg [dreg:$0x2];
	[bflag:$0x3] =	sbarrier.arrive $0xFFFF;
	s2 =	simm.s32 @!p0 $0x1C01  }
0x37: {  	[timem:s3], [sflag:s2] =	dma.local @!p0 [hbm:s0], s1  }
0x38: {  	s0 =	simm.s32 @!p0 $0x1  }
0x39: {  	_ =	swait.ge @!p0 [sflag:s0], s1  }
0x3a: {  	s1 =	ssub.s32 @!p0 $0x0, s1;
	[sflag:s0] =	ssyncset.done @!p0 $0x0  }
0x3b: {  	[sflag:s0] =	ssyncadd.s32 @!p0 s1  }
0x3c: {  	[bflag:$0x3] =	sbarrier.arrive $0xFFFF  }
0x3d: {  	_ =	shalt  }

// kernel: kernel.14.cloned.1.call-start
scs
__scs_entry_jumppad:
0x0: {  	(pc) =	sbr.rel $0x88, $3  }
0x1: {  	(tag) =	ssettag $0x0;
	lr =	simm.s32 $0x1  }
0x2: {  	[smem:$0x3F95] =	sst lr;
	_ =	strace $0xD0000000  }
0x3: {  	_ = 	snop  }
0x4: {  	_ = 	snop  }
0x5: {  	_ = 	snop  }
0x6: {  	_ = 	snop  }
0x7: {  	_ = 	snop  }
__scs_overlays_trampoline_lowered:
0x8: {  	[smem:$0x3FA4] =	sst s0  }
0x9: {  	[smem:$0x3FA5] =	sst s1  }
0xa: {  	[smem:$0x3FA6] =	sst s2  }
0xb: {  	[smem:$0x3FA7] =	sst s3  }
0xc: {  	[smem:$0x3FA8] =	sst s4  }
0xd: {  	[smem:$0x3FA9] =	sst s5  }
0xe: {  	[smem:$0x3FAA] =	sst s6  }
0xf: {  	[smem:$0x3FAB] =	sst s7  }
0x10: {  	[smem:$0x3FAC] =	sst s8  }
0x11: {  	[smem:$0x3FAD] =	sst s9;
	s0 =	simm.s32 @!p0 $0x0  }
0x12: {  	s1 =	sld [smem:$0x3F93];
	s0 =	simm.s32 @p0 $0x1  }
0x13: {  	[smem:$0x3FAE] =	sst s0;
	s0 =	simm.s32 @!p1 $0x0  }
0x14: {  	s2 =	sld [smem:$0x3F92];
	s0 =	simm.s32 @p1 $0x1  }
0x15: {  	[smem:$0x3FAF] =	sst s0;
	s0 =	simm.s32 @!p2 $0x0  }
0x16: {  	s3 =	sld [smem:$0x3FDB];
	s0 =	simm.s32 @p2 $0x1  }
0x17: {  	s4 =	simm.s32 $0x1BF5;
	[smem:$0x3FB1] =	sst s0  }
0x18: {  	s0 =	sld [smem:$0x3F94];
	_ =	swait.ge [sflag:s4], $0x0  }
0x19: {  	s7 =	sld [smem:$0x3F95]  }
0x1a: {  	s8 =	sadd.s32 $0xFFFFE003, lr  }
0x1b: {  	s9 =	sadd.s32 $0xFFFFFEF7, lr;
	s5 =	simm.s32 $0xFFFFFFFF;
	p2 =	slt.u32 s8, $0xFFFFF086  }
0x1c: {  	p1 =	slt.u32 s9, $0xF7A;
	s5 =	simm.s32 @!p2 $0x0  }
0x1d: {  	s5 =	simm.s32 @p1 $0x1;
	p0 =	seq.s32 s7, s2  }
0x1e: {  	s7 =	smul.u32 @!p0 $0xF7A, s2;
	p2 =	seq.s32 @!p0 s5, $0x0  }
0x1f: {  	s9 =	smul.u32 $0xF7A, s1;
	s8 =	simm.s32 @!p0 $0x1BF5;
	p2 =	por !p2, p0  }
0x20: {  	[sflag:s8] =	ssyncset.s32 @!p0 $0xFFFFF086;
	s6 =	sadd.s32 @!p0 s3, s7;
	s7 =	simm.s32 @!p0 $0x108  }
0x21: {  	s3 =	sadd.s32 s3, s9;
	s6 =	sadd.s32 @!p0 $0x88, s6;
	s7 =	simm.s32 @p2 $0x1082  }
0x22: {  	[simem:s7], [sflag:s8] =	dma.local @!p0 [hbm:s6], $0xF7A  }
0x23: {  	s9 =	sor.u32 $0xD0000000, s2;
	s6 =	simm.s32 $0x108;
	_ =	swait.ge @!p0 [sflag:s8], $0x0  }
0x24: {  	s3 =	sadd.s32 $0x88, s3;
	s6 =	simm.s32 @!p1 $0x1082;
	[sflag:s4] =	ssyncset.s32 $0xFFFFF086  }
0x25: {  	[simem:s6], [sflag:s4] =	dma.local [hbm:s3], $0xF7A  }
0x26: {  	[smem:$0x3F95] =	sst s1;
	(tag) =	ssettag s2;
	_ =	strace s9  }
0x27: {  	s1 =	sld [smem:$0x3FA5]  }
0x28: {  	s2 =	sld [smem:$0x3FA6]  }
0x29: {  	s4 =	sld [smem:$0x3FA8]  }
0x2a: {  	p0 =	seq.s32 s5, $0x0;
	s5 =	sld [smem:$0x3FA9]  }
0x2b: {  	s6 =	sld [smem:$0x3FAA]  }
0x2c: {  	s7 =	sld [smem:$0x3FAB]  }
0x2d: {  	s3 =	simm.s32 $0x108;
	s8 =	sld [smem:$0x3FAC]  }
0x2e: {  	s3 =	simm.s32 @!p0 $0x1082;
	s9 =	sld [smem:$0x3FAD]  }
0x2f: {  	lr =	sadd.s32 s0, s3;
	s0 =	sld [smem:$0x3FA4]  }
0x30: {  	s3 =	sld [smem:$0x3FA7]  }
0x31: {  	[smem:$0x3FB0] =	sst s10  }
0x32: {  	s10 =	sld [smem:$0x3FAE];
	_ =	sdelay $0x3  }
0x33: {  	p0 =	seq.s32 s10, $0x1;
	s10 =	sld [smem:$0x3FB0];
	_ =	sdelay $0x3  }
0x34: {  	[smem:$0x3FB0] =	sst s10  }
0x35: {  	s10 =	sld [smem:$0x3FAF];
	_ =	sdelay $0x3  }
0x36: {  	p1 =	seq.s32 s10, $0x1;
	s10 =	sld [smem:$0x3FB0];
	_ =	sdelay $0x3  }
0x37: {  	[smem:$0x3FB0] =	sst s10  }
0x38: {  	s10 =	sld [smem:$0x3FB1]  }
0x39: {  	_ = 	snop;
	(pc) =	sbr.ind lr, $3  }
0x3a: {  	_ = 	snop  }
0x3b: {  	_ = 	snop  }
0x3c: {  	p2 =	seq.s32 s10, $0x1;
	s10 =	sld [smem:$0x3FB0]  }
0x3d: {  	_ =	shalt  }
0x3e: {  	_ =	shalt  }
0x3f: {  	_ =	shalt  }
0x40: {  	_ =	shalt  }
0x41: {  	_ =	shalt  }
0x42: {  	_ =	shalt  }
0x43: {  	_ =	shalt  }
0x44: {  	_ =	shalt  }
0x45: {  	_ =	shalt  }
0x46: {  	_ =	shalt  }
0x47: {  	_ =	shalt  }
0x48: {  	_ =	shalt  }
0x49: {  	_ =	shalt  }
0x4a: {  	_ =	shalt  }
0x4b: {  	_ =	shalt  }
0x4c: {  	_ =	shalt  }
0x4d: {  	_ =	shalt  }
0x4e: {  	_ =	shalt  }
0x4f: {  	_ =	shalt  }
0x50: {  	_ =	shalt  }
0x51: {  	_ =	shalt  }
0x52: {  	_ =	shalt  }
0x53: {  	_ =	shalt  }
0x54: {  	_ =	shalt  }
0x55: {  	_ =	shalt  }
0x56: {  	_ =	shalt  }
0x57: {  	_ =	shalt  }
0x58: {  	_ =	shalt  }
0x59: {  	_ =	shalt  }
0x5a: {  	_ =	shalt  }
0x5b: {  	_ =	shalt  }
0x5c: {  	_ =	shalt  }
0x5d: {  	_ =	shalt  }
0x5e: {  	_ =	shalt  }
0x5f: {  	_ =	shalt  }
0x60: {  	_ =	shalt  }
0x61: {  	_ =	shalt  }
0x62: {  	_ =	shalt  }
0x63: {  	_ =	shalt  }
0x64: {  	_ =	shalt  }
0x65: {  	_ =	shalt  }
0x66: {  	_ =	shalt  }
0x67: {  	_ =	shalt  }
0x68: {  	_ =	shalt  }
0x69: {  	_ =	shalt  }
0x6a: {  	_ =	shalt  }
0x6b: {  	_ =	shalt  }
0x6c: {  	_ =	shalt  }
0x6d: {  	_ =	shalt  }
0x6e: {  	_ =	shalt  }
0x6f: {  	_ =	shalt  }
0x70: {  	_ =	shalt  }
0x71: {  	_ =	shalt  }
0x72: {  	_ =	shalt  }
0x73: {  	_ =	shalt  }
0x74: {  	_ =	shalt  }
0x75: {  	_ =	shalt  }
0x76: {  	_ =	shalt  }
0x77: {  	_ =	shalt  }
0x78: {  	_ =	shalt  }
0x79: {  	_ =	shalt  }
0x7a: {  	_ =	shalt  }
0x7b: {  	_ =	shalt  }
0x7c: {  	_ =	shalt  }
0x7d: {  	_ =	shalt  }
0x7e: {  	_ =	shalt  }
0x7f: {  	_ =	shalt  }
0x80: {  	_ =	shalt  }
0x81: {  	_ =	shalt  }
0x82: {  	_ =	shalt  }
0x83: {  	_ =	shalt  }
0x84: {  	_ =	shalt  }
0x85: {  	_ =	shalt  }
0x86: {  	_ =	shalt  }
0x87: {  	_ =	shalt  }
.Lfunc_end0:
.L_simem_size_0:
called_computation.2_lowered:
.L_overlay_start_0:
0x88: {  	s2 =	sld [smem:$0x3FD9]  }
0x89: {  	s3 =	sld [smem:$0x3FFE];
	_ =	sdelay $0x1  }
0x8a: {  	s1 =	srdreg.scid  }
0x8b: {  	s0 =	sand.u32 $0x1, s1  }
0x8c: {  	s17 =	sshll.u32 s0, $0xA;
	s2 =	sadd.s32 s3, s2  }
0x8d: {  	s2 =	sadd.s32 s2, s17  }
0x8e: {  	[smem:$0x3FBC] =	sst s2  }
0x8f: {  	_ = 	snop  }
0x90: {  	s2 =	sld [smem:$0x3FD0];
	(tm) =	ssettm $0x1  }
0x91: {  	s18 =	sld [smem:$0x3FFB];
	_ =	sdelay $0x3  }
0x92: {  	_ =	strace s18  }
0x93: {  	s3 =	sld [smem:$0x3FFC];
	_ =	sdelay $0x3  }
0x94: {  	_ =	strace s3  }
0x95: {  	s3 =	sld [smem:$0x3FFD];
	_ =	sdelay $0x3  }
0x96: {  	_ =	strace s3  }
0x97: {  	_ =	strace $0x8FFFFFFF  }
0x98: {  	s19 =	sld [smem:$0x3FDB];
	_ =	sdelay $0x1  }
0x99: {  	s4 =	simm.s32 $_scs_section_size  }
0x9a: {  	s5 =	simm.s32 $_size__tile_overlayer_lowered;
	s6 =	simm.s32 $_tile_overlayer_lowered  }
0x9b: {  	s22 =	simm.s32 $0x1BFF;
	s21 =	sshll.u32 s6, $0x1;
	s3 =	sadd.s32 s4, s19  }
0x9c: {  	s7 =	simm.s32 $0x0;
	s20 =	sshll.u32 s5, $0x1;
	s5 =	sadd.s32 s21, s3  }
0x9d: {  	[timem:s7], [sflag:s22] =	dma.local [hbm:s5], s20  }
0x9e: {  	_ =	swait.ge [sflag:s22], s20  }
0x9f: {  	s4 =	ssub.s32 $0x0, s20;
	[sflag:s22] =	ssyncset.done $0x0  }
0xa0: {  	[sflag:s22] =	ssyncadd.s32 s4;
	_ =	sdelay $0x1  }
0xa1: {  	s23 =	simm.s32 $0x1B8B  }
0xa2: {  	_ =	swait.ge [sflag:s23], $0x1  }
0xa3: {  	[sflag:s23] =	ssyncset.done $0x0  }
0xa4: {  	s25 =	simm.s32 $0x1B8E;
	s24 =	sld [smem:$0x3FFE];
	[sflag:s23] =	ssyncadd.s32 $0xFFFFFFFF  }
0xa5: {  	s26 =	simm.s32 $execute0_lowered;
	[smem:$0x3FD2] =	sst s25  }
0xa6: {  	s5 =	sshll.u32 s26, $0x1;
	_ =	strace $0x80000049;
	[dreg:$0x1] =	wrdreg $0xFFFFFFFF  }
0xa7: {  	s28 =	simm.s32 $_size_execute0_lowered;
	s3 =	sadd.s32 s3, s5;
	[dreg:$0x0] =	wrdreg $0x0  }
0xa8: {  	s5 =	sshll.u32 s28, $0x1;
	[dreg:$0x2] =	wrdreg s3  }
0xa9: {  	[dreg:$0x3] =	wrdreg s5  }
0xaa: {  	[dreg:$0x4] =	wrdreg $0xC0  }
0xab: {  	_ =	task [dreg:s7], $0x5FFFF  }
0xac: {  	[dreg:$0x1] =	wrdreg $0xFFFFFFFF  }
0xad: {  	[dreg:$0x0] =	wrdreg $0x60  }
0xae: {  	[dreg:$0x2] =	wrdreg s2  }
0xaf: {  	[dreg:$0x3] =	wrdreg s24  }
0xb0: {  	[dreg:$0x4] =	wrdreg $0xA8000  }
0xb1: {  	[dreg:$0x5] =	wrdreg $0x9  }
0xb2: {  	_ =	task.clear_ibuf [dreg:s7], $0x6FFFF;
	_ =	strace $0x90000049  }
0xb3: {  	s29 =	simm.s32 $0x9;
	_ =	strace $0x8000004B  }
0xb4: {  	_ =	swait.ge [sflag:s29], $0x1  }
0xb5: {  	[sflag:s29] =	ssyncadd.s32 $0xFFFFFFFF  }
0xb6: {  	_ =	strace $0x9000004B  }
0xb7: {  	_ =	sfence  }
0xb8: {  	s30 =	sld [smem:$0x0];
	_ =	sdelay $0x2  }
0xb9: {  	s31 =	sshll.u32 s1, $0xD;
	s1 =	sshrl.u32 s1, $0x2  }
0xba: {  	s3 =	sand.u32 $0x4000, s31;
	s1 =	sadd.s32 s1, s30  }
0xbb: {  	s0 =	sor.u32 s3, s0;
	s1 =	sshll.u32 s1, $0x11  }
0xbc: {  	s0 =	sor.u32 s1, s0  }
0xbd: {  	s0 =	sadd.s32 $0x8F2B, s0  }
0xbe: {  	[sflag:s0] =	ssyncadd.remote.s32 $0x1  }
0xbf: {  	_ =	sfence.sel $0xFFFF  }
0xc0: {  	[dreg:$0x0] =	wrdreg $0xFFFFFFFF;
	(pc) =	sbr.abs _section_cstart, $3  }
0xc1: {  	[dreg:$0x1] =	wrdreg $0xFFFFFFFF  }
0xc2: {  	_ =	task.clear_ibuf [dreg:s7], $0x2FFFF;
	_ =	strace $0x9FFFFFFF  }
0xc3: {  	(tm) =	ssettm $0x7FFFFFFF  }
tec
execute0_lowered:
.L_overlay_start_1:
0x0: {  	(tag) =	ssettag $0x1  }
0x1: {  	s1 =	rddreg [dreg:$0x0]  }
0x2: {  	s0 =	rddreg [dreg:$0x1]  }
0x3: {  	s3 =	rddreg [dreg:$0x2];
	s4 =	simm.s32 $0x0  }
0x4: {  	s13 =	stileid.u32;
	s2 =	srdreg.scid;
	s15 =	simm.s32 $0x3  }
0x5: {  	s16 =	simm.s32 $0x1400;
	s17 =	simm.s32 $0x80;
	s18 =	simm.s32 $0x2800  }
0x6: {  	s19 =	simm.s32 $0x1;
	s20 =	simm.s32 $0x6800;
	s21 =	simm.s32 $0x4  }
0x7: {  	s22 =	simm.s32 $0x2;
	[smem:$0x7FF] =	sst s4;
	s5 =	smul.u32 $0x14000, s13  }
0x8: {  	s2 =	sand.u32 $0x1, s2;
	s9 =	sadd.s32 $0x86800, s0;
	s23 =	smul.u32 $0x50000, s13  }
0x9: {  	s10 =	sadd.s32 $0x4000, s0;
	s12 =	smul.u32 $0x2800, s13;
	s26 =	sshll.u32 s13, $0x6  }
0xa: {  	_ =	strace $0x8000004A;
	s6 =	smul.u32 $0x140000, s2;
	s8 =	ssub.s32 $0x2, s2  }
0xb: {  	s2 =	smul.u32 $0x28000, s2;
	s7 =	sshrl.u32 s5, $0x3;
	s11 =	sshrl.u32 s8, $0x1  }
0xc: {  	s29 =	sshrl.u32 s12, $0x3;
	s7 =	sadd.s32 s7, s0;
	s5 =	sadd.s32 s5, s6  }
0xd: {  	s6 =	sshrl.u32 s23, $0x2;
	s24 =	ssub.s32 s8, s11;
	s28 =	sadd.s32 s12, s2  }
0xe: {  	s11 =	smul.u32 $0xFFFFFFB0, s13;
	s12 =	sadd.s32 $0x1400, s12;
	s30 =	sadd.s32 s10, s29  }
0xf: {  	s5 =	sshrl.u32 s5, $0x3;
	s14 =	sadd.s32 s6, s3;
	s25 =	sadd.s32 $0xE800, s7  }
0x10: {  	s6 =	sor.u32 $0x1C03, s26;
	s7 =	sshrl.u32 s28, $0x3;
	[dreg:$0x6] =	wrdreg s30  }
0x11: {  	s2 =	sadd.s32 s2, s12;
	s12 =	sshrl.u32 s12, $0x3;
	s13 =	smax.u32 s24, $0x1  }
0x12: {  	s26 =	simm.s32 $0x0;
	s0 =	sadd.s32 s5, s0;
	[dreg:$0x4] =	wrdreg s25  }
0x13: {  	s7 =	sadd.s32 s9, s7;
	p0 =	slt.s32 s11, $0xFFFFFB6E;
	s2 =	sshrl.u32 s2, $0x3  }
0x14: {  	s31 =	sadd.s32 s10, s12;
	s14 =	sshrl.u32 s14, $0x3;
	[dreg:$0x5] =	wrdreg s7  }
0x15: {  	s11 =	simm.s32 @!p0 $0xFFFFFB6E;
	s2 =	sadd.s32 s9, s2;
	[dreg:$0x8] =	wrdreg s31  }
0x16: {  	s12 =	sadd.s32 $0x90800, s0;
	[dreg:$0x7] =	wrdreg s2;
	s11 =	sadd.s32 $0x4BA, s11  }
.LBB2_1:
0x17: {  	s0 =	rddreg [dreg:$0x4]  }
0x18: {  	[spmem:s14], [sflag:s6] =	dma.local [hbm:s0], $0x2800  }
0x19: {  	_ =	swait.ge [sflag:s15], $0x2800  }
0x1a: {  	[sflag:s15] =	ssyncset.done $0x0  }
0x1b: {  	[sflag:s15] =	ssyncadd.s32 $0xFFFFD800  }
0x1c: {  	[bflag:$0x0] =	sbarrier.arrive $0xFFFF  }
0x1d: {  	s24 =	rddreg [dreg:$0x5]  }
0x1e: {  	[tilespmem:s4], [sflag:$0x3] =	stream.linear.gather [hbm4b:s24+s4], $0x1400, $0x38;
	[tilespmem:$0x1E808] =	vst v63  }
0x1f: {  	_ =	swait.ge [sflag:s15], $0x1400  }
0x20: {  	[sflag:s15] =	ssyncset.done $0x0  }
0x21: {  	s25 =	rddreg [dreg:$0x6];
	[sflag:s15] =	ssyncadd.s32 $0xFFFFEC00  }
0x22: {  	[tilespmem:s16], [sflag:$0x3] =	stream.linear.gather [hbm4b:s25+s4], $0x1400, $0x38;
	[tilespmem:$0x1E808] =	vst v63  }
0x23: {  	_ =	swait.ge [sflag:s15], $0x1400  }
0x24: {  	[sflag:s15] =	ssyncset.done $0x0  }
0x25: {  	[sflag:s15] =	ssyncadd.s32 $0xFFFFEC00  }
0x26: {  	[tilespmem:s18], [sflag:$0x1] =	stream.indirect.gather [hbm4b:s1+s17], $0x80, s4, s17, $0xb8;
	[tilespmem:$0x1E808] =	vst v63  }
0x27: {  	_ =	swait.ge [sflag:s19], $0x4000  }
0x28: {  	[sflag:s19] =	ssyncset.done $0x0  }
0x29: {  	s28 =	simm.s32 $0x80;
	[sflag:s19] =	ssyncadd.s32 $0xFFFFC000  }
0x2a: {  	[tilespmem:s20], [sflag:$0x2] =	stream.indirect.gather [hbm4b:s1+s17], $0x80, s28, s17, $0xb8;
	[tilespmem:$0x1E808] =	vst v63  }
0x2b: {  	s29 =	simm.s32 $0x1400  }
0x2c: {  	[spmem:s3] =	stream.indirect.scatter.add.f32 [tilespmem:s18], [sflag:$0x4], $0x80, s29, s17, $0xb8;
	[tilespmem:$0x1E808] =	vst v63  }
0x2d: {  	_ =	swait.ge [sflag:s21], $0x4000  }
0x2e: {  	[sflag:s21] =	ssyncset.done $0x0  }
0x2f: {  	[sflag:s21] =	ssyncadd.s32 $0xFFFFC000  }
0x30: {  	_ =	swait.ge [sflag:s22], $0x4000  }
0x31: {  	[sflag:s22] =	ssyncset.done $0x0  }
0x32: {  	s30 =	simm.s32 $0x100;
	[sflag:s22] =	ssyncadd.s32 $0xFFFFC000  }
0x33: {  	[tilespmem:s18], [sflag:$0x1] =	stream.indirect.gather [hbm4b:s1+s17], $0x80, s30, s17, $0xb8;
	[tilespmem:$0x1E808] =	vst v63  }
0x34: {  	s31 =	simm.s32 $0x1480  }
0x35: {  	[spmem:s3] =	stream.indirect.scatter.add.f32 [tilespmem:s20], [sflag:$0x3], $0x80, s31, s17, $0xb8;
	[tilespmem:$0x1E808] =	vst v63  }
0x36: {  	_ =	swait.ge [sflag:s15], $0x4000  }
0x37: {  	s0 =	simm.s32 $0x400;
	[sflag:s15] =	ssyncset.done $0x0  }
.LBB2_2:
0x38: {  	p0 =	sne.s32 s0, $0x4800  }
0x39: {  	[sflag:s15] =	ssyncadd.s32 $0xFFFFC000;
	s2 =	smov.u32 s0;
	s0 =	sadd.s32 $0x400, s0  }
0x3a: {  	_ = 	snop  }
0x3b: {  	_ =	swait.ge [sflag:s19], $0x4000  }
0x3c: {  	s2 =	sshra.s32 s2, $0x2;
	[sflag:s19] =	ssyncset.done $0x0  }
0x3d: {  	s5 =	sadd.s32 $0x80, s2;
	[sflag:s19] =	ssyncadd.s32 $0xFFFFC000  }
0x3e: {  	[tilespmem:s20], [sflag:$0x2] =	stream.indirect.gather [hbm4b:s1+s17], $0x80, s5, s17, $0xb8;
	[tilespmem:$0x1E808] =	vst v63  }
0x3f: {  	s5 =	sadd.s32 $0x1400, s2  }
0x40: {  	[spmem:s3] =	stream.indirect.scatter.add.f32 [tilespmem:s18], [sflag:$0x4], $0x80, s5, s17, $0xb8;
	[tilespmem:$0x1E808] =	vst v63  }
0x41: {  	_ =	swait.ge [sflag:s21], $0x4000  }
0x42: {  	[sflag:s21] =	ssyncset.done $0x0  }
0x43: {  	[sflag:s21] =	ssyncadd.s32 $0xFFFFC000  }
0x44: {  	_ =	swait.ge [sflag:s22], $0x4000  }
0x45: {  	[sflag:s22] =	ssyncset.done $0x0  }
0x46: {  	s5 =	sadd.s32 $0x100, s2;
	[sflag:s22] =	ssyncadd.s32 $0xFFFFC000  }
0x47: {  	[tilespmem:s18], [sflag:$0x1] =	stream.indirect.gather [hbm4b:s1+s17], $0x80, s5, s17, $0xb8;
	[tilespmem:$0x1E808] =	vst v63  }
.Ltmp0:
0x48: {  	_ = 	snop;
	(pc) =	sbr.rel @p0 .LBB2_2-.Ltmp0, $4  }
0x49: {  	s2 =	sadd.s32 $0x1480, s2  }
0x4a: {  	[spmem:s3] =	stream.indirect.scatter.add.f32 [tilespmem:s20], [sflag:$0x3], $0x80, s2, s17, $0xb8;
	[tilespmem:$0x1E808] =	vst v63  }
0x4b: {  	_ =	swait.ge [sflag:s15], $0x4000  }
0x4c: {  	[sflag:s15] =	ssyncset.done $0x0  }
0x4d: {  	[sflag:s15] =	ssyncadd.s32 $0xFFFFC000  }
0x4e: {  	_ =	swait.ge [sflag:s19], $0x4000  }
0x4f: {  	[sflag:s19] =	ssyncset.done $0x0  }
0x50: {  	s0 =	simm.s32 $0x1380;
	[sflag:s19] =	ssyncadd.s32 $0xFFFFC000  }
0x51: {  	[tilespmem:s20], [sflag:$0x2] =	stream.indirect.gather [hbm4b:s1+s17], $0x80, s0, s17, $0xb8;
	[tilespmem:$0x1E808] =	vst v63  }
0x52: {  	s9 =	simm.s32 $0x2700  }
0x53: {  	[spmem:s3] =	stream.indirect.scatter.add.f32 [tilespmem:s18], [sflag:$0x4], $0x80, s9, s17, $0xb8;
	[tilespmem:$0x1E808] =	vst v63  }
0x54: {  	_ =	swait.ge [sflag:s21], $0x4000  }
0x55: {  	[sflag:s21] =	ssyncset.done $0x0  }
0x56: {  	s10 =	simm.s32 $0x2;
	[sflag:s21] =	ssyncadd.s32 $0xFFFFC000  }
0x57: {  	_ =	swait.ge [sflag:s10], $0x4000  }
0x58: {  	[sflag:s10] =	ssyncset.done $0x0  }
0x59: {  	s23 =	simm.s32 $0x2780;
	[sflag:s10] =	ssyncadd.s32 $0xFFFFC000  }
0x5a: {  	[spmem:s3] =	stream.indirect.scatter.add.f32 [tilespmem:s20], [sflag:$0x3], $0x80, s23, s17, $0xb8;
	[tilespmem:$0x1E808] =	vst v63  }
0x5b: {  	_ =	swait.ge [sflag:s15], $0x4000  }
0x5c: {  	[sflag:s15] =	ssyncset.done $0x0  }
0x5d: {  	s24 =	simm.s32 $0x0;
	s2 =	rddreg [dreg:$0x7];
	[sflag:s15] =	ssyncadd.s32 $0xFFFFC000  }
0x5e: {  	[tilespmem:s24], [sflag:$0x3] =	stream.linear.gather [hbm4b:s2+s24], $0x1400, $0x38;
	[tilespmem:$0x1E808] =	vst v63  }
0x5f: {  	_ =	swait.ge [sflag:s15], $0x1400  }
0x60: {  	[sflag:s15] =	ssyncset.done $0x0  }
0x61: {  	p2 =	sle.u32 s11, $0x0;
	s25 =	rddreg [dreg:$0x8];
	[sflag:s15] =	ssyncadd.s32 $0xFFFFEC00  }
0x62: {  	[tilespmem:s16], [sflag:$0x3] =	stream.linear.gather [hbm4b:s25+s24], $0x1400, $0x38;
	[tilespmem:$0x1E808] =	vst v63  }
0x63: {  	s28 =	simm.s32 $0x400;
	s30 =	simm.s32 $0x800;
	_ =	swait.ge [sflag:s15], $0x1400  }
0x64: {  	s29 =	simm.s32 $0x4;
	p1 =	sle.u32 @!p2 s11, $0x1;
	[sflag:s15] =	ssyncset.done $0x0  }
0x65: {  	p3 =	por p1, p2;
	s0 =	simm.s32 @!p2 $0x1;
	[sflag:s15] =	ssyncadd.s32 $0xFFFFEC00  }
0x66: {  	[tilespmem:s18], [sflag:$0x1] =	stream.indirect.gather [hbm4b:s1+s17], $0x80, s24, s17, $0xb8;
	[tilespmem:$0x1E808] =	vst v63  }
0x67: {  	p0 =	por !p1, p2;
	s5 =	simm.s32 @!p3 $0x80;
	_ =	swait.ge @!p2 [sflag:s0], $0x4000  }
0x68: {  	p4 =	sle.u32 @!p3 s11, $0x2;
	s23 =	simm.s32 @!p0 $0x2800;
	[sflag:s0] =	ssyncset.done @!p2 $0x0  }
0x69: {  	s2 =	simm.s32 @!p0 $0x1400;
	[sflag:s0] =	ssyncadd.s32 @!p2 $0xFFFFC000;
	s0 =	simm.s32 @!p0 $0x80  }
0x6a: {  	[spmem:s3] =	stream.indirect.scatter.add.f32 @!p0 [tilespmem:s23], [sflag:$0x4], $0x80, s2, s0, $0xb8;
	[tilespmem:$0x1E808] =	vst v63  }
0x6b: {  	s31 =	simm.s32 @!p0 $0x4;
	s2 =	simm.s32 @!p3 $0x80;
	s23 =	simm.s32 @!p3 $0x6800  }
0x6c: {  	[tilespmem:s23], [sflag:$0x2] =	stream.indirect.gather @!p3 [hbm4b:s1+s2], $0x80, s5, s2, $0xb8;
	[tilespmem:$0x1E808] =	vst v63  }
0x6d: {  	s25 =	simm.s32 @!p3 $0x4;
	s24 =	simm.s32 @!p3 $0x1400;
	s5 =	simm.s32 @!p3 $0x2800  }
0x6e: {  	[spmem:s3] =	stream.indirect.scatter.add.f32 @!p3 [tilespmem:s5], [sflag:$0x4], $0x80, s24, s2, $0xb8;
	[tilespmem:$0x1E808] =	vst v63  }
0x6f: {  	p5 =	por p3, p3;
	p1 =	por @!p2 p4, p1;
	_ =	swait.ge @!p3 [sflag:s25], $0x4000  }
0x70: {  	p1 =	por p1, p2;
	p2 =	por p2, p2;
	[sflag:s25] =	ssyncset.done @!p3 $0x0  }
0x71: {  	s0 =	simm.s32 @!p3 $0x1480;
	[sflag:s25] =	ssyncadd.s32 @!p5 $0xFFFFC000;
	s25 =	simm.s32 @!p5 $0x2  }
0x72: {  	s24 =	simm.s32 @!p1 $0x100;
	s5 =	simm.s32 $0x2;
	_ =	swait.ge @!p5 [sflag:s25], $0x4000  }
.LBB2_4:
0x73: {  	s7 =	sadd.s32 $0xFFFFFFFF, s29;
	p3 =	sge.u32 s5, s11  }
0x74: {  	s5 =	smov.u32 s30;
	s30 =	sadd.s32 $0x400, s30;
	s8 =	simm.s32 @!p1 $0x80  }
0x75: {  	s9 =	simm.s32 @!p1 $0x2800;
	[sflag:s25] =	ssyncset.done @!p5 $0x0;
	p6 =	sge.u32 @!p3 s7, s11  }
0x76: {  	s10 =	simm.s32 @!p3 $0x1;
	[sflag:s25] =	ssyncadd.s32 @!p5 $0xFFFFC000;
	p4 =	por p6, p3  }
0x77: {  	[tilespmem:s9], [sflag:$0x1] =	stream.indirect.gather @!p1 [hbm4b:s1+s8], $0x80, s24, s8, $0xb8;
	[tilespmem:$0x1E808] =	vst v63  }
0x78: {  	s31 =	simm.s32 @p0 $0x3;
	p0 =	por !p6, p3;
	p1 =	sge.u32 @!p4 s29, s11  }
0x79: {  	[spmem:s3] =	stream.indirect.scatter.add.f32 @!p5 [tilespmem:s23], [sflag:$0x3], $0x80, s0, s2, $0xb8;
	[tilespmem:$0x1E808] =	vst v63  }
0x7a: {  	s0 =	sshra.s32 @!p0 s28, $0x2;
	s2 =	sshra.s32 @!p4 s28, $0x2;
	_ =	swait.ge @!p2 [sflag:s31], $0x4000  }
0x7b: {  	s7 =	sadd.s32 @!p0 $0x1400, s0;
	s8 =	sadd.s32 @!p4 $0x80, s2;
	[sflag:s31] =	ssyncset.done @!p2 $0x0  }
0x7c: {  	p1 =	por @!p3 p1, p6;
	s9 =	sadd.s32 @!p4 $0x1400, s2;
	[sflag:s31] =	ssyncadd.s32 @!p2 $0xFFFFC000  }
0x7d: {  	p6 =	sne.s32 s30, $0x5000;
	s0 =	sadd.s32 @!p4 $0x1480, s2;
	_ =	swait.ge @!p3 [sflag:s10], $0x4000  }
0x7e: {  	p1 =	por p1, p3;
	s31 =	simm.s32 @!p0 $0x4;
	[sflag:s10] =	ssyncset.done @!p3 $0x0  }
0x7f: {  	s2 =	simm.s32 @!p0 $0x80;
	[sflag:s10] =	ssyncadd.s32 @!p3 $0xFFFFC000;
	s10 =	simm.s32 @!p0 $0x2800  }
0x80: {  	[spmem:s3] =	stream.indirect.scatter.add.f32 @!p0 [tilespmem:s10], [sflag:$0x4], $0x80, s7, s2, $0xb8;
	[tilespmem:$0x1E808] =	vst v63  }
0x81: {  	s23 =	simm.s32 @!p4 $0x6800;
	s2 =	simm.s32 @!p4 $0x80;
	s7 =	sshra.s32 @!p1 s28, $0x2  }
0x82: {  	[tilespmem:s23], [sflag:$0x2] =	stream.indirect.gather @!p4 [hbm4b:s1+s2], $0x80, s8, s2, $0xb8;
	[tilespmem:$0x1E808] =	vst v63  }
0x83: {  	s10 =	simm.s32 @!p4 $0x4;
	s24 =	sadd.s32 @!p1 $0x100, s7;
	s8 =	simm.s32 @!p4 $0x2800  }
0x84: {  	[spmem:s3] =	stream.indirect.scatter.add.f32 @!p4 [tilespmem:s8], [sflag:$0x4], $0x80, s9, s2, $0xb8;
	[tilespmem:$0x1E808] =	vst v63  }
.Ltmp1:
0x85: {  	_ = 	snop;
	(pc) =	sbr.rel @p6 .LBB2_4-.Ltmp1, $4  }
0x86: {  	s28 =	smov.u32 s5;
	_ =	swait.ge @!p4 [sflag:s10], $0x4000  }
0x87: {  	p5 =	por p4, p4;
	p2 =	por p3, p3;
	[sflag:s10] =	ssyncset.done @!p4 $0x0  }
0x88: {  	s29 =	sadd.s32 $0x2, s29;
	s25 =	simm.s32 @!p5 $0x2;
	[sflag:s10] =	ssyncadd.s32 @!p5 $0xFFFFC000  }
0x89: {  	s5 =	sadd.s32 $0xFFFFFFFE, s29;
	_ =	swait.ge @!p5 [sflag:s25], $0x4000  }
0x8a: {  	[sflag:s25] =	ssyncset.done @!p5 $0x0  }
0x8b: {  	s7 =	simm.s32 @!p1 $0x80;
	s8 =	simm.s32 @!p1 $0x2800;
	[sflag:s25] =	ssyncadd.s32 @!p5 $0xFFFFC000  }
0x8c: {  	[tilespmem:s8], [sflag:$0x1] =	stream.indirect.gather @!p1 [hbm4b:s1+s7], $0x80, s24, s7, $0xb8;
	[tilespmem:$0x1E808] =	vst v63  }
0x8d: {  	s31 =	simm.s32 @p0 $0x3  }
0x8e: {  	[spmem:s3] =	stream.indirect.scatter.add.f32 @!p5 [tilespmem:s23], [sflag:$0x3], $0x80, s0, s2, $0xb8;
	[tilespmem:$0x1E808] =	vst v63  }
0x8f: {  	p0 =	sge.u32 s5, s11;
	s0 =	sadd.s32 $0xFFFFFFFF, s29;
	_ =	swait.ge @!p2 [sflag:s31], $0x4000  }
0x90: {  	p3 =	sge.u32 @!p0 s0, s11;
	[sflag:s31] =	ssyncset.done @!p2 $0x0  }
0x91: {  	s0 =	simm.s32 @!p0 $0x1;
	p1 =	por !p3, p0;
	[sflag:s31] =	ssyncadd.s32 @!p2 $0xFFFFC000  }
0x92: {  	p2 =	por p3, p0;
	s2 =	sshra.s32 @!p1 s28, $0x2;
	_ =	swait.ge @!p0 [sflag:s0], $0x4000  }
0x93: {  	s7 =	simm.s32 @!p1 $0x2800;
	s5 =	sshra.s32 @!p2 s28, $0x2;
	[sflag:s0] =	ssyncset.done @!p0 $0x0  }
0x94: {  	s2 =	sadd.s32 @!p1 $0x1400, s2;
	[sflag:s0] =	ssyncadd.s32 @!p0 $0xFFFFC000;
	s0 =	simm.s32 @!p1 $0x80  }
0x95: {  	[spmem:s3] =	stream.indirect.scatter.add.f32 @!p1 [tilespmem:s7], [sflag:$0x4], $0x80, s2, s0, $0xb8;
	[tilespmem:$0x1E808] =	vst v63  }
0x96: {  	s0 =	sadd.s32 @!p2 $0x80, s5;
	s2 =	simm.s32 @!p2 $0x80;
	s7 =	simm.s32 @!p2 $0x6800  }
0x97: {  	[tilespmem:s7], [sflag:$0x2] =	stream.indirect.gather @!p2 [hbm4b:s1+s2], $0x80, s0, s2, $0xb8;
	[tilespmem:$0x1E808] =	vst v63  }
0x98: {  	s8 =	simm.s32 @!p2 $0x2800;
	s9 =	simm.s32 @!p2 $0x4;
	s0 =	sadd.s32 @!p2 $0x1400, s5  }
0x99: {  	[spmem:s3] =	stream.indirect.scatter.add.f32 @!p2 [tilespmem:s8], [sflag:$0x4], $0x80, s0, s2, $0xb8;
	[tilespmem:$0x1E808] =	vst v63  }
0x9a: {  	p4 =	sge.u32 @!p2 s29, s11;
	_ =	swait.ge @!p2 [sflag:s9], $0x4000  }
0x9b: {  	p4 =	por @!p0 p4, p3;
	p3 =	por p2, p2;
	[sflag:s9] =	ssyncset.done @!p2 $0x0  }
0x9c: {  	p4 =	por p4, p0;
	s0 =	simm.s32 @!p3 $0x2;
	[sflag:s9] =	ssyncadd.s32 @!p3 $0xFFFFC000  }
0x9d: {  	s10 =	simm.s32 @!p4 $0x80;
	_ =	swait.ge @!p3 [sflag:s0], $0x4000  }
0x9e: {  	s23 =	simm.s32 @!p4 $0x2800;
	s8 =	sshra.s32 @!p4 s28, $0x2;
	[sflag:s0] =	ssyncset.done @!p3 $0x0  }
0x9f: {  	s8 =	sadd.s32 @!p4 $0x100, s8;
	s9 =	simm.s32 @!p1 $0x4;
	[sflag:s0] =	ssyncadd.s32 @!p3 $0xFFFFC000  }
0xa0: {  	[tilespmem:s23], [sflag:$0x1] =	stream.indirect.gather @!p4 [hbm4b:s1+s10], $0x80, s8, s10, $0xb8;
	[tilespmem:$0x1E808] =	vst v63  }
0xa1: {  	p0 =	por p0, p0;
	s9 =	simm.s32 @p1 $0x3;
	s0 =	sadd.s32 @!p2 $0x1480, s5  }
0xa2: {  	[spmem:s3] =	stream.indirect.scatter.add.f32 @!p3 [tilespmem:s7], [sflag:$0x3], $0x80, s0, s2, $0xb8;
	[tilespmem:$0x1E808] =	vst v63  }
0xa3: {  	_ =	swait.ge @!p0 [sflag:s9], $0x4000  }
0xa4: {  	s26 =	sadd.s32 $0x1, s26;
	[sflag:s9] =	ssyncset.done @!p0 $0x0  }
0xa5: {  	[sflag:s9] =	ssyncadd.s32 @!p0 $0xFFFFC000;
	p0 =	sne.s32 s26, s13  }
.Ltmp2:
0xa6: {  	[bflag:$0x0] =	sbarrier.arrive $0xFFFF;
	(pc) =	sbr.rel @p0 .LBB2_1-.Ltmp2, $4  }
0xa7: {  	[hbm:s12], [sflag:s6] =	dma.local [spmem:s14], $0x2800  }
0xa8: {  	_ =	swait.ge [sflag:s15], $0x2800  }
0xa9: {  	[sflag:s15] =	ssyncset.done $0x0  }
0xaa: {  	[sflag:s15] =	ssyncadd.s32 $0xFFFFD800  }
0xab: {  	_ =	sfence.sel $0x180000  }
0xac: {  	[bflag:$0x0] =	sbarrier.arrive $0xFFFF  }
0xad: {  	_ =	strace $0x9000004A  }
0xae: {  	s0 =	stileid.u32;
	[bflag:$0x2] =	sbarrier.arrive $0xFFFF  }
0xaf: {  	p0 =	sne.s32 s0, $0x0;
	s0 =	rddreg [dreg:$0x3]  }
0xb0: {  	s0 =	sadd.s32 @!p0 $0x100000, s0  }
0xb1: {  	[sflag:s0] =	ssyncadd.tile.s32 @!p0 $0x1;
	_ =	shalt  }
.Lfunc_end2:
_tile_overlayer_lowered:
.L_overlay_start_2:
0xb2: {  	(tag) =	ssettag $0x2  }
0xb3: {  	s0 =	rddreg [dreg:$0x0];
	s2 =	stileid.u32  }
0xb4: {  	s1 =	rddreg [dreg:$0x1];
	p0 =	sne.s32 s2, $0x0  }
0xb5: {  	s3 =	rddreg [dreg:$0x2];
	[bflag:$0x3] =	sbarrier.arrive $0xFFFF;
	s2 =	simm.s32 @!p0 $0x1C03  }
0xb6: {  	[timem:s3], [sflag:s2] =	dma.local @!p0 [hbm:s0], s1  }
0xb7: {  	s0 =	simm.s32 @!p0 $0x3  }
0xb8: {  	_ =	swait.ge @!p0 [sflag:s0], s1  }
0xb9: {  	s1 =	ssub.s32 @!p0 $0x0, s1;
	[sflag:s0] =	ssyncset.done @!p0 $0x0  }
0xba: {  	[sflag:s0] =	ssyncadd.s32 @!p0 s1  }
0xbb: {  	[bflag:$0x3] =	sbarrier.arrive $0xFFFF  }
0xbc: {  	_ =	shalt  }

// kernel: kernel.17.cloned.1.call-start
scs
__scs_entry_jumppad:
0x0: {  	(pc) =	sbr.rel $0x88, $3  }
0x1: {  	(tag) =	ssettag $0x0;
	lr =	simm.s32 $0x1  }
0x2: {  	[smem:$0x3F95] =	sst lr;
	_ =	strace $0xD0000000  }
0x3: {  	_ = 	snop  }
0x4: {  	_ = 	snop  }
0x5: {  	_ = 	snop  }
0x6: {  	_ = 	snop  }
0x7: {  	_ = 	snop  }
__scs_overlays_trampoline_lowered:
0x8: {  	[smem:$0x3FA4] =	sst s0  }
0x9: {  	[smem:$0x3FA5] =	sst s1  }
0xa: {  	[smem:$0x3FA6] =	sst s2  }
0xb: {  	[smem:$0x3FA7] =	sst s3  }
0xc: {  	[smem:$0x3FA8] =	sst s4  }
0xd: {  	[smem:$0x3FA9] =	sst s5  }
0xe: {  	[smem:$0x3FAA] =	sst s6  }
0xf: {  	[smem:$0x3FAB] =	sst s7  }
0x10: {  	[smem:$0x3FAC] =	sst s8  }
0x11: {  	[smem:$0x3FAD] =	sst s9;
	s0 =	simm.s32 @!p0 $0x0  }
0x12: {  	s1 =	sld [smem:$0x3F93];
	s0 =	simm.s32 @p0 $0x1  }
0x13: {  	[smem:$0x3FAE] =	sst s0;
	s0 =	simm.s32 @!p1 $0x0  }
0x14: {  	s2 =	sld [smem:$0x3F92];
	s0 =	simm.s32 @p1 $0x1  }
0x15: {  	[smem:$0x3FAF] =	sst s0;
	s0 =	simm.s32 @!p2 $0x0  }
0x16: {  	s3 =	sld [smem:$0x3FDB];
	s0 =	simm.s32 @p2 $0x1  }
0x17: {  	s4 =	simm.s32 $0x1BF5;
	[smem:$0x3FB1] =	sst s0  }
0x18: {  	s0 =	sld [smem:$0x3F94];
	_ =	swait.ge [sflag:s4], $0x0  }
0x19: {  	s7 =	sld [smem:$0x3F95]  }
0x1a: {  	s8 =	sadd.s32 $0xFFFFE003, lr  }
0x1b: {  	s9 =	sadd.s32 $0xFFFFFEF7, lr;
	s5 =	simm.s32 $0xFFFFFFFF;
	p2 =	slt.u32 s8, $0xFFFFF086  }
0x1c: {  	p1 =	slt.u32 s9, $0xF7A;
	s5 =	simm.s32 @!p2 $0x0  }
0x1d: {  	s5 =	simm.s32 @p1 $0x1;
	p0 =	seq.s32 s7, s2  }
0x1e: {  	s7 =	smul.u32 @!p0 $0xF7A, s2;
	p2 =	seq.s32 @!p0 s5, $0x0  }
0x1f: {  	s9 =	smul.u32 $0xF7A, s1;
	s8 =	simm.s32 @!p0 $0x1BF5;
	p2 =	por !p2, p0  }
0x20: {  	[sflag:s8] =	ssyncset.s32 @!p0 $0xFFFFF086;
	s6 =	sadd.s32 @!p0 s3, s7;
	s7 =	simm.s32 @!p0 $0x108  }
0x21: {  	s3 =	sadd.s32 s3, s9;
	s6 =	sadd.s32 @!p0 $0x88, s6;
	s7 =	simm.s32 @p2 $0x1082  }
0x22: {  	[simem:s7], [sflag:s8] =	dma.local @!p0 [hbm:s6], $0xF7A  }
0x23: {  	s9 =	sor.u32 $0xD0000000, s2;
	s6 =	simm.s32 $0x108;
	_ =	swait.ge @!p0 [sflag:s8], $0x0  }
0x24: {  	s3 =	sadd.s32 $0x88, s3;
	s6 =	simm.s32 @!p1 $0x1082;
	[sflag:s4] =	ssyncset.s32 $0xFFFFF086  }
0x25: {  	[simem:s6], [sflag:s4] =	dma.local [hbm:s3], $0xF7A  }
0x26: {  	[smem:$0x3F95] =	sst s1;
	(tag) =	ssettag s2;
	_ =	strace s9  }
0x27: {  	s1 =	sld [smem:$0x3FA5]  }
0x28: {  	s2 =	sld [smem:$0x3FA6]  }
0x29: {  	s4 =	sld [smem:$0x3FA8]  }
0x2a: {  	p0 =	seq.s32 s5, $0x0;
	s5 =	sld [smem:$0x3FA9]  }
0x2b: {  	s6 =	sld [smem:$0x3FAA]  }
0x2c: {  	s7 =	sld [smem:$0x3FAB]  }
0x2d: {  	s3 =	simm.s32 $0x108;
	s8 =	sld [smem:$0x3FAC]  }
0x2e: {  	s3 =	simm.s32 @!p0 $0x1082;
	s9 =	sld [smem:$0x3FAD]  }
0x2f: {  	lr =	sadd.s32 s0, s3;
	s0 =	sld [smem:$0x3FA4]  }
0x30: {  	s3 =	sld [smem:$0x3FA7]  }
0x31: {  	[smem:$0x3FB0] =	sst s10  }
0x32: {  	s10 =	sld [smem:$0x3FAE];
	_ =	sdelay $0x3  }
0x33: {  	p0 =	seq.s32 s10, $0x1;
	s10 =	sld [smem:$0x3FB0];
	_ =	sdelay $0x3  }
0x34: {  	[smem:$0x3FB0] =	sst s10  }
0x35: {  	s10 =	sld [smem:$0x3FAF];
	_ =	sdelay $0x3  }
0x36: {  	p1 =	seq.s32 s10, $0x1;
	s10 =	sld [smem:$0x3FB0];
	_ =	sdelay $0x3  }
0x37: {  	[smem:$0x3FB0] =	sst s10  }
0x38: {  	s10 =	sld [smem:$0x3FB1]  }
0x39: {  	_ = 	snop;
	(pc) =	sbr.ind lr, $3  }
0x3a: {  	_ = 	snop  }
0x3b: {  	_ = 	snop  }
0x3c: {  	p2 =	seq.s32 s10, $0x1;
	s10 =	sld [smem:$0x3FB0]  }
0x3d: {  	_ =	shalt  }
0x3e: {  	_ =	shalt  }
0x3f: {  	_ =	shalt  }
0x40: {  	_ =	shalt  }
0x41: {  	_ =	shalt  }
0x42: {  	_ =	shalt  }
0x43: {  	_ =	shalt  }
0x44: {  	_ =	shalt  }
0x45: {  	_ =	shalt  }
0x46: {  	_ =	shalt  }
0x47: {  	_ =	shalt  }
0x48: {  	_ =	shalt  }
0x49: {  	_ =	shalt  }
0x4a: {  	_ =	shalt  }
0x4b: {  	_ =	shalt  }
0x4c: {  	_ =	shalt  }
0x4d: {  	_ =	shalt  }
0x4e: {  	_ =	shalt  }
0x4f: {  	_ =	shalt  }
0x50: {  	_ =	shalt  }
0x51: {  	_ =	shalt  }
0x52: {  	_ =	shalt  }
0x53: {  	_ =	shalt  }
0x54: {  	_ =	shalt  }
0x55: {  	_ =	shalt  }
0x56: {  	_ =	shalt  }
0x57: {  	_ =	shalt  }
0x58: {  	_ =	shalt  }
0x59: {  	_ =	shalt  }
0x5a: {  	_ =	shalt  }
0x5b: {  	_ =	shalt  }
0x5c: {  	_ =	shalt  }
0x5d: {  	_ =	shalt  }
0x5e: {  	_ =	shalt  }
0x5f: {  	_ =	shalt  }
0x60: {  	_ =	shalt  }
0x61: {  	_ =	shalt  }
0x62: {  	_ =	shalt  }
0x63: {  	_ =	shalt  }
0x64: {  	_ =	shalt  }
0x65: {  	_ =	shalt  }
0x66: {  	_ =	shalt  }
0x67: {  	_ =	shalt  }
0x68: {  	_ =	shalt  }
0x69: {  	_ =	shalt  }
0x6a: {  	_ =	shalt  }
0x6b: {  	_ =	shalt  }
0x6c: {  	_ =	shalt  }
0x6d: {  	_ =	shalt  }
0x6e: {  	_ =	shalt  }
0x6f: {  	_ =	shalt  }
0x70: {  	_ =	shalt  }
0x71: {  	_ =	shalt  }
0x72: {  	_ =	shalt  }
0x73: {  	_ =	shalt  }
0x74: {  	_ =	shalt  }
0x75: {  	_ =	shalt  }
0x76: {  	_ =	shalt  }
0x77: {  	_ =	shalt  }
0x78: {  	_ =	shalt  }
0x79: {  	_ =	shalt  }
0x7a: {  	_ =	shalt  }
0x7b: {  	_ =	shalt  }
0x7c: {  	_ =	shalt  }
0x7d: {  	_ =	shalt  }
0x7e: {  	_ =	shalt  }
0x7f: {  	_ =	shalt  }
0x80: {  	_ =	shalt  }
0x81: {  	_ =	shalt  }
0x82: {  	_ =	shalt  }
0x83: {  	_ =	shalt  }
0x84: {  	_ =	shalt  }
0x85: {  	_ =	shalt  }
0x86: {  	_ =	shalt  }
0x87: {  	_ =	shalt  }
.Lfunc_end0:
.L_simem_size_0:
called_computation.3_lowered:
.L_overlay_start_0:
0x88: {  	s2 =	sld [smem:$0x3FD9]  }
0x89: {  	s3 =	sld [smem:$0x3FFE];
	_ =	sdelay $0x1  }
0x8a: {  	s1 =	srdreg.scid  }
0x8b: {  	s0 =	sand.u32 $0x1, s1  }
0x8c: {  	s17 =	sshll.u32 s0, $0xA;
	s2 =	sadd.s32 s3, s2  }
0x8d: {  	s2 =	sadd.s32 s2, s17  }
0x8e: {  	[smem:$0x3FBC] =	sst s2  }
0x8f: {  	_ = 	snop  }
0x90: {  	s2 =	sld [smem:$0x3FD0];
	(tm) =	ssettm $0x1  }
0x91: {  	s18 =	sld [smem:$0x3FFB];
	_ =	sdelay $0x3  }
0x92: {  	_ =	strace s18  }
0x93: {  	s3 =	sld [smem:$0x3FFC];
	_ =	sdelay $0x3  }
0x94: {  	_ =	strace s3  }
0x95: {  	s3 =	sld [smem:$0x3FFD];
	_ =	sdelay $0x3  }
0x96: {  	_ =	strace s3  }
0x97: {  	_ =	strace $0x8FFFFFFF  }
0x98: {  	s19 =	sld [smem:$0x3FDB];
	_ =	sdelay $0x1  }
0x99: {  	s4 =	simm.s32 $_scs_section_size  }
0x9a: {  	s5 =	simm.s32 $_size__tile_overlayer_lowered;
	s6 =	simm.s32 $_tile_overlayer_lowered  }
0x9b: {  	s22 =	simm.s32 $0x1BFF;
	s21 =	sshll.u32 s6, $0x1;
	s3 =	sadd.s32 s4, s19  }
0x9c: {  	s7 =	simm.s32 $0x0;
	s20 =	sshll.u32 s5, $0x1;
	s5 =	sadd.s32 s21, s3  }
0x9d: {  	[timem:s7], [sflag:s22] =	dma.local [hbm:s5], s20  }
0x9e: {  	_ =	swait.ge [sflag:s22], s20  }
0x9f: {  	s4 =	ssub.s32 $0x0, s20;
	[sflag:s22] =	ssyncset.done $0x0  }
0xa0: {  	[sflag:s22] =	ssyncadd.s32 s4;
	_ =	sdelay $0x1  }
0xa1: {  	s23 =	simm.s32 $0x1B8B  }
0xa2: {  	_ =	swait.ge [sflag:s23], $0x1  }
0xa3: {  	[sflag:s23] =	ssyncset.done $0x0  }
0xa4: {  	s25 =	simm.s32 $0x1B8E;
	s24 =	sld [smem:$0x3FFE];
	[sflag:s23] =	ssyncadd.s32 $0xFFFFFFFF  }
0xa5: {  	s26 =	simm.s32 $execute0_lowered;
	[smem:$0x3FD2] =	sst s25  }
0xa6: {  	s5 =	sshll.u32 s26, $0x1;
	_ =	strace $0x8000004C;
	[dreg:$0x1] =	wrdreg $0xFFFFFFFF  }
0xa7: {  	s28 =	simm.s32 $_size_execute0_lowered;
	s3 =	sadd.s32 s3, s5;
	[dreg:$0x0] =	wrdreg $0x0  }
0xa8: {  	s5 =	sshll.u32 s28, $0x1;
	[dreg:$0x2] =	wrdreg s3  }
0xa9: {  	[dreg:$0x3] =	wrdreg s5  }
0xaa: {  	[dreg:$0x4] =	wrdreg $0xC0  }
0xab: {  	_ =	task [dreg:s7], $0x5FFFF  }
0xac: {  	[dreg:$0x1] =	wrdreg $0xFFFFFFFF  }
0xad: {  	[dreg:$0x0] =	wrdreg $0x60  }
0xae: {  	[dreg:$0x2] =	wrdreg s2  }
0xaf: {  	[dreg:$0x3] =	wrdreg s24  }
0xb0: {  	[dreg:$0x4] =	wrdreg $0xA8000  }
0xb1: {  	[dreg:$0x5] =	wrdreg $0x9  }
0xb2: {  	_ =	task.clear_ibuf [dreg:s7], $0x6FFFF;
	_ =	strace $0x9000004C  }
0xb3: {  	s29 =	simm.s32 $0x9;
	_ =	strace $0x8000004E  }
0xb4: {  	_ =	swait.ge [sflag:s29], $0x1  }
0xb5: {  	[sflag:s29] =	ssyncadd.s32 $0xFFFFFFFF  }
0xb6: {  	_ =	strace $0x9000004E  }
0xb7: {  	_ =	sfence  }
0xb8: {  	s30 =	sld [smem:$0x0];
	_ =	sdelay $0x2  }
0xb9: {  	s31 =	sshll.u32 s1, $0xD;
	s1 =	sshrl.u32 s1, $0x2  }
0xba: {  	s3 =	sand.u32 $0x4000, s31;
	s1 =	sadd.s32 s1, s30  }
0xbb: {  	s0 =	sor.u32 s3, s0;
	s1 =	sshll.u32 s1, $0x11  }
0xbc: {  	s0 =	sor.u32 s1, s0  }
0xbd: {  	s0 =	sadd.s32 $0x8F2B, s0  }
0xbe: {  	[sflag:s0] =	ssyncadd.remote.s32 $0x1  }
0xbf: {  	_ =	sfence.sel $0xFFFF  }
0xc0: {  	[dreg:$0x0] =	wrdreg $0xFFFFFFFF;
	(pc) =	sbr.abs _section_cstart, $3  }
0xc1: {  	[dreg:$0x1] =	wrdreg $0xFFFFFFFF  }
0xc2: {  	_ =	task.clear_ibuf [dreg:s7], $0x2FFFF;
	_ =	strace $0x9FFFFFFF  }
0xc3: {  	(tm) =	ssettm $0x7FFFFFFF  }
tec
execute0_lowered:
.L_overlay_start_1:
0x0: {  	(tag) =	ssettag $0x1  }
0x1: {  	s1 =	rddreg [dreg:$0x0]  }
0x2: {  	s0 =	rddreg [dreg:$0x1]  }
0x3: {  	s3 =	rddreg [dreg:$0x2];
	s4 =	simm.s32 $0x0  }
0x4: {  	s13 =	stileid.u32;
	s2 =	srdreg.scid;
	s15 =	simm.s32 $0x3  }
0x5: {  	s16 =	simm.s32 $0x1400;
	s17 =	simm.s32 $0x80;
	s18 =	simm.s32 $0x2800  }
0x6: {  	s19 =	simm.s32 $0x1;
	s20 =	simm.s32 $0x6800;
	s21 =	simm.s32 $0x4  }
0x7: {  	s22 =	simm.s32 $0x2;
	[smem:$0x7FF] =	sst s4;
	s5 =	smul.u32 $0x14000, s13  }
0x8: {  	s2 =	sand.u32 $0x1, s2;
	s9 =	sadd.s32 $0x86800, s0;
	s23 =	smul.u32 $0x50000, s13  }
0x9: {  	s10 =	sadd.s32 $0x4000, s0;
	s12 =	smul.u32 $0x2800, s13;
	s26 =	sshll.u32 s13, $0x6  }
0xa: {  	_ =	strace $0x8000004D;
	s6 =	smul.u32 $0x140000, s2;
	s8 =	ssub.s32 $0x2, s2  }
0xb: {  	s2 =	smul.u32 $0x28000, s2;
	s7 =	sshrl.u32 s5, $0x3;
	s11 =	sshrl.u32 s8, $0x1  }
0xc: {  	s29 =	sshrl.u32 s12, $0x3;
	s7 =	sadd.s32 s7, s0;
	s5 =	sadd.s32 s5, s6  }
0xd: {  	s6 =	sshrl.u32 s23, $0x2;
	s24 =	ssub.s32 s8, s11;
	s28 =	sadd.s32 s12, s2  }
0xe: {  	s11 =	smul.u32 $0xFFFFFFB0, s13;
	s12 =	sadd.s32 $0x1400, s12;
	s30 =	sadd.s32 s10, s29  }
0xf: {  	s5 =	sshrl.u32 s5, $0x3;
	s14 =	sadd.s32 s6, s3;
	s25 =	sadd.s32 $0xE800, s7  }
0x10: {  	s6 =	sor.u32 $0x1C03, s26;
	s7 =	sshrl.u32 s28, $0x3;
	[dreg:$0x6] =	wrdreg s30  }
0x11: {  	s2 =	sadd.s32 s2, s12;
	s12 =	sshrl.u32 s12, $0x3;
	s13 =	smax.u32 s24, $0x1  }
0x12: {  	s26 =	simm.s32 $0x0;
	s0 =	sadd.s32 s5, s0;
	[dreg:$0x4] =	wrdreg s25  }
0x13: {  	s7 =	sadd.s32 s9, s7;
	p0 =	slt.s32 s11, $0xFFFFFB6E;
	s2 =	sshrl.u32 s2, $0x3  }
0x14: {  	s31 =	sadd.s32 s10, s12;
	s14 =	sshrl.u32 s14, $0x3;
	[dreg:$0x5] =	wrdreg s7  }
0x15: {  	s11 =	simm.s32 @!p0 $0xFFFFFB6E;
	s2 =	sadd.s32 s9, s2;
	[dreg:$0x8] =	wrdreg s31  }
0x16: {  	s12 =	sadd.s32 $0x90800, s0;
	[dreg:$0x7] =	wrdreg s2;
	s11 =	sadd.s32 $0x4BA, s11  }
.LBB2_1:
0x17: {  	s0 =	rddreg [dreg:$0x4]  }
0x18: {  	[spmem:s14], [sflag:s6] =	dma.local [hbm:s0], $0x2800  }
0x19: {  	_ =	swait.ge [sflag:s15], $0x2800  }
0x1a: {  	[sflag:s15] =	ssyncset.done $0x0  }
0x1b: {  	[sflag:s15] =	ssyncadd.s32 $0xFFFFD800  }
0x1c: {  	[bflag:$0x0] =	sbarrier.arrive $0xFFFF  }
0x1d: {  	s24 =	rddreg [dreg:$0x5]  }
0x1e: {  	[tilespmem:s4], [sflag:$0x3] =	stream.linear.gather [hbm4b:s24+s4], $0x1400, $0x38;
	[tilespmem:$0x1E808] =	vst v63  }
0x1f: {  	_ =	swait.ge [sflag:s15], $0x1400  }
0x20: {  	[sflag:s15] =	ssyncset.done $0x0  }
0x21: {  	s25 =	rddreg [dreg:$0x6];
	[sflag:s15] =	ssyncadd.s32 $0xFFFFEC00  }
0x22: {  	[tilespmem:s16], [sflag:$0x3] =	stream.linear.gather [hbm4b:s25+s4], $0x1400, $0x38;
	[tilespmem:$0x1E808] =	vst v63  }
0x23: {  	_ =	swait.ge [sflag:s15], $0x1400  }
0x24: {  	[sflag:s15] =	ssyncset.done $0x0  }
0x25: {  	[sflag:s15] =	ssyncadd.s32 $0xFFFFEC00  }
0x26: {  	[tilespmem:s18], [sflag:$0x1] =	stream.indirect.gather [hbm4b:s1+s17], $0x80, s4, s17, $0xb8;
	[tilespmem:$0x1E808] =	vst v63  }
0x27: {  	_ =	swait.ge [sflag:s19], $0x4000  }
0x28: {  	[sflag:s19] =	ssyncset.done $0x0  }
0x29: {  	s28 =	simm.s32 $0x80;
	[sflag:s19] =	ssyncadd.s32 $0xFFFFC000  }
0x2a: {  	[tilespmem:s20], [sflag:$0x2] =	stream.indirect.gather [hbm4b:s1+s17], $0x80, s28, s17, $0xb8;
	[tilespmem:$0x1E808] =	vst v63  }
0x2b: {  	s29 =	simm.s32 $0x1400  }
0x2c: {  	[spmem:s3] =	stream.indirect.scatter.add.f32 [tilespmem:s18], [sflag:$0x4], $0x80, s29, s17, $0xb8;
	[tilespmem:$0x1E808] =	vst v63  }
0x2d: {  	_ =	swait.ge [sflag:s21], $0x4000  }
0x2e: {  	[sflag:s21] =	ssyncset.done $0x0  }
0x2f: {  	[sflag:s21] =	ssyncadd.s32 $0xFFFFC000  }
0x30: {  	_ =	swait.ge [sflag:s22], $0x4000  }
0x31: {  	[sflag:s22] =	ssyncset.done $0x0  }
0x32: {  	s30 =	simm.s32 $0x100;
	[sflag:s22] =	ssyncadd.s32 $0xFFFFC000  }
0x33: {  	[tilespmem:s18], [sflag:$0x1] =	stream.indirect.gather [hbm4b:s1+s17], $0x80, s30, s17, $0xb8;
	[tilespmem:$0x1E808] =	vst v63  }
0x34: {  	s31 =	simm.s32 $0x1480  }
0x35: {  	[spmem:s3] =	stream.indirect.scatter.add.f32 [tilespmem:s20], [sflag:$0x3], $0x80, s31, s17, $0xb8;
	[tilespmem:$0x1E808] =	vst v63  }
0x36: {  	_ =	swait.ge [sflag:s15], $0x4000  }
0x37: {  	s0 =	simm.s32 $0x400;
	[sflag:s15] =	ssyncset.done $0x0  }
.LBB2_2:
0x38: {  	p0 =	sne.s32 s0, $0x4800  }
0x39: {  	[sflag:s15] =	ssyncadd.s32 $0xFFFFC000;
	s2 =	smov.u32 s0;
	s0 =	sadd.s32 $0x400, s0  }
0x3a: {  	_ = 	snop  }
0x3b: {  	_ =	swait.ge [sflag:s19], $0x4000  }
0x3c: {  	s2 =	sshra.s32 s2, $0x2;
	[sflag:s19] =	ssyncset.done $0x0  }
0x3d: {  	s5 =	sadd.s32 $0x80, s2;
	[sflag:s19] =	ssyncadd.s32 $0xFFFFC000  }
0x3e: {  	[tilespmem:s20], [sflag:$0x2] =	stream.indirect.gather [hbm4b:s1+s17], $0x80, s5, s17, $0xb8;
	[tilespmem:$0x1E808] =	vst v63  }
0x3f: {  	s5 =	sadd.s32 $0x1400, s2  }
0x40: {  	[spmem:s3] =	stream.indirect.scatter.add.f32 [tilespmem:s18], [sflag:$0x4], $0x80, s5, s17, $0xb8;
	[tilespmem:$0x1E808] =	vst v63  }
0x41: {  	_ =	swait.ge [sflag:s21], $0x4000  }
0x42: {  	[sflag:s21] =	ssyncset.done $0x0  }
0x43: {  	[sflag:s21] =	ssyncadd.s32 $0xFFFFC000  }
0x44: {  	_ =	swait.ge [sflag:s22], $0x4000  }
0x45: {  	[sflag:s22] =	ssyncset.done $0x0  }
0x46: {  	s5 =	sadd.s32 $0x100, s2;
	[sflag:s22] =	ssyncadd.s32 $0xFFFFC000  }
0x47: {  	[tilespmem:s18], [sflag:$0x1] =	stream.indirect.gather [hbm4b:s1+s17], $0x80, s5, s17, $0xb8;
	[tilespmem:$0x1E808] =	vst v63  }
.Ltmp0:
0x48: {  	_ = 	snop;
	(pc) =	sbr.rel @p0 .LBB2_2-.Ltmp0, $4  }
0x49: {  	s2 =	sadd.s32 $0x1480, s2  }
0x4a: {  	[spmem:s3] =	stream.indirect.scatter.add.f32 [tilespmem:s20], [sflag:$0x3], $0x80, s2, s17, $0xb8;
	[tilespmem:$0x1E808] =	vst v63  }
0x4b: {  	_ =	swait.ge [sflag:s15], $0x4000  }
0x4c: {  	[sflag:s15] =	ssyncset.done $0x0  }
0x4d: {  	[sflag:s15] =	ssyncadd.s32 $0xFFFFC000  }
0x4e: {  	_ =	swait.ge [sflag:s19], $0x4000  }
0x4f: {  	[sflag:s19] =	ssyncset.done $0x0  }
0x50: {  	s0 =	simm.s32 $0x1380;
	[sflag:s19] =	ssyncadd.s32 $0xFFFFC000  }
0x51: {  	[tilespmem:s20], [sflag:$0x2] =	stream.indirect.gather [hbm4b:s1+s17], $0x80, s0, s17, $0xb8;
	[tilespmem:$0x1E808] =	vst v63  }
0x52: {  	s9 =	simm.s32 $0x2700  }
0x53: {  	[spmem:s3] =	stream.indirect.scatter.add.f32 [tilespmem:s18], [sflag:$0x4], $0x80, s9, s17, $0xb8;
	[tilespmem:$0x1E808] =	vst v63  }
0x54: {  	_ =	swait.ge [sflag:s21], $0x4000  }
0x55: {  	[sflag:s21] =	ssyncset.done $0x0  }
0x56: {  	s10 =	simm.s32 $0x2;
	[sflag:s21] =	ssyncadd.s32 $0xFFFFC000  }
0x57: {  	_ =	swait.ge [sflag:s10], $0x4000  }
0x58: {  	[sflag:s10] =	ssyncset.done $0x0  }
0x59: {  	s23 =	simm.s32 $0x2780;
	[sflag:s10] =	ssyncadd.s32 $0xFFFFC000  }
0x5a: {  	[spmem:s3] =	stream.indirect.scatter.add.f32 [tilespmem:s20], [sflag:$0x3], $0x80, s23, s17, $0xb8;
	[tilespmem:$0x1E808] =	vst v63  }
0x5b: {  	_ =	swait.ge [sflag:s15], $0x4000  }
0x5c: {  	[sflag:s15] =	ssyncset.done $0x0  }
0x5d: {  	s24 =	simm.s32 $0x0;
	s2 =	rddreg [dreg:$0x7];
	[sflag:s15] =	ssyncadd.s32 $0xFFFFC000  }
0x5e: {  	[tilespmem:s24], [sflag:$0x3] =	stream.linear.gather [hbm4b:s2+s24], $0x1400, $0x38;
	[tilespmem:$0x1E808] =	vst v63  }
0x5f: {  	_ =	swait.ge [sflag:s15], $0x1400  }
0x60: {  	[sflag:s15] =	ssyncset.done $0x0  }
0x61: {  	p2 =	sle.u32 s11, $0x0;
	s25 =	rddreg [dreg:$0x8];
	[sflag:s15] =	ssyncadd.s32 $0xFFFFEC00  }
0x62: {  	[tilespmem:s16], [sflag:$0x3] =	stream.linear.gather [hbm4b:s25+s24], $0x1400, $0x38;
	[tilespmem:$0x1E808] =	vst v63  }
0x63: {  	s28 =	simm.s32 $0x400;
	s30 =	simm.s32 $0x800;
	_ =	swait.ge [sflag:s15], $0x1400  }
0x64: {  	s29 =	simm.s32 $0x4;
	p1 =	sle.u32 @!p2 s11, $0x1;
	[sflag:s15] =	ssyncset.done $0x0  }
0x65: {  	p3 =	por p1, p2;
	s0 =	simm.s32 @!p2 $0x1;
	[sflag:s15] =	ssyncadd.s32 $0xFFFFEC00  }
0x66: {  	[tilespmem:s18], [sflag:$0x1] =	stream.indirect.gather [hbm4b:s1+s17], $0x80, s24, s17, $0xb8;
	[tilespmem:$0x1E808] =	vst v63  }
0x67: {  	p0 =	por !p1, p2;
	s5 =	simm.s32 @!p3 $0x80;
	_ =	swait.ge @!p2 [sflag:s0], $0x4000  }
0x68: {  	p4 =	sle.u32 @!p3 s11, $0x2;
	s23 =	simm.s32 @!p0 $0x2800;
	[sflag:s0] =	ssyncset.done @!p2 $0x0  }
0x69: {  	s2 =	simm.s32 @!p0 $0x1400;
	[sflag:s0] =	ssyncadd.s32 @!p2 $0xFFFFC000;
	s0 =	simm.s32 @!p0 $0x80  }
0x6a: {  	[spmem:s3] =	stream.indirect.scatter.add.f32 @!p0 [tilespmem:s23], [sflag:$0x4], $0x80, s2, s0, $0xb8;
	[tilespmem:$0x1E808] =	vst v63  }
0x6b: {  	s31 =	simm.s32 @!p0 $0x4;
	s2 =	simm.s32 @!p3 $0x80;
	s23 =	simm.s32 @!p3 $0x6800  }
0x6c: {  	[tilespmem:s23], [sflag:$0x2] =	stream.indirect.gather @!p3 [hbm4b:s1+s2], $0x80, s5, s2, $0xb8;
	[tilespmem:$0x1E808] =	vst v63  }
0x6d: {  	s25 =	simm.s32 @!p3 $0x4;
	s24 =	simm.s32 @!p3 $0x1400;
	s5 =	simm.s32 @!p3 $0x2800  }
0x6e: {  	[spmem:s3] =	stream.indirect.scatter.add.f32 @!p3 [tilespmem:s5], [sflag:$0x4], $0x80, s24, s2, $0xb8;
	[tilespmem:$0x1E808] =	vst v63  }
0x6f: {  	p5 =	por p3, p3;
	p1 =	por @!p2 p4, p1;
	_ =	swait.ge @!p3 [sflag:s25], $0x4000  }
0x70: {  	p1 =	por p1, p2;
	p2 =	por p2, p2;
	[sflag:s25] =	ssyncset.done @!p3 $0x0  }
0x71: {  	s0 =	simm.s32 @!p3 $0x1480;
	[sflag:s25] =	ssyncadd.s32 @!p5 $0xFFFFC000;
	s25 =	simm.s32 @!p5 $0x2  }
0x72: {  	s24 =	simm.s32 @!p1 $0x100;
	s5 =	simm.s32 $0x2;
	_ =	swait.ge @!p5 [sflag:s25], $0x4000  }
.LBB2_4:
0x73: {  	s7 =	sadd.s32 $0xFFFFFFFF, s29;
	p3 =	sge.u32 s5, s11  }
0x74: {  	s5 =	smov.u32 s30;
	s30 =	sadd.s32 $0x400, s30;
	s8 =	simm.s32 @!p1 $0x80  }
0x75: {  	s9 =	simm.s32 @!p1 $0x2800;
	[sflag:s25] =	ssyncset.done @!p5 $0x0;
	p6 =	sge.u32 @!p3 s7, s11  }
0x76: {  	s10 =	simm.s32 @!p3 $0x1;
	[sflag:s25] =	ssyncadd.s32 @!p5 $0xFFFFC000;
	p4 =	por p6, p3  }
0x77: {  	[tilespmem:s9], [sflag:$0x1] =	stream.indirect.gather @!p1 [hbm4b:s1+s8], $0x80, s24, s8, $0xb8;
	[tilespmem:$0x1E808] =	vst v63  }
0x78: {  	s31 =	simm.s32 @p0 $0x3;
	p0 =	por !p6, p3;
	p1 =	sge.u32 @!p4 s29, s11  }
0x79: {  	[spmem:s3] =	stream.indirect.scatter.add.f32 @!p5 [tilespmem:s23], [sflag:$0x3], $0x80, s0, s2, $0xb8;
	[tilespmem:$0x1E808] =	vst v63  }
0x7a: {  	s0 =	sshra.s32 @!p0 s28, $0x2;
	s2 =	sshra.s32 @!p4 s28, $0x2;
	_ =	swait.ge @!p2 [sflag:s31], $0x4000  }
0x7b: {  	s7 =	sadd.s32 @!p0 $0x1400, s0;
	s8 =	sadd.s32 @!p4 $0x80, s2;
	[sflag:s31] =	ssyncset.done @!p2 $0x0  }
0x7c: {  	p1 =	por @!p3 p1, p6;
	s9 =	sadd.s32 @!p4 $0x1400, s2;
	[sflag:s31] =	ssyncadd.s32 @!p2 $0xFFFFC000  }
0x7d: {  	p6 =	sne.s32 s30, $0x5000;
	s0 =	sadd.s32 @!p4 $0x1480, s2;
	_ =	swait.ge @!p3 [sflag:s10], $0x4000  }
0x7e: {  	p1 =	por p1, p3;
	s31 =	simm.s32 @!p0 $0x4;
	[sflag:s10] =	ssyncset.done @!p3 $0x0  }
0x7f: {  	s2 =	simm.s32 @!p0 $0x80;
	[sflag:s10] =	ssyncadd.s32 @!p3 $0xFFFFC000;
	s10 =	simm.s32 @!p0 $0x2800  }
0x80: {  	[spmem:s3] =	stream.indirect.scatter.add.f32 @!p0 [tilespmem:s10], [sflag:$0x4], $0x80, s7, s2, $0xb8;
	[tilespmem:$0x1E808] =	vst v63  }
0x81: {  	s23 =	simm.s32 @!p4 $0x6800;
	s2 =	simm.s32 @!p4 $0x80;
	s7 =	sshra.s32 @!p1 s28, $0x2  }
0x82: {  	[tilespmem:s23], [sflag:$0x2] =	stream.indirect.gather @!p4 [hbm4b:s1+s2], $0x80, s8, s2, $0xb8;
	[tilespmem:$0x1E808] =	vst v63  }
0x83: {  	s10 =	simm.s32 @!p4 $0x4;
	s24 =	sadd.s32 @!p1 $0x100, s7;
	s8 =	simm.s32 @!p4 $0x2800  }
0x84: {  	[spmem:s3] =	stream.indirect.scatter.add.f32 @!p4 [tilespmem:s8], [sflag:$0x4], $0x80, s9, s2, $0xb8;
	[tilespmem:$0x1E808] =	vst v63  }
.Ltmp1:
0x85: {  	_ = 	snop;
	(pc) =	sbr.rel @p6 .LBB2_4-.Ltmp1, $4  }
0x86: {  	s28 =	smov.u32 s5;
	_ =	swait.ge @!p4 [sflag:s10], $0x4000  }
0x87: {  	p5 =	por p4, p4;
	p2 =	por p3, p3;
	[sflag:s10] =	ssyncset.done @!p4 $0x0  }
0x88: {  	s29 =	sadd.s32 $0x2, s29;
	s25 =	simm.s32 @!p5 $0x2;
	[sflag:s10] =	ssyncadd.s32 @!p5 $0xFFFFC000  }
0x89: {  	s5 =	sadd.s32 $0xFFFFFFFE, s29;
	_ =	swait.ge @!p5 [sflag:s25], $0x4000  }
0x8a: {  	[sflag:s25] =	ssyncset.done @!p5 $0x0  }
0x8b: {  	s7 =	simm.s32 @!p1 $0x80;
	s8 =	simm.s32 @!p1 $0x2800;
	[sflag:s25] =	ssyncadd.s32 @!p5 $0xFFFFC000  }
0x8c: {  	[tilespmem:s8], [sflag:$0x1] =	stream.indirect.gather @!p1 [hbm4b:s1+s7], $0x80, s24, s7, $0xb8;
	[tilespmem:$0x1E808] =	vst v63  }
0x8d: {  	s31 =	simm.s32 @p0 $0x3  }
0x8e: {  	[spmem:s3] =	stream.indirect.scatter.add.f32 @!p5 [tilespmem:s23], [sflag:$0x3], $0x80, s0, s2, $0xb8;
	[tilespmem:$0x1E808] =	vst v63  }
0x8f: {  	p0 =	sge.u32 s5, s11;
	s0 =	sadd.s32 $0xFFFFFFFF, s29;
	_ =	swait.ge @!p2 [sflag:s31], $0x4000  }
0x90: {  	p3 =	sge.u32 @!p0 s0, s11;
	[sflag:s31] =	ssyncset.done @!p2 $0x0  }
0x91: {  	s0 =	simm.s32 @!p0 $0x1;
	p1 =	por !p3, p0;
	[sflag:s31] =	ssyncadd.s32 @!p2 $0xFFFFC000  }
0x92: {  	p2 =	por p3, p0;
	s2 =	sshra.s32 @!p1 s28, $0x2;
	_ =	swait.ge @!p0 [sflag:s0], $0x4000  }
0x93: {  	s7 =	simm.s32 @!p1 $0x2800;
	s5 =	sshra.s32 @!p2 s28, $0x2;
	[sflag:s0] =	ssyncset.done @!p0 $0x0  }
0x94: {  	s2 =	sadd.s32 @!p1 $0x1400, s2;
	[sflag:s0] =	ssyncadd.s32 @!p0 $0xFFFFC000;
	s0 =	simm.s32 @!p1 $0x80  }
0x95: {  	[spmem:s3] =	stream.indirect.scatter.add.f32 @!p1 [tilespmem:s7], [sflag:$0x4], $0x80, s2, s0, $0xb8;
	[tilespmem:$0x1E808] =	vst v63  }
0x96: {  	s0 =	sadd.s32 @!p2 $0x80, s5;
	s2 =	simm.s32 @!p2 $0x80;
	s7 =	simm.s32 @!p2 $0x6800  }
0x97: {  	[tilespmem:s7], [sflag:$0x2] =	stream.indirect.gather @!p2 [hbm4b:s1+s2], $0x80, s0, s2, $0xb8;
	[tilespmem:$0x1E808] =	vst v63  }
0x98: {  	s8 =	simm.s32 @!p2 $0x2800;
	s9 =	simm.s32 @!p2 $0x4;
	s0 =	sadd.s32 @!p2 $0x1400, s5  }
0x99: {  	[spmem:s3] =	stream.indirect.scatter.add.f32 @!p2 [tilespmem:s8], [sflag:$0x4], $0x80, s0, s2, $0xb8;
	[tilespmem:$0x1E808] =	vst v63  }
0x9a: {  	p4 =	sge.u32 @!p2 s29, s11;
	_ =	swait.ge @!p2 [sflag:s9], $0x4000  }
0x9b: {  	p4 =	por @!p0 p4, p3;
	p3 =	por p2, p2;
	[sflag:s9] =	ssyncset.done @!p2 $0x0  }
0x9c: {  	p4 =	por p4, p0;
	s0 =	simm.s32 @!p3 $0x2;
	[sflag:s9] =	ssyncadd.s32 @!p3 $0xFFFFC000  }
0x9d: {  	s10 =	simm.s32 @!p4 $0x80;
	_ =	swait.ge @!p3 [sflag:s0], $0x4000  }
0x9e: {  	s23 =	simm.s32 @!p4 $0x2800;
	s8 =	sshra.s32 @!p4 s28, $0x2;
	[sflag:s0] =	ssyncset.done @!p3 $0x0  }
0x9f: {  	s8 =	sadd.s32 @!p4 $0x100, s8;
	s9 =	simm.s32 @!p1 $0x4;
	[sflag:s0] =	ssyncadd.s32 @!p3 $0xFFFFC000  }
0xa0: {  	[tilespmem:s23], [sflag:$0x1] =	stream.indirect.gather @!p4 [hbm4b:s1+s10], $0x80, s8, s10, $0xb8;
	[tilespmem:$0x1E808] =	vst v63  }
0xa1: {  	p0 =	por p0, p0;
	s9 =	simm.s32 @p1 $0x3;
	s0 =	sadd.s32 @!p2 $0x1480, s5  }
0xa2: {  	[spmem:s3] =	stream.indirect.scatter.add.f32 @!p3 [tilespmem:s7], [sflag:$0x3], $0x80, s0, s2, $0xb8;
	[tilespmem:$0x1E808] =	vst v63  }
0xa3: {  	_ =	swait.ge @!p0 [sflag:s9], $0x4000  }
0xa4: {  	s26 =	sadd.s32 $0x1, s26;
	[sflag:s9] =	ssyncset.done @!p0 $0x0  }
0xa5: {  	[sflag:s9] =	ssyncadd.s32 @!p0 $0xFFFFC000;
	p0 =	sne.s32 s26, s13  }
.Ltmp2:
0xa6: {  	[bflag:$0x0] =	sbarrier.arrive $0xFFFF;
	(pc) =	sbr.rel @p0 .LBB2_1-.Ltmp2, $4  }
0xa7: {  	[hbm:s12], [sflag:s6] =	dma.local [spmem:s14], $0x2800  }
0xa8: {  	_ =	swait.ge [sflag:s15], $0x2800  }
0xa9: {  	[sflag:s15] =	ssyncset.done $0x0  }
0xaa: {  	[sflag:s15] =	ssyncadd.s32 $0xFFFFD800  }
0xab: {  	_ =	sfence.sel $0x180000  }
0xac: {  	[bflag:$0x0] =	sbarrier.arrive $0xFFFF  }
0xad: {  	_ =	strace $0x9000004D  }
0xae: {  	s0 =	stileid.u32;
	[bflag:$0x2] =	sbarrier.arrive $0xFFFF  }
0xaf: {  	p0 =	sne.s32 s0, $0x0;
	s0 =	rddreg [dreg:$0x3]  }
0xb0: {  	s0 =	sadd.s32 @!p0 $0x100000, s0  }
0xb1: {  	[sflag:s0] =	ssyncadd.tile.s32 @!p0 $0x1;
	_ =	shalt  }
.Lfunc_end2:
_tile_overlayer_lowered:
.L_overlay_start_2:
0xb2: {  	(tag) =	ssettag $0x2  }
0xb3: {  	s0 =	rddreg [dreg:$0x0];
	s2 =	stileid.u32  }
0xb4: {  	s1 =	rddreg [dreg:$0x1];
	p0 =	sne.s32 s2, $0x0  }
0xb5: {  	s3 =	rddreg [dreg:$0x2];
	[bflag:$0x3] =	sbarrier.arrive $0xFFFF;
	s2 =	simm.s32 @!p0 $0x1C03  }
0xb6: {  	[timem:s3], [sflag:s2] =	dma.local @!p0 [hbm:s0], s1  }
0xb7: {  	s0 =	simm.s32 @!p0 $0x3  }
0xb8: {  	_ =	swait.ge @!p0 [sflag:s0], s1  }
0xb9: {  	s1 =	ssub.s32 @!p0 $0x0, s1;
	[sflag:s0] =	ssyncset.done @!p0 $0x0  }
0xba: {  	[sflag:s0] =	ssyncadd.s32 @!p0 s1  }
0xbb: {  	[bflag:$0x3] =	sbarrier.arrive $0xFFFF  }
0xbc: {  	_ =	shalt  }

// kernel: kernel.20.cloned.1.call-start
scs
__scs_entry_jumppad:
0x0: {  	(pc) =	sbr.rel $0x88, $3  }
0x1: {  	(tag) =	ssettag $0x0;
	lr =	simm.s32 $0x1  }
0x2: {  	[smem:$0x3F95] =	sst lr;
	_ =	strace $0xD0000000  }
0x3: {  	_ = 	snop  }
0x4: {  	_ = 	snop  }
0x5: {  	_ = 	snop  }
0x6: {  	_ = 	snop  }
0x7: {  	_ = 	snop  }
__scs_overlays_trampoline_lowered:
0x8: {  	[smem:$0x3FA4] =	sst s0  }
0x9: {  	[smem:$0x3FA5] =	sst s1  }
0xa: {  	[smem:$0x3FA6] =	sst s2  }
0xb: {  	[smem:$0x3FA7] =	sst s3  }
0xc: {  	[smem:$0x3FA8] =	sst s4  }
0xd: {  	[smem:$0x3FA9] =	sst s5  }
0xe: {  	[smem:$0x3FAA] =	sst s6  }
0xf: {  	[smem:$0x3FAB] =	sst s7  }
0x10: {  	[smem:$0x3FAC] =	sst s8  }
0x11: {  	[smem:$0x3FAD] =	sst s9;
	s0 =	simm.s32 @!p0 $0x0  }
0x12: {  	s1 =	sld [smem:$0x3F93];
	s0 =	simm.s32 @p0 $0x1  }
0x13: {  	[smem:$0x3FAE] =	sst s0;
	s0 =	simm.s32 @!p1 $0x0  }
0x14: {  	s2 =	sld [smem:$0x3F92];
	s0 =	simm.s32 @p1 $0x1  }
0x15: {  	[smem:$0x3FAF] =	sst s0;
	s0 =	simm.s32 @!p2 $0x0  }
0x16: {  	s3 =	sld [smem:$0x3FDB];
	s0 =	simm.s32 @p2 $0x1  }
0x17: {  	s4 =	simm.s32 $0x1BF5;
	[smem:$0x3FB1] =	sst s0  }
0x18: {  	s0 =	sld [smem:$0x3F94];
	_ =	swait.ge [sflag:s4], $0x0  }
0x19: {  	s7 =	sld [smem:$0x3F95]  }
0x1a: {  	s8 =	sadd.s32 $0xFFFFE003, lr  }
0x1b: {  	s9 =	sadd.s32 $0xFFFFFEF7, lr;
	s5 =	simm.s32 $0xFFFFFFFF;
	p2 =	slt.u32 s8, $0xFFFFF086  }
0x1c: {  	p1 =	slt.u32 s9, $0xF7A;
	s5 =	simm.s32 @!p2 $0x0  }
0x1d: {  	s5 =	simm.s32 @p1 $0x1;
	p0 =	seq.s32 s7, s2  }
0x1e: {  	s7 =	smul.u32 @!p0 $0xF7A, s2;
	p2 =	seq.s32 @!p0 s5, $0x0  }
0x1f: {  	s9 =	smul.u32 $0xF7A, s1;
	s8 =	simm.s32 @!p0 $0x1BF5;
	p2 =	por !p2, p0  }
0x20: {  	[sflag:s8] =	ssyncset.s32 @!p0 $0xFFFFF086;
	s6 =	sadd.s32 @!p0 s3, s7;
	s7 =	simm.s32 @!p0 $0x108  }
0x21: {  	s3 =	sadd.s32 s3, s9;
	s6 =	sadd.s32 @!p0 $0x88, s6;
	s7 =	simm.s32 @p2 $0x1082  }
0x22: {  	[simem:s7], [sflag:s8] =	dma.local @!p0 [hbm:s6], $0xF7A  }
0x23: {  	s9 =	sor.u32 $0xD0000000, s2;
	s6 =	simm.s32 $0x108;
	_ =	swait.ge @!p0 [sflag:s8], $0x0  }
0x24: {  	s3 =	sadd.s32 $0x88, s3;
	s6 =	simm.s32 @!p1 $0x1082;
	[sflag:s4] =	ssyncset.s32 $0xFFFFF086  }
0x25: {  	[simem:s6], [sflag:s4] =	dma.local [hbm:s3], $0xF7A  }
0x26: {  	[smem:$0x3F95] =	sst s1;
	(tag) =	ssettag s2;
	_ =	strace s9  }
0x27: {  	s1 =	sld [smem:$0x3FA5]  }
0x28: {  	s2 =	sld [smem:$0x3FA6]  }
0x29: {  	s4 =	sld [smem:$0x3FA8]  }
0x2a: {  	p0 =	seq.s32 s5, $0x0;
	s5 =	sld [smem:$0x3FA9]  }
0x2b: {  	s6 =	sld [smem:$0x3FAA]  }
0x2c: {  	s7 =	sld [smem:$0x3FAB]  }
0x2d: {  	s3 =	simm.s32 $0x108;
	s8 =	sld [smem:$0x3FAC]  }
0x2e: {  	s3 =	simm.s32 @!p0 $0x1082;
	s9 =	sld [smem:$0x3FAD]  }
0x2f: {  	lr =	sadd.s32 s0, s3;
	s0 =	sld [smem:$0x3FA4]  }
0x30: {  	s3 =	sld [smem:$0x3FA7]  }
0x31: {  	[smem:$0x3FB0] =	sst s10  }
0x32: {  	s10 =	sld [smem:$0x3FAE];
	_ =	sdelay $0x3  }
0x33: {  	p0 =	seq.s32 s10, $0x1;
	s10 =	sld [smem:$0x3FB0];
	_ =	sdelay $0x3  }
0x34: {  	[smem:$0x3FB0] =	sst s10  }
0x35: {  	s10 =	sld [smem:$0x3FAF];
	_ =	sdelay $0x3  }
0x36: {  	p1 =	seq.s32 s10, $0x1;
	s10 =	sld [smem:$0x3FB0];
	_ =	sdelay $0x3  }
0x37: {  	[smem:$0x3FB0] =	sst s10  }
0x38: {  	s10 =	sld [smem:$0x3FB1]  }
0x39: {  	_ = 	snop;
	(pc) =	sbr.ind lr, $3  }
0x3a: {  	_ = 	snop  }
0x3b: {  	_ = 	snop  }
0x3c: {  	p2 =	seq.s32 s10, $0x1;
	s10 =	sld [smem:$0x3FB0]  }
0x3d: {  	_ =	shalt  }
0x3e: {  	_ =	shalt  }
0x3f: {  	_ =	shalt  }
0x40: {  	_ =	shalt  }
0x41: {  	_ =	shalt  }
0x42: {  	_ =	shalt  }
0x43: {  	_ =	shalt  }
0x44: {  	_ =	shalt  }
0x45: {  	_ =	shalt  }
0x46: {  	_ =	shalt  }
0x47: {  	_ =	shalt  }
0x48: {  	_ =	shalt  }
0x49: {  	_ =	shalt  }
0x4a: {  	_ =	shalt  }
0x4b: {  	_ =	shalt  }
0x4c: {  	_ =	shalt  }
0x4d: {  	_ =	shalt  }
0x4e: {  	_ =	shalt  }
0x4f: {  	_ =	shalt  }
0x50: {  	_ =	shalt  }
0x51: {  	_ =	shalt  }
0x52: {  	_ =	shalt  }
0x53: {  	_ =	shalt  }
0x54: {  	_ =	shalt  }
0x55: {  	_ =	shalt  }
0x56: {  	_ =	shalt  }
0x57: {  	_ =	shalt  }
0x58: {  	_ =	shalt  }
0x59: {  	_ =	shalt  }
0x5a: {  	_ =	shalt  }
0x5b: {  	_ =	shalt  }
0x5c: {  	_ =	shalt  }
0x5d: {  	_ =	shalt  }
0x5e: {  	_ =	shalt  }
0x5f: {  	_ =	shalt  }
0x60: {  	_ =	shalt  }
0x61: {  	_ =	shalt  }
0x62: {  	_ =	shalt  }
0x63: {  	_ =	shalt  }
0x64: {  	_ =	shalt  }
0x65: {  	_ =	shalt  }
0x66: {  	_ =	shalt  }
0x67: {  	_ =	shalt  }
0x68: {  	_ =	shalt  }
0x69: {  	_ =	shalt  }
0x6a: {  	_ =	shalt  }
0x6b: {  	_ =	shalt  }
0x6c: {  	_ =	shalt  }
0x6d: {  	_ =	shalt  }
0x6e: {  	_ =	shalt  }
0x6f: {  	_ =	shalt  }
0x70: {  	_ =	shalt  }
0x71: {  	_ =	shalt  }
0x72: {  	_ =	shalt  }
0x73: {  	_ =	shalt  }
0x74: {  	_ =	shalt  }
0x75: {  	_ =	shalt  }
0x76: {  	_ =	shalt  }
0x77: {  	_ =	shalt  }
0x78: {  	_ =	shalt  }
0x79: {  	_ =	shalt  }
0x7a: {  	_ =	shalt  }
0x7b: {  	_ =	shalt  }
0x7c: {  	_ =	shalt  }
0x7d: {  	_ =	shalt  }
0x7e: {  	_ =	shalt  }
0x7f: {  	_ =	shalt  }
0x80: {  	_ =	shalt  }
0x81: {  	_ =	shalt  }
0x82: {  	_ =	shalt  }
0x83: {  	_ =	shalt  }
0x84: {  	_ =	shalt  }
0x85: {  	_ =	shalt  }
0x86: {  	_ =	shalt  }
0x87: {  	_ =	shalt  }
.Lfunc_end0:
.L_simem_size_0:
called_computation.4_lowered:
.L_overlay_start_0:
0x88: {  	s2 =	sld [smem:$0x3FD9]  }
0x89: {  	s3 =	sld [smem:$0x3FFE];
	_ =	sdelay $0x1  }
0x8a: {  	s1 =	srdreg.scid  }
0x8b: {  	s0 =	sand.u32 $0x1, s1  }
0x8c: {  	s17 =	sshll.u32 s0, $0xA;
	s2 =	sadd.s32 s3, s2  }
0x8d: {  	s2 =	sadd.s32 s2, s17  }
0x8e: {  	[smem:$0x3FBC] =	sst s2  }
0x8f: {  	_ = 	snop  }
0x90: {  	s2 =	sld [smem:$0x3FD0];
	(tm) =	ssettm $0x1  }
0x91: {  	s18 =	sld [smem:$0x3FFB];
	_ =	sdelay $0x3  }
0x92: {  	_ =	strace s18  }
0x93: {  	s3 =	sld [smem:$0x3FFC];
	_ =	sdelay $0x3  }
0x94: {  	_ =	strace s3  }
0x95: {  	s3 =	sld [smem:$0x3FFD];
	_ =	sdelay $0x3  }
0x96: {  	_ =	strace s3  }
0x97: {  	_ =	strace $0x8FFFFFFF  }
0x98: {  	s19 =	sld [smem:$0x3FDB];
	_ =	sdelay $0x1  }
0x99: {  	s4 =	simm.s32 $_scs_section_size  }
0x9a: {  	s5 =	simm.s32 $_size__tile_overlayer_lowered;
	s6 =	simm.s32 $_tile_overlayer_lowered  }
0x9b: {  	s22 =	simm.s32 $0x1BFF;
	s21 =	sshll.u32 s6, $0x1;
	s3 =	sadd.s32 s4, s19  }
0x9c: {  	s7 =	simm.s32 $0x0;
	s20 =	sshll.u32 s5, $0x1;
	s5 =	sadd.s32 s21, s3  }
0x9d: {  	[timem:s7], [sflag:s22] =	dma.local [hbm:s5], s20  }
0x9e: {  	_ =	swait.ge [sflag:s22], s20  }
0x9f: {  	s4 =	ssub.s32 $0x0, s20;
	[sflag:s22] =	ssyncset.done $0x0  }
0xa0: {  	[sflag:s22] =	ssyncadd.s32 s4;
	_ =	sdelay $0x1  }
0xa1: {  	s23 =	simm.s32 $0x1B8B  }
0xa2: {  	_ =	swait.ge [sflag:s23], $0x1  }
0xa3: {  	[sflag:s23] =	ssyncset.done $0x0  }
0xa4: {  	s25 =	simm.s32 $0x1B8E;
	s24 =	sld [smem:$0x3FFE];
	[sflag:s23] =	ssyncadd.s32 $0xFFFFFFFF  }
0xa5: {  	s26 =	simm.s32 $execute0_lowered;
	[smem:$0x3FD2] =	sst s25  }
0xa6: {  	s5 =	sshll.u32 s26, $0x1;
	_ =	strace $0x8000004F;
	[dreg:$0x1] =	wrdreg $0xFFFFFFFF  }
0xa7: {  	s28 =	simm.s32 $_size_execute0_lowered;
	s3 =	sadd.s32 s3, s5;
	[dreg:$0x0] =	wrdreg $0x0  }
0xa8: {  	s5 =	sshll.u32 s28, $0x1;
	[dreg:$0x2] =	wrdreg s3  }
0xa9: {  	[dreg:$0x3] =	wrdreg s5  }
0xaa: {  	[dreg:$0x4] =	wrdreg $0xC0  }
0xab: {  	_ =	task [dreg:s7], $0x5FFFF  }
0xac: {  	[dreg:$0x1] =	wrdreg $0xFFFFFFFF  }
0xad: {  	[dreg:$0x0] =	wrdreg $0x60  }
0xae: {  	[dreg:$0x2] =	wrdreg s24  }
0xaf: {  	[dreg:$0x3] =	wrdreg s2  }
0xb0: {  	[dreg:$0x4] =	wrdreg $0xA8000  }
0xb1: {  	[dreg:$0x5] =	wrdreg $0x9  }
0xb2: {  	_ =	task.clear_ibuf [dreg:s7], $0x6FFFF;
	_ =	strace $0x9000004F  }
0xb3: {  	s29 =	simm.s32 $0x9;
	_ =	strace $0x80000051  }
0xb4: {  	_ =	swait.ge [sflag:s29], $0x1  }
0xb5: {  	[sflag:s29] =	ssyncadd.s32 $0xFFFFFFFF  }
0xb6: {  	_ =	strace $0x90000051  }
0xb7: {  	_ =	sfence  }
0xb8: {  	s30 =	sld [smem:$0x0];
	_ =	sdelay $0x2  }
0xb9: {  	s31 =	sshll.u32 s1, $0xD;
	s1 =	sshrl.u32 s1, $0x2  }
0xba: {  	s3 =	sand.u32 $0x4000, s31;
	s1 =	sadd.s32 s1, s30  }
0xbb: {  	s0 =	sor.u32 s3, s0;
	s1 =	sshll.u32 s1, $0x11  }
0xbc: {  	s0 =	sor.u32 s1, s0  }
0xbd: {  	s0 =	sadd.s32 $0x8F2B, s0  }
0xbe: {  	[sflag:s0] =	ssyncadd.remote.s32 $0x1  }
0xbf: {  	_ =	sfence.sel $0xFFFF  }
0xc0: {  	[dreg:$0x0] =	wrdreg $0xFFFFFFFF;
	(pc) =	sbr.abs _section_cstart, $3  }
0xc1: {  	[dreg:$0x1] =	wrdreg $0xFFFFFFFF  }
0xc2: {  	_ =	task.clear_ibuf [dreg:s7], $0x2FFFF;
	_ =	strace $0x9FFFFFFF  }
0xc3: {  	(tm) =	ssettm $0x7FFFFFFF  }
tec
execute0_lowered:
.L_overlay_start_1:
0x0: {  	(tag) =	ssettag $0x1  }
0x1: {  	s5 =	rddreg [dreg:$0x0]  }
0x2: {  	s0 =	srdreg.scid;
	s10 =	rddreg [dreg:$0x1]  }
0x3: {  	s2 =	rddreg [dreg:$0x2];
	s3 =	simm.s32 $0x0;
	s6 =	sand.u32 $0x1, s0  }
0x4: {  	s15 =	simm.s32 $0x80;
	s0 =	stileid.u32;
	s4 =	smul.u32 $0x280, s6  }
0x5: {  	s16 =	simm.s32 $0x2800;
	[smem:$0x7FF] =	sst s3;
	s7 =	smul.u32 $0x28, s0  }
0x6: {  	s17 =	simm.s32 $0x0;
	s8 =	smul.u32 $0x14000, s0;
	_ =	strace $0x80000050  }
0x7: {  	s12 =	ssub.s32 $0x2, s6;
	s13 =	smul.u32 $0x50000, s0;
	s31 =	sshll.u32 s0, $0x6  }
0x8: {  	s30 =	smul.u32 $0x140000, s6;
	s26 =	sshrl.u32 s12, $0x1;
	s6 =	sor.u32 $0x1C03, s31  }
0x9: {  	s9 =	sadd.s32 s7, s4;
	s4 =	sadd.s32 $0x86800, s5;
	s11 =	sshrl.u32 s8, $0x3  }
0xa: {  	s28 =	ssub.s32 s12, s26;
	s29 =	sshrl.u32 s13, $0x2;
	s12 =	sadd.s32 s8, s30  }
0xb: {  	s7 =	sshll.u32 s9, $0x4;
	s13 =	sadd.s32 s29, s2;
	s9 =	ssub.s32 $0x4E2, s9  }
0xc: {  	s12 =	sshrl.u32 s12, $0x3;
	s14 =	sadd.s32 s7, s5;
	s5 =	sadd.s32 s11, s5  }
0xd: {  	s9 =	smin.u32 s9, $0x28;
	s10 =	sadd.s32 s10, s12;
	s11 =	smax.u32 s28, $0x1  }
0xe: {  	s12 =	sshrl.u32 s13, $0x3;
	s13 =	simm.s32 $0x3;
	s5 =	sadd.s32 $0xE800, s5  }
0xf: {  	s7 =	sadd.s32 $0x9000, s14;
	s8 =	sadd.s32 $0x4000, s14;
	s14 =	simm.s32 $0x1400  }
.LBB2_1:
0x10: {  	[spmem:s12], [sflag:s6] =	dma.local [hbm:s5], $0x2800  }
0x11: {  	_ =	swait.ge [sflag:s13], $0x2800  }
0x12: {  	[sflag:s13] =	ssyncset.done $0x0  }
0x13: {  	[sflag:s13] =	ssyncadd.s32 $0xFFFFD800  }
0x14: {  	[tilespmem:s3], [sflag:$0x3] =	stream.linear.gather [hbm4b:s7+s3], $0x1400, $0x38;
	[tilespmem:$0x1E808] =	vst v63  }
0x15: {  	_ =	swait.ge [sflag:s13], $0x1400  }
0x16: {  	[sflag:s13] =	ssyncset.done $0x0  }
0x17: {  	[sflag:s13] =	ssyncadd.s32 $0xFFFFEC00  }
0x18: {  	[tilespmem:s14], [sflag:$0x3] =	stream.linear.gather [hbm4b:s8+s3], $0x1400, $0x38;
	[tilespmem:$0x1E808] =	vst v63  }
0x19: {  	p2 =	sle.u32 s9, $0x0;
	_ =	swait.ge [sflag:s13], $0x1400  }
0x1a: {  	s18 =	simm.s32 $0x400;
	s20 =	simm.s32 $0x800;
	[sflag:s13] =	ssyncset.done $0x0  }
0x1b: {  	s28 =	simm.s32 $0x2;
	p1 =	sle.u32 @!p2 s9, $0x1;
	[sflag:s13] =	ssyncadd.s32 $0xFFFFEC00  }
0x1c: {  	s19 =	simm.s32 @!p2 $0x1;
	p0 =	por !p1, p2;
	[bflag:$0x0] =	sbarrier.arrive $0xFFFF  }
0x1d: {  	[tilespmem:s16], [sflag:$0x1] =	stream.indirect.gather [hbm4b:s4+s15], $0x80, s3, s15, $0xb8;
	[tilespmem:$0x1E808] =	vst v63  }
0x1e: {  	p3 =	por p1, p2;
	s21 =	simm.s32 @!p0 $0x1400;
	_ =	swait.ge @!p2 [sflag:s19], $0x4000  }
0x1f: {  	s22 =	simm.s32 @!p3 $0x80;
	s25 =	simm.s32 @!p3 $0x1400;
	[sflag:s19] =	ssyncset.done @!p2 $0x0  }
0x20: {  	s23 =	simm.s32 @!p0 $0x2800;
	[sflag:s19] =	ssyncadd.s32 @!p2 $0xFFFFC000;
	s19 =	simm.s32 @!p0 $0x80  }
0x21: {  	[spmem:s2] =	stream.indirect.scatter.add.f32 @!p0 [tilespmem:s23], [sflag:$0x4], $0x80, s21, s19, $0xb8;
	[tilespmem:$0x1E808] =	vst v63  }
0x22: {  	p4 =	sle.u32 @!p3 s9, $0x2;
	s24 =	simm.s32 @!p3 $0x6800;
	s23 =	simm.s32 @!p3 $0x80  }
0x23: {  	[tilespmem:s24], [sflag:$0x2] =	stream.indirect.gather @!p3 [hbm4b:s4+s23], $0x80, s22, s23, $0xb8;
	[tilespmem:$0x1E808] =	vst v63  }
0x24: {  	s26 =	simm.s32 @!p3 $0x4;
	p1 =	por @!p2 p4, p1;
	s19 =	simm.s32 @!p3 $0x2800  }
0x25: {  	[spmem:s2] =	stream.indirect.scatter.add.f32 @!p3 [tilespmem:s19], [sflag:$0x4], $0x80, s25, s23, $0xb8;
	[tilespmem:$0x1E808] =	vst v63  }
0x26: {  	p5 =	por p3, p3;
	p1 =	por p1, p2;
	_ =	swait.ge @!p3 [sflag:s26], $0x4000  }
0x27: {  	p2 =	por p2, p2;
	s21 =	simm.s32 @!p0 $0x4;
	[sflag:s26] =	ssyncset.done @!p3 $0x0  }
0x28: {  	s22 =	simm.s32 @!p3 $0x1480;
	[sflag:s26] =	ssyncadd.s32 @!p5 $0xFFFFC000;
	s26 =	simm.s32 @!p5 $0x2  }
0x29: {  	s25 =	simm.s32 @!p1 $0x100;
	s19 =	simm.s32 $0x4;
	_ =	swait.ge @!p5 [sflag:s26], $0x4000  }
.LBB2_2:
0x2a: {  	s29 =	sadd.s32 $0xFFFFFFFF, s19;
	p3 =	sge.u32 s28, s9  }
0x2b: {  	s28 =	smov.u32 s20;
	s20 =	sadd.s32 $0x400, s20;
	s30 =	simm.s32 @!p1 $0x80  }
0x2c: {  	s31 =	simm.s32 @!p1 $0x2800;
	[sflag:s26] =	ssyncset.done @!p5 $0x0;
	p6 =	sge.u32 @!p3 s29, s9  }
0x2d: {  	s1 =	simm.s32 @!p3 $0x1;
	[sflag:s26] =	ssyncadd.s32 @!p5 $0xFFFFC000;
	p4 =	por p6, p3  }
0x2e: {  	[tilespmem:s31], [sflag:$0x1] =	stream.indirect.gather @!p1 [hbm4b:s4+s30], $0x80, s25, s30, $0xb8;
	[tilespmem:$0x1E808] =	vst v63  }
0x2f: {  	s21 =	simm.s32 @p0 $0x3;
	p0 =	por !p6, p3;
	p1 =	sge.u32 @!p4 s19, s9  }
0x30: {  	[spmem:s2] =	stream.indirect.scatter.add.f32 @!p5 [tilespmem:s24], [sflag:$0x3], $0x80, s22, s23, $0xb8;
	[tilespmem:$0x1E808] =	vst v63  }
0x31: {  	s22 =	sshra.s32 @!p0 s18, $0x2;
	s23 =	sshra.s32 @!p4 s18, $0x2;
	_ =	swait.ge @!p2 [sflag:s21], $0x4000  }
0x32: {  	s24 =	sadd.s32 @!p0 $0x1400, s22;
	s25 =	sadd.s32 @!p4 $0x80, s23;
	[sflag:s21] =	ssyncset.done @!p2 $0x0  }
0x33: {  	s29 =	simm.s32 @!p4 $0x4;
	s26 =	sadd.s32 @!p4 $0x1400, s23;
	[sflag:s21] =	ssyncadd.s32 @!p2 $0xFFFFC000  }
0x34: {  	p1 =	por @!p3 p1, p6;
	s22 =	sadd.s32 @!p4 $0x1480, s23;
	_ =	swait.ge @!p3 [sflag:s1], $0x4000  }
0x35: {  	p1 =	por p1, p3;
	s21 =	simm.s32 @!p0 $0x4;
	[sflag:s1] =	ssyncset.done @!p3 $0x0  }
0x36: {  	s23 =	simm.s32 @!p0 $0x2800;
	[sflag:s1] =	ssyncadd.s32 @!p3 $0xFFFFC000;
	s1 =	simm.s32 @!p0 $0x80  }
0x37: {  	[spmem:s2] =	stream.indirect.scatter.add.f32 @!p0 [tilespmem:s23], [sflag:$0x4], $0x80, s24, s1, $0xb8;
	[tilespmem:$0x1E808] =	vst v63  }
0x38: {  	s23 =	simm.s32 @!p4 $0x80;
	s24 =	simm.s32 @!p4 $0x6800;
	s1 =	sshra.s32 @!p1 s18, $0x2  }
0x39: {  	[tilespmem:s24], [sflag:$0x2] =	stream.indirect.gather @!p4 [hbm4b:s4+s23], $0x80, s25, s23, $0xb8;
	[tilespmem:$0x1E808] =	vst v63  }
0x3a: {  	p6 =	sne.s32 s20, $0x5000;
	s18 =	simm.s32 @!p4 $0x2800;
	s25 =	sadd.s32 @!p1 $0x100, s1  }
0x3b: {  	[spmem:s2] =	stream.indirect.scatter.add.f32 @!p4 [tilespmem:s18], [sflag:$0x4], $0x80, s26, s23, $0xb8;
	[tilespmem:$0x1E808] =	vst v63  }
.Ltmp0:
0x3c: {  	_ = 	snop;
	(pc) =	sbr.rel @p6 .LBB2_2-.Ltmp0, $4  }
0x3d: {  	s18 =	smov.u32 s28;
	_ =	swait.ge @!p4 [sflag:s29], $0x4000  }
0x3e: {  	p5 =	por p4, p4;
	p2 =	por p3, p3;
	[sflag:s29] =	ssyncset.done @!p4 $0x0  }
0x3f: {  	s19 =	sadd.s32 $0x2, s19;
	s26 =	simm.s32 @!p5 $0x2;
	[sflag:s29] =	ssyncadd.s32 @!p5 $0xFFFFC000  }
0x40: {  	s28 =	sadd.s32 $0xFFFFFFFE, s19;
	_ =	swait.ge @!p5 [sflag:s26], $0x4000  }
0x41: {  	[sflag:s26] =	ssyncset.done @!p5 $0x0  }
0x42: {  	s1 =	simm.s32 @!p1 $0x80;
	s20 =	simm.s32 @!p1 $0x2800;
	[sflag:s26] =	ssyncadd.s32 @!p5 $0xFFFFC000  }
0x43: {  	[tilespmem:s20], [sflag:$0x1] =	stream.indirect.gather @!p1 [hbm4b:s4+s1], $0x80, s25, s1, $0xb8;
	[tilespmem:$0x1E808] =	vst v63  }
0x44: {  	s21 =	simm.s32 @p0 $0x3  }
0x45: {  	[spmem:s2] =	stream.indirect.scatter.add.f32 @!p5 [tilespmem:s24], [sflag:$0x3], $0x80, s22, s23, $0xb8;
	[tilespmem:$0x1E808] =	vst v63  }
0x46: {  	p0 =	sge.u32 s28, s9;
	s1 =	sadd.s32 $0xFFFFFFFF, s19;
	_ =	swait.ge @!p2 [sflag:s21], $0x4000  }
0x47: {  	p3 =	sge.u32 @!p0 s1, s9;
	[sflag:s21] =	ssyncset.done @!p2 $0x0  }
0x48: {  	s1 =	simm.s32 @!p0 $0x1;
	p1 =	por !p3, p0;
	[sflag:s21] =	ssyncadd.s32 @!p2 $0xFFFFC000  }
0x49: {  	s20 =	sshra.s32 @!p1 s18, $0x2;
	s22 =	simm.s32 @!p1 $0x2800;
	_ =	swait.ge @!p0 [sflag:s1], $0x4000  }
0x4a: {  	s20 =	sadd.s32 @!p1 $0x1400, s20;
	p2 =	por p3, p0;
	[sflag:s1] =	ssyncset.done @!p0 $0x0  }
0x4b: {  	s21 =	sshra.s32 @!p2 s18, $0x2;
	[sflag:s1] =	ssyncadd.s32 @!p0 $0xFFFFC000;
	s1 =	simm.s32 @!p1 $0x80  }
0x4c: {  	[spmem:s2] =	stream.indirect.scatter.add.f32 @!p1 [tilespmem:s22], [sflag:$0x4], $0x80, s20, s1, $0xb8;
	[tilespmem:$0x1E808] =	vst v63  }
0x4d: {  	s1 =	sadd.s32 @!p2 $0x80, s21;
	s20 =	simm.s32 @!p2 $0x80;
	s22 =	simm.s32 @!p2 $0x6800  }
0x4e: {  	[tilespmem:s22], [sflag:$0x2] =	stream.indirect.gather @!p2 [hbm4b:s4+s20], $0x80, s1, s20, $0xb8;
	[tilespmem:$0x1E808] =	vst v63  }
0x4f: {  	s23 =	simm.s32 @!p2 $0x2800;
	s24 =	simm.s32 @!p2 $0x4;
	s1 =	sadd.s32 @!p2 $0x1400, s21  }
0x50: {  	[spmem:s2] =	stream.indirect.scatter.add.f32 @!p2 [tilespmem:s23], [sflag:$0x4], $0x80, s1, s20, $0xb8;
	[tilespmem:$0x1E808] =	vst v63  }
0x51: {  	p4 =	sge.u32 @!p2 s19, s9;
	_ =	swait.ge @!p2 [sflag:s24], $0x4000  }
0x52: {  	p4 =	por @!p0 p4, p3;
	p3 =	por p2, p2;
	[sflag:s24] =	ssyncset.done @!p2 $0x0  }
0x53: {  	p4 =	por p4, p0;
	s1 =	simm.s32 @!p3 $0x2;
	[sflag:s24] =	ssyncadd.s32 @!p3 $0xFFFFC000  }
0x54: {  	s18 =	sshra.s32 @!p4 s18, $0x2;
	_ =	swait.ge @!p3 [sflag:s1], $0x4000  }
0x55: {  	s19 =	simm.s32 @!p1 $0x4;
	s18 =	sadd.s32 @!p4 $0x100, s18;
	[sflag:s1] =	ssyncset.done @!p3 $0x0  }
0x56: {  	s23 =	simm.s32 @!p4 $0x80;
	s24 =	simm.s32 @!p4 $0x2800;
	[sflag:s1] =	ssyncadd.s32 @!p3 $0xFFFFC000  }
0x57: {  	[tilespmem:s24], [sflag:$0x1] =	stream.indirect.gather @!p4 [hbm4b:s4+s23], $0x80, s18, s23, $0xb8;
	[tilespmem:$0x1E808] =	vst v63  }
0x58: {  	s19 =	simm.s32 @p1 $0x3;
	p0 =	por p0, p0;
	s1 =	sadd.s32 @!p2 $0x1480, s21  }
0x59: {  	[spmem:s2] =	stream.indirect.scatter.add.f32 @!p3 [tilespmem:s22], [sflag:$0x3], $0x80, s1, s20, $0xb8;
	[tilespmem:$0x1E808] =	vst v63  }
0x5a: {  	_ =	swait.ge @!p0 [sflag:s19], $0x4000  }
0x5b: {  	s17 =	sadd.s32 $0x1, s17;
	[sflag:s19] =	ssyncset.done @!p0 $0x0  }
0x5c: {  	[sflag:s19] =	ssyncadd.s32 @!p0 $0xFFFFC000;
	p0 =	sne.s32 s17, s11  }
.Ltmp1:
0x5d: {  	[bflag:$0x0] =	sbarrier.arrive $0xFFFF;
	(pc) =	sbr.rel @p0 .LBB2_1-.Ltmp1, $4  }
0x5e: {  	[hbm:s10], [sflag:s6] =	dma.local [spmem:s12], $0x2800  }
0x5f: {  	_ =	swait.ge [sflag:s13], $0x2800  }
0x60: {  	[sflag:s13] =	ssyncset.done $0x0  }
0x61: {  	[sflag:s13] =	ssyncadd.s32 $0xFFFFD800  }
0x62: {  	_ =	sfence.sel $0x180000  }
0x63: {  	[bflag:$0x0] =	sbarrier.arrive $0xFFFF  }
0x64: {  	_ =	strace $0x90000050  }
0x65: {  	[bflag:$0x2] =	sbarrier.arrive $0xFFFF  }
0x66: {  	p0 =	sne.s32 s0, $0x0;
	s0 =	rddreg [dreg:$0x3]  }
0x67: {  	s0 =	sadd.s32 @!p0 $0x100000, s0  }
0x68: {  	[sflag:s0] =	ssyncadd.tile.s32 @!p0 $0x1;
	_ =	shalt  }
.Lfunc_end2:
_tile_overlayer_lowered:
.L_overlay_start_2:
0x69: {  	(tag) =	ssettag $0x2  }
0x6a: {  	s0 =	rddreg [dreg:$0x0];
	s2 =	stileid.u32  }
0x6b: {  	s1 =	rddreg [dreg:$0x1];
	p0 =	sne.s32 s2, $0x0  }
0x6c: {  	s3 =	rddreg [dreg:$0x2];
	[bflag:$0x3] =	sbarrier.arrive $0xFFFF;
	s2 =	simm.s32 @!p0 $0x1C03  }
0x6d: {  	[timem:s3], [sflag:s2] =	dma.local @!p0 [hbm:s0], s1  }
0x6e: {  	s0 =	simm.s32 @!p0 $0x3  }
0x6f: {  	_ =	swait.ge @!p0 [sflag:s0], s1  }
0x70: {  	s1 =	ssub.s32 @!p0 $0x0, s1;
	[sflag:s0] =	ssyncset.done @!p0 $0x0  }
0x71: {  	[sflag:s0] =	ssyncadd.s32 @!p0 s1  }
0x72: {  	[bflag:$0x3] =	sbarrier.arrive $0xFFFF  }
0x73: {  	_ =	shalt  }

// kernel: kernel.23.cloned.1.call-start
scs
__scs_entry_jumppad:
0x0: {  	(pc) =	sbr.rel $0x88, $3  }
0x1: {  	(tag) =	ssettag $0x0;
	lr =	simm.s32 $0x1  }
0x2: {  	[smem:$0x3F95] =	sst lr;
	_ =	strace $0xD0000000  }
0x3: {  	_ = 	snop  }
0x4: {  	_ = 	snop  }
0x5: {  	_ = 	snop  }
0x6: {  	_ = 	snop  }
0x7: {  	_ = 	snop  }
__scs_overlays_trampoline_lowered:
0x8: {  	[smem:$0x3FA4] =	sst s0  }
0x9: {  	[smem:$0x3FA5] =	sst s1  }
0xa: {  	[smem:$0x3FA6] =	sst s2  }
0xb: {  	[smem:$0x3FA7] =	sst s3  }
0xc: {  	[smem:$0x3FA8] =	sst s4  }
0xd: {  	[smem:$0x3FA9] =	sst s5  }
0xe: {  	[smem:$0x3FAA] =	sst s6  }
0xf: {  	[smem:$0x3FAB] =	sst s7  }
0x10: {  	[smem:$0x3FAC] =	sst s8  }
0x11: {  	[smem:$0x3FAD] =	sst s9;
	s0 =	simm.s32 @!p0 $0x0  }
0x12: {  	s1 =	sld [smem:$0x3F93];
	s0 =	simm.s32 @p0 $0x1  }
0x13: {  	[smem:$0x3FAE] =	sst s0;
	s0 =	simm.s32 @!p1 $0x0  }
0x14: {  	s2 =	sld [smem:$0x3F92];
	s0 =	simm.s32 @p1 $0x1  }
0x15: {  	[smem:$0x3FAF] =	sst s0;
	s0 =	simm.s32 @!p2 $0x0  }
0x16: {  	s3 =	sld [smem:$0x3FDB];
	s0 =	simm.s32 @p2 $0x1  }
0x17: {  	s4 =	simm.s32 $0x1BF5;
	[smem:$0x3FB1] =	sst s0  }
0x18: {  	s0 =	sld [smem:$0x3F94];
	_ =	swait.ge [sflag:s4], $0x0  }
0x19: {  	s7 =	sld [smem:$0x3F95]  }
0x1a: {  	s8 =	sadd.s32 $0xFFFFE003, lr  }
0x1b: {  	s9 =	sadd.s32 $0xFFFFFEF7, lr;
	s5 =	simm.s32 $0xFFFFFFFF;
	p2 =	slt.u32 s8, $0xFFFFF086  }
0x1c: {  	p1 =	slt.u32 s9, $0xF7A;
	s5 =	simm.s32 @!p2 $0x0  }
0x1d: {  	s5 =	simm.s32 @p1 $0x1;
	p0 =	seq.s32 s7, s2  }
0x1e: {  	s7 =	smul.u32 @!p0 $0xF7A, s2;
	p2 =	seq.s32 @!p0 s5, $0x0  }
0x1f: {  	s9 =	smul.u32 $0xF7A, s1;
	s8 =	simm.s32 @!p0 $0x1BF5;
	p2 =	por !p2, p0  }
0x20: {  	[sflag:s8] =	ssyncset.s32 @!p0 $0xFFFFF086;
	s6 =	sadd.s32 @!p0 s3, s7;
	s7 =	simm.s32 @!p0 $0x108  }
0x21: {  	s3 =	sadd.s32 s3, s9;
	s6 =	sadd.s32 @!p0 $0x88, s6;
	s7 =	simm.s32 @p2 $0x1082  }
0x22: {  	[simem:s7], [sflag:s8] =	dma.local @!p0 [hbm:s6], $0xF7A  }
0x23: {  	s9 =	sor.u32 $0xD0000000, s2;
	s6 =	simm.s32 $0x108;
	_ =	swait.ge @!p0 [sflag:s8], $0x0  }
0x24: {  	s3 =	sadd.s32 $0x88, s3;
	s6 =	simm.s32 @!p1 $0x1082;
	[sflag:s4] =	ssyncset.s32 $0xFFFFF086  }
0x25: {  	[simem:s6], [sflag:s4] =	dma.local [hbm:s3], $0xF7A  }
0x26: {  	[smem:$0x3F95] =	sst s1;
	(tag) =	ssettag s2;
	_ =	strace s9  }
0x27: {  	s1 =	sld [smem:$0x3FA5]  }
0x28: {  	s2 =	sld [smem:$0x3FA6]  }
0x29: {  	s4 =	sld [smem:$0x3FA8]  }
0x2a: {  	p0 =	seq.s32 s5, $0x0;
	s5 =	sld [smem:$0x3FA9]  }
0x2b: {  	s6 =	sld [smem:$0x3FAA]  }
0x2c: {  	s7 =	sld [smem:$0x3FAB]  }
0x2d: {  	s3 =	simm.s32 $0x108;
	s8 =	sld [smem:$0x3FAC]  }
0x2e: {  	s3 =	simm.s32 @!p0 $0x1082;
	s9 =	sld [smem:$0x3FAD]  }
0x2f: {  	lr =	sadd.s32 s0, s3;
	s0 =	sld [smem:$0x3FA4]  }
0x30: {  	s3 =	sld [smem:$0x3FA7]  }
0x31: {  	[smem:$0x3FB0] =	sst s10  }
0x32: {  	s10 =	sld [smem:$0x3FAE];
	_ =	sdelay $0x3  }
0x33: {  	p0 =	seq.s32 s10, $0x1;
	s10 =	sld [smem:$0x3FB0];
	_ =	sdelay $0x3  }
0x34: {  	[smem:$0x3FB0] =	sst s10  }
0x35: {  	s10 =	sld [smem:$0x3FAF];
	_ =	sdelay $0x3  }
0x36: {  	p1 =	seq.s32 s10, $0x1;
	s10 =	sld [smem:$0x3FB0];
	_ =	sdelay $0x3  }
0x37: {  	[smem:$0x3FB0] =	sst s10  }
0x38: {  	s10 =	sld [smem:$0x3FB1]  }
0x39: {  	_ = 	snop;
	(pc) =	sbr.ind lr, $3  }
0x3a: {  	_ = 	snop  }
0x3b: {  	_ = 	snop  }
0x3c: {  	p2 =	seq.s32 s10, $0x1;
	s10 =	sld [smem:$0x3FB0]  }
0x3d: {  	_ =	shalt  }
0x3e: {  	_ =	shalt  }
0x3f: {  	_ =	shalt  }
0x40: {  	_ =	shalt  }
0x41: {  	_ =	shalt  }
0x42: {  	_ =	shalt  }
0x43: {  	_ =	shalt  }
0x44: {  	_ =	shalt  }
0x45: {  	_ =	shalt  }
0x46: {  	_ =	shalt  }
0x47: {  	_ =	shalt  }
0x48: {  	_ =	shalt  }
0x49: {  	_ =	shalt  }
0x4a: {  	_ =	shalt  }
0x4b: {  	_ =	shalt  }
0x4c: {  	_ =	shalt  }
0x4d: {  	_ =	shalt  }
0x4e: {  	_ =	shalt  }
0x4f: {  	_ =	shalt  }
0x50: {  	_ =	shalt  }
0x51: {  	_ =	shalt  }
0x52: {  	_ =	shalt  }
0x53: {  	_ =	shalt  }
0x54: {  	_ =	shalt  }
0x55: {  	_ =	shalt  }
0x56: {  	_ =	shalt  }
0x57: {  	_ =	shalt  }
0x58: {  	_ =	shalt  }
0x59: {  	_ =	shalt  }
0x5a: {  	_ =	shalt  }
0x5b: {  	_ =	shalt  }
0x5c: {  	_ =	shalt  }
0x5d: {  	_ =	shalt  }
0x5e: {  	_ =	shalt  }
0x5f: {  	_ =	shalt  }
0x60: {  	_ =	shalt  }
0x61: {  	_ =	shalt  }
0x62: {  	_ =	shalt  }
0x63: {  	_ =	shalt  }
0x64: {  	_ =	shalt  }
0x65: {  	_ =	shalt  }
0x66: {  	_ =	shalt  }
0x67: {  	_ =	shalt  }
0x68: {  	_ =	shalt  }
0x69: {  	_ =	shalt  }
0x6a: {  	_ =	shalt  }
0x6b: {  	_ =	shalt  }
0x6c: {  	_ =	shalt  }
0x6d: {  	_ =	shalt  }
0x6e: {  	_ =	shalt  }
0x6f: {  	_ =	shalt  }
0x70: {  	_ =	shalt  }
0x71: {  	_ =	shalt  }
0x72: {  	_ =	shalt  }
0x73: {  	_ =	shalt  }
0x74: {  	_ =	shalt  }
0x75: {  	_ =	shalt  }
0x76: {  	_ =	shalt  }
0x77: {  	_ =	shalt  }
0x78: {  	_ =	shalt  }
0x79: {  	_ =	shalt  }
0x7a: {  	_ =	shalt  }
0x7b: {  	_ =	shalt  }
0x7c: {  	_ =	shalt  }
0x7d: {  	_ =	shalt  }
0x7e: {  	_ =	shalt  }
0x7f: {  	_ =	shalt  }
0x80: {  	_ =	shalt  }
0x81: {  	_ =	shalt  }
0x82: {  	_ =	shalt  }
0x83: {  	_ =	shalt  }
0x84: {  	_ =	shalt  }
0x85: {  	_ =	shalt  }
0x86: {  	_ =	shalt  }
0x87: {  	_ =	shalt  }
.Lfunc_end0:
.L_simem_size_0:
called_computation.5_lowered:
.L_overlay_start_0:
0x88: {  	s2 =	sld [smem:$0x3FD9]  }
0x89: {  	s3 =	sld [smem:$0x3FFE];
	_ =	sdelay $0x1  }
0x8a: {  	s1 =	srdreg.scid  }
0x8b: {  	s0 =	sand.u32 $0x1, s1  }
0x8c: {  	s17 =	sshll.u32 s0, $0xA;
	s2 =	sadd.s32 s3, s2  }
0x8d: {  	s2 =	sadd.s32 s2, s17  }
0x8e: {  	[smem:$0x3FBC] =	sst s2  }
0x8f: {  	_ = 	snop  }
0x90: {  	s2 =	sld [smem:$0x3FD0];
	(tm) =	ssettm $0x1  }
0x91: {  	s18 =	sld [smem:$0x3FFB];
	_ =	sdelay $0x3  }
0x92: {  	_ =	strace s18  }
0x93: {  	s3 =	sld [smem:$0x3FFC];
	_ =	sdelay $0x3  }
0x94: {  	_ =	strace s3  }
0x95: {  	s3 =	sld [smem:$0x3FFD];
	_ =	sdelay $0x3  }
0x96: {  	_ =	strace s3  }
0x97: {  	_ =	strace $0x8FFFFFFF  }
0x98: {  	s19 =	sld [smem:$0x3FDB];
	_ =	sdelay $0x1  }
0x99: {  	s4 =	simm.s32 $_scs_section_size  }
0x9a: {  	s5 =	simm.s32 $_size__tile_overlayer_lowered;
	s6 =	simm.s32 $_tile_overlayer_lowered  }
0x9b: {  	s22 =	simm.s32 $0x1BFF;
	s21 =	sshll.u32 s6, $0x1;
	s3 =	sadd.s32 s4, s19  }
0x9c: {  	s7 =	simm.s32 $0x0;
	s20 =	sshll.u32 s5, $0x1;
	s5 =	sadd.s32 s21, s3  }
0x9d: {  	[timem:s7], [sflag:s22] =	dma.local [hbm:s5], s20  }
0x9e: {  	_ =	swait.ge [sflag:s22], s20  }
0x9f: {  	s4 =	ssub.s32 $0x0, s20;
	[sflag:s22] =	ssyncset.done $0x0  }
0xa0: {  	[sflag:s22] =	ssyncadd.s32 s4;
	_ =	sdelay $0x1  }
0xa1: {  	s23 =	simm.s32 $0x1B8B  }
0xa2: {  	_ =	swait.ge [sflag:s23], $0x1  }
0xa3: {  	[sflag:s23] =	ssyncset.done $0x0  }
0xa4: {  	s25 =	simm.s32 $0x1B8E;
	s24 =	sld [smem:$0x3FFE];
	[sflag:s23] =	ssyncadd.s32 $0xFFFFFFFF  }
0xa5: {  	s26 =	simm.s32 $execute0_lowered;
	[smem:$0x3FD2] =	sst s25  }
0xa6: {  	s5 =	sshll.u32 s26, $0x1;
	_ =	strace $0x80000052;
	[dreg:$0x1] =	wrdreg $0xFFFFFFFF  }
0xa7: {  	s28 =	simm.s32 $_size_execute0_lowered;
	s3 =	sadd.s32 s3, s5;
	[dreg:$0x0] =	wrdreg $0x0  }
0xa8: {  	s5 =	sshll.u32 s28, $0x1;
	[dreg:$0x2] =	wrdreg s3  }
0xa9: {  	[dreg:$0x3] =	wrdreg s5  }
0xaa: {  	[dreg:$0x4] =	wrdreg $0xC0  }
0xab: {  	_ =	task [dreg:s7], $0x5FFFF  }
0xac: {  	[dreg:$0x1] =	wrdreg $0xFFFFFFFF  }
0xad: {  	[dreg:$0x0] =	wrdreg $0x60  }
0xae: {  	[dreg:$0x2] =	wrdreg s2  }
0xaf: {  	[dreg:$0x3] =	wrdreg s24  }
0xb0: {  	[dreg:$0x4] =	wrdreg $0x9  }
0xb1: {  	_ =	task.clear_ibuf [dreg:s7], $0x5FFFF;
	_ =	strace $0x90000052  }
0xb2: {  	s29 =	simm.s32 $0x9;
	_ =	strace $0x80000054  }
0xb3: {  	_ =	swait.ge [sflag:s29], $0x1  }
0xb4: {  	[sflag:s29] =	ssyncadd.s32 $0xFFFFFFFF  }
0xb5: {  	_ =	strace $0x90000054  }
0xb6: {  	_ =	sfence  }
0xb7: {  	s30 =	sld [smem:$0x0];
	_ =	sdelay $0x2  }
0xb8: {  	s31 =	sshll.u32 s1, $0xD;
	s1 =	sshrl.u32 s1, $0x2  }
0xb9: {  	s3 =	sand.u32 $0x4000, s31;
	s1 =	sadd.s32 s1, s30  }
0xba: {  	s0 =	sor.u32 s3, s0;
	s1 =	sshll.u32 s1, $0x11  }
0xbb: {  	s0 =	sor.u32 s1, s0  }
0xbc: {  	s0 =	sadd.s32 $0x8F2B, s0  }
0xbd: {  	[sflag:s0] =	ssyncadd.remote.s32 $0x1  }
0xbe: {  	_ =	sfence.sel $0xFFFF  }
0xbf: {  	[dreg:$0x0] =	wrdreg $0xFFFFFFFF;
	(pc) =	sbr.abs _section_cstart, $3  }
0xc0: {  	[dreg:$0x1] =	wrdreg $0xFFFFFFFF  }
0xc1: {  	_ =	task.clear_ibuf [dreg:s7], $0x2FFFF;
	_ =	strace $0x9FFFFFFF  }
0xc2: {  	(tm) =	ssettm $0x7FFFFFFF  }
0xc3: {  	_ =	shalt  }
tec
execute0_lowered:
.L_overlay_start_1:
0x0: {  	(tag) =	ssettag $0x1  }
0x1: {  	s2 =	rddreg [dreg:$0x0]  }
0x2: {  	s0 =	srdreg.scid;
	s1 =	stileid.u32  }
0x3: {  	s4 =	rddreg [dreg:$0x1];
	s5 =	sand.u32 $0x1, s0;
	s7 =	smul.u32 $0x28, s1  }
0x4: {  	s3 =	simm.s32 $0x0;
	s0 =	rddreg [dreg:$0x2];
	s6 =	smul.u32 $0x280, s5  }
0x5: {  	s11 =	simm.s32 $0x0;
	[smem:$0x7FF] =	sst s3;
	s8 =	smul.u32 $0x140000, s5  }
0x6: {  	s10 =	smul.u32 $0x14000, s1;
	_ =	strace $0x80000053;
	s5 =	ssub.s32 $0x2, s5  }
0x7: {  	s9 =	sshrl.u32 s5, $0x1;
	s6 =	sadd.s32 s7, s6;
	s8 =	sadd.s32 s8, s4  }
0x8: {  	s9 =	ssub.s32 s5, s9;
	s7 =	sshll.u32 s6, $0x4;
	s30 =	ssub.s32 $0x4E2, s6  }
0x9: {  	s31 =	sadd.s32 s10, s8;
	s6 =	smax.u32 s9, $0x1;
	s8 =	simm.s32 $0x3  }
0xa: {  	s9 =	simm.s32 $0x80;
	s10 =	simm.s32 $0x1400;
	s7 =	sadd.s32 s7, s4  }
0xb: {  	s5 =	smin.u32 s30, $0x28;
	s4 =	sadd.s32 $0x9000, s7;
	s7 =	sadd.s32 $0xE000, s31  }
.LBB2_1:
0xc: {  	[tilespmem:s3], [sflag:$0x3] =	stream.linear.gather [hbm4b:s4+s3], $0x1400, $0x38;
	[tilespmem:$0x9400] =	vst v63  }
0xd: {  	_ =	swait.ge [sflag:s8], $0x1400  }
0xe: {  	p1 =	sle.u32 s5, $0x0;
	[sflag:s8] =	ssyncset.done $0x0  }
0xf: {  	s12 =	simm.s32 @!p1 $0x1;
	p2 =	sle.u32 @!p1 s5, $0x1;
	[sflag:s8] =	ssyncadd.s32 $0xFFFFEC00  }
0x10: {  	[tilespmem:s10], [sflag:$0x1] =	stream.indirect.gather [hbm4b:s2+s9], $0x80, s3, s9, $0xb8;
	[tilespmem:$0x9400] =	vst v63  }
0x11: {  	p0 =	por p2, p1;
	_ =	swait.ge @!p1 [sflag:s12], $0x4000  }
0x12: {  	s13 =	simm.s32 @!p0 $0x80;
	[sflag:s12] =	ssyncset.done @!p1 $0x0  }
0x13: {  	s14 =	simm.s32 @!p0 $0x80;
	[sflag:s12] =	ssyncadd.s32 @!p1 $0xFFFFC000;
	s12 =	simm.s32 @!p0 $0x5400  }
0x14: {  	[tilespmem:s12], [sflag:$0x2] =	stream.indirect.gather @!p0 [hbm4b:s2+s14], $0x80, s13, s14, $0xb8;
	[tilespmem:$0x9400] =	vst v63  }
0x15: {  	s15 =	simm.s32 @!p1 $0x4;
	s13 =	simm.s32 @!p1 $0x1400;
	s14 =	simm.s32 @!p1 $0x0  }
0x16: {  	[hbm4b:s7+s14] =	stream.linear.scatter @!p1 [tilespmem:s13], [sflag:$0x4], $0x4000, $0x38;
	[tilespmem:$0x9400] =	vst v63  }
0x17: {  	_ =	swait.ge @!p1 [sflag:s15], $0x4000  }
0x18: {  	[sflag:s15] =	ssyncset.done @!p1 $0x0  }
0x19: {  	p3 =	sle.u32 @!p0 s5, $0x2;
	s13 =	simm.s32 @!p0 $0x2;
	[sflag:s15] =	ssyncadd.s32 @!p1 $0xFFFFC000  }
0x1a: {  	p2 =	por @!p1 p3, p2;
	s14 =	simm.s32 $0x4;
	_ =	swait.ge @!p0 [sflag:s13], $0x4000  }
0x1b: {  	s15 =	simm.s32 $0x100;
	p1 =	por p2, p1;
	[sflag:s13] =	ssyncset.done @!p0 $0x0  }
0x1c: {  	s16 =	simm.s32 @!p1 $0x80;
	s17 =	simm.s32 @!p1 $0x1400;
	[sflag:s13] =	ssyncadd.s32 @!p0 $0xFFFFC000  }
0x1d: {  	[tilespmem:s17], [sflag:$0x1] =	stream.indirect.gather @!p1 [hbm4b:s2+s16], $0x80, s15, s16, $0xb8;
	[tilespmem:$0x9400] =	vst v63  }
0x1e: {  	s13 =	simm.s32 @!p0 $0x0;
	s16 =	simm.s32 $0x3;
	s15 =	sadd.s32 @!p0 $0x800, s7  }
0x1f: {  	[hbm4b:s15+s13] =	stream.linear.scatter @!p0 [tilespmem:s12], [sflag:$0x3], $0x4000, $0x38;
	[tilespmem:$0x9400] =	vst v63  }
0x20: {  	s17 =	simm.s32 @!p0 $0x3;
	p1 =	sle.u32 s5, $0x2;
	s15 =	simm.s32 $0x6  }
0x21: {  	s12 =	simm.s32 $0x200;
	s13 =	sadd.s32 $0x1000, s7;
	_ =	swait.ge @!p0 [sflag:s17], $0x4000  }
.LBB2_2:
0x22: {  	s18 =	sadd.s32 $0xFFFFFFFF, s15  }
0x23: {  	s19 =	simm.s32 @!p1 $0x1;
	[sflag:s17] =	ssyncset.done @!p0 $0x0;
	s20 =	smov.u32 s15  }
0x24: {  	s15 =	sadd.s32 $0x2, s15;
	p3 =	sge.u32 @!p1 s16, s5;
	[sflag:s17] =	ssyncadd.s32 @!p0 $0xFFFFC000  }
0x25: {  	s16 =	simm.s32 @!p1 $0x1400;
	p0 =	por p3, p1;
	_ =	swait.ge @!p1 [sflag:s19], $0x4000  }
0x26: {  	s17 =	sadd.s32 @!p0 $0xFFFFFF80, s12;
	s21 =	simm.s32 @!p0 $0x80;
	[sflag:s19] =	ssyncset.done @!p1 $0x0  }
0x27: {  	s22 =	simm.s32 @!p1 $0x0;
	[sflag:s19] =	ssyncadd.s32 @!p1 $0xFFFFC000;
	s19 =	simm.s32 @!p0 $0x5400  }
0x28: {  	[tilespmem:s19], [sflag:$0x2] =	stream.indirect.gather @!p0 [hbm4b:s2+s21], $0x80, s17, s21, $0xb8;
	[tilespmem:$0x9400] =	vst v63  }
0x29: {  	p2 =	sne.s32 s15, $0x2A;
	p4 =	sge.u32 @!p0 s14, s5;
	s17 =	simm.s32 @!p1 $0x4  }
0x2a: {  	[hbm4b:s13+s22] =	stream.linear.scatter @!p1 [tilespmem:s16], [sflag:$0x4], $0x4000, $0x38;
	[tilespmem:$0x9400] =	vst v63  }
0x2b: {  	p3 =	por @!p1 p4, p3;
	s16 =	smov.u32 s18;
	_ =	swait.ge @!p1 [sflag:s17], $0x4000  }
0x2c: {  	p3 =	por p3, p1;
	s18 =	simm.s32 @!p0 $0x2;
	[sflag:s17] =	ssyncset.done @!p1 $0x0  }
0x2d: {  	s14 =	smov.u32 s20;
	[sflag:s17] =	ssyncadd.s32 @!p1 $0xFFFFC000  }
0x2e: {  	s20 =	simm.s32 @!p0 $0x0;
	_ =	swait.ge @!p0 [sflag:s18], $0x4000  }
0x2f: {  	s21 =	simm.s32 @!p3 $0x1400;
	s17 =	simm.s32 @!p3 $0x80;
	[sflag:s18] =	ssyncset.done @!p0 $0x0  }
.Ltmp0:
0x30: {  	[sflag:s18] =	ssyncadd.s32 @!p0 $0xFFFFC000;
	s18 =	sadd.s32 @!p0 $0x800, s13;
	(pc) =	sbr.rel @p2 .LBB2_2-.Ltmp0, $4  }
0x31: {  	[tilespmem:s21], [sflag:$0x1] =	stream.indirect.gather @!p3 [hbm4b:s2+s17], $0x80, s12, s17, $0xb8;
	[tilespmem:$0x9400] =	vst v63  }
0x32: {  	s21 =	sadd.s32 $0xFFFFFFFE, s14;
	s17 =	simm.s32 @!p0 $0x3;
	s12 =	sadd.s32 $0x100, s12  }
0x33: {  	[hbm4b:s18+s20] =	stream.linear.scatter @!p0 [tilespmem:s19], [sflag:$0x3], $0x4000, $0x38;
	[tilespmem:$0x9400] =	vst v63  }
0x34: {  	s13 =	sadd.s32 $0x1000, s13;
	p1 =	sge.u32 s21, s5;
	_ =	swait.ge @!p0 [sflag:s17], $0x4000  }
0x35: {  	[sflag:s17] =	ssyncset.done @!p0 $0x0  }
0x36: {  	s15 =	simm.s32 @!p1 $0x1;
	p2 =	sge.u32 @!p1 s16, s5;
	[sflag:s17] =	ssyncadd.s32 @!p0 $0xFFFFC000  }
0x37: {  	p0 =	por p2, p1;
	_ =	swait.ge @!p1 [sflag:s15], $0x4000  }
0x38: {  	s16 =	sadd.s32 @!p0 $0xFFFFFF80, s12;
	[sflag:s15] =	ssyncset.done @!p1 $0x0  }
0x39: {  	s17 =	simm.s32 @!p0 $0x80;
	[sflag:s15] =	ssyncadd.s32 @!p1 $0xFFFFC000;
	s15 =	simm.s32 @!p0 $0x5400  }
0x3a: {  	[tilespmem:s15], [sflag:$0x2] =	stream.indirect.gather @!p0 [hbm4b:s2+s17], $0x80, s16, s17, $0xb8;
	[tilespmem:$0x9400] =	vst v63  }
0x3b: {  	s18 =	simm.s32 @!p1 $0x4;
	s16 =	simm.s32 @!p1 $0x1400;
	s17 =	simm.s32 @!p1 $0x0  }
0x3c: {  	[hbm4b:s13+s17] =	stream.linear.scatter @!p1 [tilespmem:s16], [sflag:$0x4], $0x4000, $0x38;
	[tilespmem:$0x9400] =	vst v63  }
0x3d: {  	_ =	swait.ge @!p1 [sflag:s18], $0x4000  }
0x3e: {  	[sflag:s18] =	ssyncset.done @!p1 $0x0  }
0x3f: {  	p3 =	sge.u32 @!p0 s14, s5;
	s14 =	simm.s32 @!p0 $0x2;
	[sflag:s18] =	ssyncadd.s32 @!p1 $0xFFFFC000  }
0x40: {  	p2 =	por @!p1 p3, p2;
	_ =	swait.ge @!p0 [sflag:s14], $0x4000  }
0x41: {  	s11 =	sadd.s32 $0x1, s11;
	p1 =	por p2, p1;
	[sflag:s14] =	ssyncset.done @!p0 $0x0  }
0x42: {  	s16 =	simm.s32 @!p1 $0x80;
	s17 =	simm.s32 @!p1 $0x1400;
	[sflag:s14] =	ssyncadd.s32 @!p0 $0xFFFFC000  }
0x43: {  	[tilespmem:s17], [sflag:$0x1] =	stream.indirect.gather @!p1 [hbm4b:s2+s16], $0x80, s12, s16, $0xb8;
	[tilespmem:$0x9400] =	vst v63  }
0x44: {  	s13 =	sadd.s32 @!p0 $0x800, s13;
	p1 =	sne.s32 s11, s6  }
.Ltmp1:
0x45: {  	s14 =	simm.s32 @!p0 $0x3;
	s12 =	simm.s32 @!p0 $0x0;
	(pc) =	sbr.rel @p1 .LBB2_1-.Ltmp1, $4  }
0x46: {  	[hbm4b:s13+s12] =	stream.linear.scatter @!p0 [tilespmem:s15], [sflag:$0x3], $0x4000, $0x38;
	[tilespmem:$0x9400] =	vst v63  }
0x47: {  	_ =	swait.ge @!p0 [sflag:s14], $0x4000  }
0x48: {  	[sflag:s14] =	ssyncset.done @!p0 $0x0  }
0x49: {  	[sflag:s14] =	ssyncadd.s32 @!p0 $0xFFFFC000  }
0x4a: {  	_ =	sfence.sel $0x180000  }
0x4b: {  	[bflag:$0x0] =	sbarrier.arrive $0xFFFF  }
0x4c: {  	p0 =	sne.s32 s1, $0x0;
	_ =	strace $0x90000053  }
0x4d: {  	s0 =	sadd.s32 @!p0 $0x100000, s0;
	[bflag:$0x2] =	sbarrier.arrive $0xFFFF  }
0x4e: {  	[sflag:s0] =	ssyncadd.tile.s32 @!p0 $0x1;
	_ =	shalt  }
.Lfunc_end2:
_tile_overlayer_lowered:
.L_overlay_start_2:
0x4f: {  	(tag) =	ssettag $0x2  }
0x50: {  	s0 =	rddreg [dreg:$0x0];
	s2 =	stileid.u32  }
0x51: {  	s1 =	rddreg [dreg:$0x1];
	p0 =	sne.s32 s2, $0x0  }
0x52: {  	s3 =	rddreg [dreg:$0x2];
	[bflag:$0x3] =	sbarrier.arrive $0xFFFF;
	s2 =	simm.s32 @!p0 $0x1C03  }
0x53: {  	[timem:s3], [sflag:s2] =	dma.local @!p0 [hbm:s0], s1  }
0x54: {  	s0 =	simm.s32 @!p0 $0x3  }
0x55: {  	_ =	swait.ge @!p0 [sflag:s0], s1  }
0x56: {  	s1 =	ssub.s32 @!p0 $0x0, s1;
	[sflag:s0] =	ssyncset.done @!p0 $0x0  }
0x57: {  	[sflag:s0] =	ssyncadd.s32 @!p0 s1  }
0x58: {  	[bflag:$0x3] =	sbarrier.arrive $0xFFFF  }
0x59: {  	_ =	shalt  }

// kernel: sparse-core-data-format-call.cloned.1.call-start
scs
called_computation_lowered:
.L_overlay_start_0:
0x0: {  	s2 =	sld [smem:$0x3FD9]  }
0x1: {  	s3 =	sld [smem:$0x3FFE];
	_ =	sdelay $0x1  }
0x2: {  	s1 =	srdreg.scid  }
0x3: {  	s0 =	sand.u32 $0x1, s1  }
0x4: {  	s18 =	sshll.u32 s0, $0xA;
	s2 =	sadd.s32 s3, s2  }
0x5: {  	s2 =	sadd.s32 s2, s18  }
0x6: {  	[smem:$0x3FBC] =	sst s2  }
0x7: {  	_ = 	snop  }
0x8: {  	s2 =	sld [smem:$0x3FD0];
	(tm) =	ssettm $0x1  }
0x9: {  	s19 =	sld [smem:$0x3FFB];
	_ =	sdelay $0x3  }
0xa: {  	_ =	strace s19  }
0xb: {  	s3 =	sld [smem:$0x3FFC];
	_ =	sdelay $0x3  }
0xc: {  	_ =	strace s3  }
0xd: {  	s3 =	sld [smem:$0x3FFD];
	_ =	sdelay $0x3  }
0xe: {  	_ =	strace s3  }
0xf: {  	_ =	strace $0x8FFFFFFF  }
0x10: {  	s20 =	sld [smem:$0x3FDB];
	_ =	sdelay $0x1  }
0x11: {  	s4 =	simm.s32 $_scs_section_size  }
0x12: {  	s5 =	simm.s32 $_size__tile_overlayer_lowered;
	s6 =	simm.s32 $_tile_overlayer_lowered  }
0x13: {  	s23 =	simm.s32 $0x1BFF;
	s22 =	sshll.u32 s6, $0x1;
	s3 =	sadd.s32 s4, s20  }
0x14: {  	s7 =	simm.s32 $0x0;
	s21 =	sshll.u32 s5, $0x1;
	s5 =	sadd.s32 s22, s3  }
0x15: {  	[timem:s7], [sflag:s23] =	dma.local [hbm:s5], s21  }
0x16: {  	_ =	swait.ge [sflag:s23], s21  }
0x17: {  	s4 =	ssub.s32 $0x0, s21;
	[sflag:s23] =	ssyncset.done $0x0  }
0x18: {  	[sflag:s23] =	ssyncadd.s32 s4;
	_ =	sdelay $0x1  }
0x19: {  	s24 =	simm.s32 $0x1B8B  }
0x1a: {  	_ =	swait.ge [sflag:s24], $0x1  }
0x1b: {  	[sflag:s24] =	ssyncset.done $0x0  }
0x1c: {  	s26 =	simm.s32 $0x1B8E;
	s25 =	sld [smem:$0x3FFE];
	[sflag:s24] =	ssyncadd.s32 $0xFFFFFFFF  }
0x1d: {  	s27 =	simm.s32 $execute0_lowered;
	[smem:$0x3FD2] =	sst s26  }
0x1e: {  	s5 =	sshll.u32 s27, $0x1;
	_ =	strace $0x80000055;
	[dreg:$0x1] =	wrdreg $0xFFFFFFFF  }
0x1f: {  	s28 =	simm.s32 $_size_execute0_lowered;
	s3 =	sadd.s32 s3, s5;
	[dreg:$0x0] =	wrdreg $0x0  }
0x20: {  	s5 =	sshll.u32 s28, $0x1;
	[dreg:$0x2] =	wrdreg s3  }
0x21: {  	[dreg:$0x3] =	wrdreg s5  }
0x22: {  	[dreg:$0x4] =	wrdreg $0xC0  }
0x23: {  	_ =	task [dreg:s7], $0x5FFFF  }
0x24: {  	[dreg:$0x1] =	wrdreg $0xFFFFFFFF  }
0x25: {  	[dreg:$0x0] =	wrdreg $0x60  }
0x26: {  	[dreg:$0x2] =	wrdreg s25  }
0x27: {  	[dreg:$0x3] =	wrdreg s2  }
0x28: {  	[dreg:$0x4] =	wrdreg $0x9  }
0x29: {  	_ =	task.clear_ibuf [dreg:s7], $0x5FFFF;
	_ =	strace $0x90000055  }
0x2a: {  	s29 =	simm.s32 $0x9;
	_ =	strace $0x80000057  }
0x2b: {  	_ =	swait.ge [sflag:s29], $0x1  }
0x2c: {  	[sflag:s29] =	ssyncadd.s32 $0xFFFFFFFF  }
0x2d: {  	_ =	strace $0x90000057  }
0x2e: {  	_ =	sfence  }
0x2f: {  	s30 =	sld [smem:$0x0];
	_ =	sdelay $0x2  }
0x30: {  	s31 =	sshll.u32 s1, $0xD;
	s1 =	sshrl.u32 s1, $0x2  }
0x31: {  	s3 =	sand.u32 $0x4000, s31;
	s1 =	sadd.s32 s1, s30  }
0x32: {  	s0 =	sor.u32 s3, s0;
	s1 =	sshll.u32 s1, $0x11  }
0x33: {  	s0 =	sor.u32 s1, s0  }
0x34: {  	s0 =	sadd.s32 $0x8F2B, s0  }
0x35: {  	[sflag:s0] =	ssyncadd.remote.s32 $0x1  }
0x36: {  	_ =	sfence.sel $0xFFFF  }
0x37: {  	[dreg:$0x0] =	wrdreg $0xFFFFFFFF;
	(pc) =	sbr.abs _section_cstart, $3  }
0x38: {  	[dreg:$0x1] =	wrdreg $0xFFFFFFFF  }
0x39: {  	_ =	task.clear_ibuf [dreg:s7], $0x2FFFF;
	_ =	strace $0x9FFFFFFF  }
0x3a: {  	(tm) =	ssettm $0x7FFFFFFF  }
0x3b: {  	_ =	shalt  }
tec
execute0_lowered:
.L_overlay_start_1:
0x0: {  	(tag) =	ssettag $0x1  }
0x1: {  	s0 =	srdreg.scid  }
0x2: {  	s1 =	sshll.u32 s0, $0x4  }
0x3: {  	s4 =	rddreg [dreg:$0x0];
	s0 =	stileid.u32;
	s1 =	sand.u32 $0x10, s1  }
0x4: {  	s2 =	rddreg [dreg:$0x1];
	s7 =	simm.s32 $0x1;
	s1 =	sor.u32 s0, s1  }
0x5: {  	s8 =	simm.s32 $0x2;
	s11 =	simm.s32 $0x0;
	s3 =	sshll.u32 s1, $0x7  }
0x6: {  	s10 =	simm.s32 $0x0;
	s4 =	sadd.s32 $0xE000, s4;
	s6 =	ssub.s32 $0x27100, s3  }
.Ltmp0:
0x7: {  	s1 =	rddreg [dreg:$0x2];
	s5 =	sand.u32 $0xF80, s6;
	(pc) =	sbr.rel .LBB1_1-.Ltmp0, $4  }
0x8: {  	_ =	strace $0x80000056;
	s9 =	smov.u32 s3;
	p0 =	sne.s32 s5, $0x0  }
0x9: {  	s6 =	sshrl.u32 s6, $0xC;
	s5 =	simm.s32 $0x1;
	s7 =	simm.s32 @!p0 $0x0  }
0xa: {  	[sflag:s5] =	ssyncpa.u1 $0x0;
	p0 =	por $0x0, $0x0;
	s6 =	sadd.s32 s7, s6  }
0xb: {  	[sflag:s8] =	ssyncpa.u1 $0x0;
	s8 =	simm.s32 $0x138800;
	s7 =	sadd.s32 $0x1, s6  }
.LBB1_4:
0xc: {  	s14 =	sshll.u32 s11, $0x3  }
0xd: {  	s30 =	sand.u32 $0x7F, s11;
	s14 =	sand.u32 $0xFFFFFC00, s14  }
0xe: {  	s11 =	sor.u32 s30, s14  }
0xf: {  	s15 =	smulhi.u32 $0xD1B71759, s11;
	_ =	sdelay $0x1  }
0x10: {  	s14 =	smulhi.u32 $0xD1B71759, s14;
	s15 =	sshrl.u32 s15, $0x11  }
0x11: {  	s15 =	smul.u32 $0x27100, s15  }
0x12: {  	s14 =	sshrl.u32 s14, $0x11  }
0x13: {  	s14 =	sand.u32 $0x3F, s14;
	s11 =	ssub.s32 s11, s15  }
0x14: {  	[tilespmem:s13+$0x810 ss:$0x81] =	vst.msk $0xffff, v2;
	s14 =	smul.u32 $0x4E20, s14;
	s15 =	sshrl.u32 s11, $0x3;
	s11 =	sand.u32 $0x7, s11  }
0x15: {  	[tilespmem:s13+$0x1020 ss:$0x81] =	vst.msk $0xffff, v0;
	s15 =	sadd.s32 s2, s15;
	s11 =	sshll.u32 s11, $0x12  }
0x16: {  	[tilespmem:s13+$0x0 ss:$0x81] =	vst.msk $0xffff, v1;
	s31 =	sadd.s32 s14, s15;
	s11 =	sor.u32 $0x400, s11  }
0x17: {  	[hbm4b:s31+s11] =	stream.strided.scatter [tilespmem:s12], [sflag:$0x2], $0x2000, s8, s11, $0x20;
	[tilespmem:$0x8080] =	vst v63  }
.LBB1_5:
0x18: {  	s13 =	sadd.s32 $0x1000, s9  }
0x19: {  	p2 =	sgt.s32 s13, $0x270FF  }
0x1a: {  	s13 =	smov.u32 @p2 s3;
	p2 =	sne.s32 s10, s7  }
.Ltmp1:
0x1b: {  	p1 =	slt.u32 s10, $0x2;
	(pc) =	sbr.rel @!p2 .LBB1_6-.Ltmp1, $4  }
0x1c: {  	s12 =	simm.s32 @!p1 $0x2  }
0x1d: {  	s14 =	sadd.s32 $0x1, s10;
	_ =	swait.ge @!p1 [sflag:s12], $0x2000  }
0x1e: {  	s11 =	smov.u32 s9;
	p0 =	por !p0, !p0;
	[sflag:s12] =	ssyncset.done @!p1 $0x0  }
0x1f: {  	s10 =	smov.u32 s14;
	s9 =	smov.u32 s13;
	[sflag:s12] =	ssyncadd.s32 @!p1 $0xFFFFE000  }
.LBB1_1:
0x20: {  	p1 =	sge.u32 s10, s6  }
0x21: {  	s12 =	sand.u32 @!p1 $0x1FFFFFF, s9  }
0x22: {  	s13 =	smulhi.u32 @!p1 $0x1A36E2F, s12;
	_ =	sdelay $0x1  }
0x23: {  	s13 =	sshrl.u32 @!p1 s13, $0xA  }
0x24: {  	s13 =	smul.u32 @!p1 $0x27100, s13;
	_ =	sdelay $0x1  }
0x25: {  	s31 =	sadd.s32 $0xFFFFFFFF, s10;
	s14 =	sxor.u32 @!p1 $0xFFFFFFFF, s10;
	s12 =	ssub.s32 @!p1 s12, s13  }
0x26: {  	s15 =	simm.s32 @!p1 $0x80;
	s14 =	sshll.u32 @!p1 s14, $0xD;
	s12 =	sshll.u32 @!p1 s12, $0x4  }
0x27: {  	s13 =	sand.u32 @!p1 $0x2000, s14;
	s14 =	simm.s32 @!p1 $0x40;
	s12 =	sadd.s32 @!p1 s4, s12  }
0x28: {  	[tilespmem:s13], [sflag:$0x1] =	stream.strided.gather @!p1 [hbm4b:s12+s14], $0x2000, s15, s14, $0x38;
	[tilespmem:$0x8080] =	vst v63  }
0x29: {  	p1 =	sge.u32 s31, s6  }
.Ltmp2:
0x2a: {  	_ = 	snop;
	(pc) =	sbr.rel @p1 .LBB1_5-.Ltmp2, $1  }
0x2b: {  	_ =	sdelay $0x3  }
0x2c: {  	s12 =	simm.s32 $0x1  }
0x2d: {  	_ =	swait.ge [sflag:s5], $0x2000;
	s12 =	simm.s32 @!p0 $0x0  }
0x2e: {  	[sflag:s5] =	ssyncset.done $0x0;
	s13 =	sshll.u32 s12, $0xD  }
0x2f: {  	[sflag:s5] =	ssyncadd.s32 $0xFFFFE000;
	s16 =	sor.u32 $0x20, s13  }
0x30: {  	s12 =	smul.u32 $0x8100, s12;
	v3 =	vld [tilespmem:s16+$0x10]  }
0x31: {  	s30 =	sand.u32 $0x1, s10;
	v2 =	vld [tilespmem:s16+$0xFFFFFFF0]  }
0x32: {  	s13 =	smul.u32 $0x8100, s30;
	s12 =	sshrl.u32 s12, $0x2;
	v0 =	vld [tilespmem:s16+$0x0]  }
0x33: {  	v1 =	vld [tilespmem:s16+$0xFFFFFFE0];
	s14 =	sor.u32 $0x4000, s12  }
0x34: {  	s31 =	sshrl.u32 s13, $0x2;
	s13 =	sadd.s32 $0x0, s14  }
0x35: {  	s15 =	simm.s32 $0x4;
	s16 =	sadd.s32 $0x40, s16;
	s12 =	sor.u32 $0x4000, s31;
	[tilespmem:s13+$0x1830 ss:$0x81] =	vst.msk $0xffff, v3  }
.LBB1_3:
0x36: {  	v3 =	vld [tilespmem:s16+$0x10];
	p1 =	sne.s32 s15, $0x1FC;
	[tilespmem:s13+$0x810 ss:$0x81] =	vst.msk $0xffff, v2;
	s17 =	smov.u32 s15;
	s15 =	sadd.s32 $0x4, s15  }
.Ltmp3:
0x37: {  	v2 =	vld [tilespmem:s16+$0xFFFFFFF0];
	[tilespmem:s13+$0x1020 ss:$0x81] =	vst.msk $0xffff, v0;
	(pc) =	sbr.rel @p1 .LBB1_3-.Ltmp3, $4  }
0x38: {  	v0 =	vld [tilespmem:s16+$0x0];
	[tilespmem:s13+$0x0 ss:$0x81] =	vst.msk $0xffff, v1  }
0x39: {  	s13 =	sshra.s32 s17, $0x2;
	v1 =	vld [tilespmem:s16+$0xFFFFFFE0]  }
0x3a: {  	s13 =	sadd.s32 s13, s14  }
0x3b: {  	s16 =	sadd.s32 $0x40, s16;
	[tilespmem:s13+$0x1830 ss:$0x81] =	vst.msk $0xffff, v3  }
.Ltmp4:
0x3c: {  	_ = 	snop;
	(pc) =	sbr.rel .LBB1_4-.Ltmp4, $1  }
0x3d: {  	_ =	sdelay $0x3  }
.LBB1_6:
0x3e: {  	_ =	sfence.sel $0x180000  }
0x3f: {  	s2 =	simm.s32 $0x1;
	[bflag:$0x0] =	sbarrier.arrive $0xFFFF  }
0x40: {  	s31 =	simm.s32 $0x2;
	[sflag:s2] =	ssyncpa.u1 $0x1  }
0x41: {  	[sflag:s31] =	ssyncpa.u1 $0x1  }
0x42: {  	p0 =	sne.s32 s0, $0x0;
	_ =	strace $0x90000056  }
0x43: {  	s0 =	sadd.s32 @!p0 $0x100000, s1;
	[bflag:$0x2] =	sbarrier.arrive $0xFFFF  }
0x44: {  	[sflag:s0] =	ssyncadd.tile.s32 @!p0 $0x1;
	_ =	shalt  }
.Lfunc_end1:
_tile_overlayer_lowered:
.L_overlay_start_2:
0x45: {  	(tag) =	ssettag $0x2  }
0x46: {  	s0 =	rddreg [dreg:$0x0];
	s2 =	stileid.u32  }
0x47: {  	s1 =	rddreg [dreg:$0x1];
	p0 =	sne.s32 s2, $0x0  }
0x48: {  	s3 =	rddreg [dreg:$0x2];
	[bflag:$0x3] =	sbarrier.arrive $0xFFFF;
	s2 =	simm.s32 @!p0 $0x1C01  }
0x49: {  	[timem:s3], [sflag:s2] =	dma.local @!p0 [hbm:s0], s1  }
0x4a: {  	s0 =	simm.s32 @!p0 $0x1  }
0x4b: {  	_ =	swait.ge @!p0 [sflag:s0], s1  }
0x4c: {  	s1 =	ssub.s32 @!p0 $0x0, s1;
	[sflag:s0] =	ssyncset.done @!p0 $0x0  }
0x4d: {  	[sflag:s0] =	ssyncadd.s32 @!p0 s1  }
0x4e: {  	[bflag:$0x3] =	sbarrier.arrive $0xFFFF  }
0x4f: {  	_ =	shalt  }

</sc_bundles>
